<compile_context>
chip_gen: v7x
topology: tpu7x:2x2x1
jax: 0.10.2.dev20260603
libtpu: 0.0.44.dev20260713+nightly
codegen_flags: <defaults>
</compile_context>

<pallas_src>
import functools

import jax
import jax.numpy as jnp
from jax import lax
from jax.experimental import pallas as pl
from jax.experimental.pallas import tpu as pltpu
from jax.experimental.pallas import tpu_sc as plsc

_B, _S, _D = 16, 2048, 32
_K = 8192
_KMIX = 8
_T = _B * _S
_NC, _NS = 2, 16
_NW = _NC * _NS
_TPW = _T // _NW
_CHUNK = 128

_TT = 1024
_KT = 512


def _sc_mesh():
    return plsc.VectorSubcoreMesh(
        core_axis_name="c", subcore_axis_name="s",
        num_cores=_NC, num_subcores=_NS)


def _embed_gather(ids, emb):
    nchunk = _TPW // _CHUNK

    @functools.partial(
        pl.kernel,
        out_type=jax.ShapeDtypeStruct((_T, _D), jnp.float32),
        mesh=_sc_mesh(),
        compiler_params=pltpu.CompilerParams(use_tc_tiling_on_sc=False),
        scratch_types=[
            pltpu.VMEM((_CHUNK,), jnp.int32),
            pltpu.VMEM((_CHUNK, _D), jnp.float32),
            pltpu.SemaphoreType.DMA,
        ],
    )
    def k(ids_hbm, emb_hbm, out_hbm, idx_v, rows_v, sem):
        wid = lax.axis_index("s") * _NC + lax.axis_index("c")
        t0 = wid * _TPW

        def chunk(c, carry):
            off = t0 + c * _CHUNK
            pltpu.sync_copy(ids_hbm.at[pl.ds(off, _CHUNK)], idx_v)
            pltpu.async_copy(emb_hbm.at[idx_v], rows_v, sem).wait()
            pltpu.sync_copy(rows_v, out_hbm.at[pl.ds(off, _CHUNK)])
            return carry

        lax.fori_loop(0, nchunk, chunk, 0)

    return k(ids, emb)


def _tc_argmin(baseh, z2, cbtp, c2p):
    nk = _K // _KT

    def body(base_ref, z2_ref, cb_ref, c2_ref, out_ref):
        ba = base_ref[...]
        zz = z2_ref[...]
        bestv = None
        bestk = None
        for kk in range(nk):
            cb = cb_ref[:, kk * _KT:(kk + 1) * _KT]
            d2 = jnp.dot(ba, cb, preferred_element_type=jnp.float32)
            d = (zz + d2) + c2_ref[:, kk * _KT:(kk + 1) * _KT]
            if kk == 0:
                bestv = d
                bestk = jnp.zeros((_TT, _KT), jnp.int32)
            else:
                upd = d < bestv
                bestv = jnp.where(upd, d, bestv)
                bestk = jnp.where(upd, kk, bestk)
        m = jnp.min(bestv, axis=1, keepdims=True)
        lane = lax.broadcasted_iota(jnp.int32, (_TT, _KT), 1)
        idxfull = lane * nk + bestk
        elig = jnp.where(bestv == m, idxfull, jnp.int32(2**30))
        out_ref[...] = jnp.min(elig, axis=1, keepdims=True)

    return pl.pallas_call(
        body,
        grid=(_T // _TT,),
        in_specs=[
            pl.BlockSpec((_TT, _D), lambda t: (t, 0)),
            pl.BlockSpec((_TT, 1), lambda t: (t, 0)),
            pl.BlockSpec((_D, _K), lambda t: (0, 0)),
            pl.BlockSpec((1, _K), lambda t: (0, 0)),
        ],
        out_specs=pl.BlockSpec((_TT, 1), lambda t: (t, 0)),
        out_shape=jax.ShapeDtypeStruct((_T, 1), jnp.int32),
    )(baseh, z2, cbtp, c2p)


def _mix_gather(qidx, off, codebook):
    tok_per_chunk = _CHUNK // _KMIX
    nchunk = _TPW // tok_per_chunk
    opw = _TPW * _KMIX

    @functools.partial(
        pl.kernel,
        out_type=jax.ShapeDtypeStruct((_T, _D), jnp.float32),
        mesh=_sc_mesh(),
        compiler_params=pltpu.CompilerParams(
            use_tc_tiling_on_sc=False, needs_layout_passes=False),
        scratch_types=[
            pltpu.VMEM((_T,), jnp.int32),
            pltpu.VMEM((opw,), jnp.int32),
            pltpu.VMEM((_CHUNK,), jnp.int32),
            pltpu.VMEM((_CHUNK, _D), jnp.float32),
            pltpu.VMEM((_TPW, _D), jnp.float32),
            pltpu.SemaphoreType.DMA,
        ],
    )
    def k(qidx_hbm, off_hbm, cb_hbm, out_hbm,
          qidx_v, off_v, codes_v, rows_v, out_v, sem):
        wid = lax.axis_index("s") * _NC + lax.axis_index("c")
        pltpu.sync_copy(qidx_hbm, qidx_v)
        pltpu.sync_copy(off_hbm.at[pl.ds(wid * opw, opw)], off_v)

        def chunk(c, carry):
            cbase = c * _CHUNK
            for g in range(_CHUNK // 16):
                off16 = off_v[pl.ds(cbase + g * 16, 16)]
                codes_v[pl.ds(g * 16, 16)] = plsc.load_gather(qidx_v, [off16])
            pltpu.async_copy(cb_hbm.at[codes_v], rows_v, sem).wait()
            for i in range(tok_per_chunk):
                for h in range(_D // 16):
                    acc = rows_v[i * _KMIX, pl.ds(h * 16, 16)]
                    for j in range(1, _KMIX):
                        acc = acc + rows_v[i * _KMIX + j, pl.ds(h * 16, 16)]
                    out_v[c * tok_per_chunk + i, pl.ds(h * 16, 16)] = (
                        acc * (1.0 / _KMIX))
            return carry

        lax.fori_loop(0, nchunk, chunk, 0)
        pltpu.sync_copy(out_v, out_hbm.at[pl.ds(wid * _TPW, _TPW)])

    return k(qidx, off, codebook)


def kernel(input_ids, attention_mask, token_embedding, codebook):
    ids = input_ids.reshape(-1)
    maskf = attention_mask.reshape(-1, 1).astype(jnp.float32)
    base = _embed_gather(ids, token_embedding)
    bm = base * maskf
    z2 = jnp.sum(bm * bm, axis=-1, keepdims=True)
    baseh = bm.astype(jnp.bfloat16)
    cbt2 = (-2.0 * codebook.T).astype(jnp.bfloat16)
    c2 = jnp.sum(codebook * codebook, axis=-1)[None]

    def _perm(a):
        return a.reshape(a.shape[0], _KT, _K // _KT).transpose(0, 2, 1) \
                .reshape(a.shape[0], _K)

    qidx = _tc_argmin(baseh, z2, _perm(cbt2), _perm(c2)).reshape(-1)
    mix = jax.random.randint(jax.random.key(1), (_B, _S, _KMIX), 0, _B)
    off = (mix * _S
           + jnp.arange(_S, dtype=jnp.int32)[None, :, None]).reshape(-1)
    mixed = _mix_gather(qidx, off.astype(jnp.int32), codebook)
    return mixed.reshape(_B, _S, _D)

# --- scband reference (transcript-rebuilt; emitter-appended) ---
"""Pipeline reference for scband-cmdpencoder-45612552683567 (READ-ONLY COPY).

The authoritative reference and input builder live on the scoring server;
editing this copy changes nothing except your own understanding.
"""

import jax, jax.numpy as jnp
import numpy as np

B, S = 16, 2048
VOCAB = 32000
D = 32
K_CODES = 8192
K_MIX = 8


def setup_inputs(seed: int = 0):
    key = jax.random.key(seed)
    k1, k2, k3 = jax.random.split(key, 3)
    input_ids = jax.random.randint(k1, (B, S), 0, VOCAB, dtype=jnp.int32)
    attention_mask = jnp.ones((B, S), dtype=jnp.int32)
    token_embedding = jax.random.normal(k2, (VOCAB, D), dtype=jnp.float32)
    codebook = jax.random.normal(k3, (K_CODES, D), dtype=jnp.float32)
    return {"input_ids": input_ids, "attention_mask": attention_mask,
            "token_embedding": token_embedding, "codebook": codebook}


def reference(input_ids, attention_mask, token_embedding, codebook):
    # base_encoder: token embedding lookup producing last_hidden_state [B, S, D]
    base = jnp.take(token_embedding, input_ids, axis=0)
    base = base * attention_mask[..., None].astype(base.dtype)
    # codebook.quantize: nearest-neighbor index per token (vectorized over the b,s loops)
    z2 = jnp.sum(base * base, axis=-1, keepdims=True)            # [B, S, 1]
    c2 = jnp.sum(codebook * codebook, axis=-1)                   # [K]
    dots = jnp.einsum('bsd,kd->bsk', base, codebook)             # [B, S, K]
    dists = z2 - 2.0 * dots + c2[None, None, :]
    q_idx = jnp.argmin(dists, axis=-1)                           # [B, S] int codes
    # batch-mixing: for each (b, s), average k dequantized codes from random batch rows
    # (np.random.randint(batch_size) replaced by fixed-key jax randomness for determinism)
    mix_idx = jax.random.randint(jax.random.key(1), (B, S, K_MIX), 0, B)  # [B, S, k]
    s_idx = jnp.arange(S)[None, :, None]
    mixed_code_idx = q_idx[mix_idx, s_idx]                       # [B, S, k]
    mixed = jnp.take(codebook, mixed_code_idx, axis=0)           # [B, S, k, D] dequantize
    mixed = jnp.mean(mixed, axis=2)                              # [B, S, D]
    # dp_noise_scale == 0.0 -> no Laplace noise branch
    return mixed

if __name__ == "__main__":
    import jax
    _d = setup_inputs()
    print(jax.jit(kernel)(*tuple(_d.values())))

</pallas_src>

<mosaic_0001>
#map = affine_map<(d0, d1) -> (0)>
#map1 = affine_map<(d0, d1) -> (0, 0)>
module attributes {stable_mosaic.version = 14 : i64} {
  func.func @k(%arg0: i32, %arg1: i32, %arg2: memref<32768xi32, #tpu.memory_space<hbm>>, %arg3: memref<262144xi32, #tpu.memory_space<hbm>>, %arg4: memref<8192x32xf32, #tpu.memory_space<hbm>>, %arg5: memref<32768x32xf32, #tpu.memory_space<hbm>>, %arg6: memref<32768xi32, #tpu.memory_space<vmem>>, %arg7: memref<8192xi32, #tpu.memory_space<vmem>>, %arg8: memref<128xi32, #tpu.memory_space<vmem>>, %arg9: memref<128x32xf32, #tpu.memory_space<vmem>>, %arg10: memref<1024x32xf32, #tpu.memory_space<vmem>>, %arg11: memref<!tpu.dma_semaphore, #tpu.memory_space<semaphore_mem>>) attributes {dimension_semantics = [#tpu.dimension_semantics<core_parallel>, #tpu.dimension_semantics<subcore_parallel>], iteration_bounds = array<i64: 2, 16>, scalar_prefetch = 0 : i64, scratch_operands = 6 : i64, tpu.core_type = #tpu.core_type<sc_vector_subcore>, window_params = [{transform_indices = #map}, {transform_indices = #map}, {transform_indices = #map1}, {transform_indices = #map1}]} {
    %mul3A = arith.constant 2 : i32
    %mul3A_0 = arith.muli %arg1, %mul3A : i32
    %add3A = arith.addi %mul3A_0, %arg0 : i32
    "tpu.region"() ({
      %run_scoped3A = tpu.sem_alloc : memref<!tpu.dma_semaphore, #tpu.memory_space<semaphore_mem>>
      tpu.enqueue_dma source(%arg2 : memref<32768xi32, #tpu.memory_space<hbm>>) target(%arg6 : memref<32768xi32, #tpu.memory_space<vmem>>) target_semaphore(%run_scoped3A : memref<!tpu.dma_semaphore, #tpu.memory_space<semaphore_mem>>)
      tpu.wait_dma2 semaphore(%run_scoped3A : memref<!tpu.dma_semaphore, #tpu.memory_space<semaphore_mem>>) src(%arg2 : memref<32768xi32, #tpu.memory_space<hbm>>) dst(%arg6 : memref<32768xi32, #tpu.memory_space<vmem>>)
      tpu.yield
    }) : () -> ()
    %mul3A_1 = arith.constant 8192 : i32
    %mul3A_2 = arith.muli %add3A, %mul3A_1 : i32
    "tpu.region"() ({
      %run_scoped3A = tpu.sem_alloc : memref<!tpu.dma_semaphore, #tpu.memory_space<semaphore_mem>>
      %dma_start3A = tpu.memref_slice %arg3[%mul3A_2] : memref<262144xi32, #tpu.memory_space<hbm>> -> memref<8192xi32, #tpu.memory_space<hbm>>
      %dma_start3A_10 = tpu.memref_slice %arg3[%mul3A_2] : memref<262144xi32, #tpu.memory_space<hbm>> -> memref<8192xi32, #tpu.memory_space<hbm>>
      tpu.enqueue_dma source(%dma_start3A_10 : memref<8192xi32, #tpu.memory_space<hbm>>) target(%arg7 : memref<8192xi32, #tpu.memory_space<vmem>>) target_semaphore(%run_scoped3A : memref<!tpu.dma_semaphore, #tpu.memory_space<semaphore_mem>>)
      %dma_wait3A = tpu.memref_slice %arg3[%mul3A_2] : memref<262144xi32, #tpu.memory_space<hbm>> -> memref<8192xi32, #tpu.memory_space<hbm>>
      %dma_wait3A_11 = tpu.memref_slice %arg3[%mul3A_2] : memref<262144xi32, #tpu.memory_space<hbm>> -> memref<8192xi32, #tpu.memory_space<hbm>>
      tpu.wait_dma2 semaphore(%run_scoped3A : memref<!tpu.dma_semaphore, #tpu.memory_space<semaphore_mem>>) src(%dma_wait3A_11 : memref<8192xi32, #tpu.memory_space<hbm>>) dst(%arg7 : memref<8192xi32, #tpu.memory_space<vmem>>)
      tpu.yield
    }) : () -> ()
    %scan3A = arith.constant 0 : i32
    %scan3A_3 = arith.constant 0 : i32
    %scan3A_4 = arith.constant 64 : i32
    %scan3A_5 = arith.addi %scan3A_3, %scan3A_4 : i32
    %scan3A_6 = arith.constant 1 : i32
    scf.for %scan3A_10 = %scan3A_3 to %scan3A_5 step %scan3A_6  : i32 {
      %mul3A_11 = arith.constant 128 : i32
      %mul3A_12 = arith.muli %scan3A_10, %mul3A_11 : i32
      %add3A_13 = arith.constant 0 : i32
      %add3A_14 = arith.addi %mul3A_12, %add3A_13 : i32
      %get3A = arith.index_cast %add3A_14 : i32 to index
      %get3A_15 = tpu.vector_load %arg7[%get3A] {strides = array<i32>} : memref<8192xi32, #tpu.memory_space<vmem>>, vector<16xi32>,
      %gather3A = tpu.vector_load_idx %arg6[%get3A_15] : memref<32768xi32, #tpu.memory_space<vmem>>[vector<16xi32>], vector<16xi32>,
      %swap3A = arith.constant 0 : index
      %swap3A_16 = tpu.vector_load %arg8[%swap3A] {strides = array<i32>} : memref<128xi32, #tpu.memory_space<vmem>>, vector<16xi32>,
      tpu.vector_store %arg8[%swap3A], %gather3A {strides = array<i32>} : memref<128xi32, #tpu.memory_space<vmem>>, vector<16xi32>,
      %add3A_17 = arith.constant 16 : i32
      %add3A_18 = arith.addi %mul3A_12, %add3A_17 : i32
      %get3A_19 = arith.index_cast %add3A_18 : i32 to index
      %get3A_20 = tpu.vector_load %arg7[%get3A_19] {strides = array<i32>} : memref<8192xi32, #tpu.memory_space<vmem>>, vector<16xi32>,
      %gather3A_21 = tpu.vector_load_idx %arg6[%get3A_20] : memref<32768xi32, #tpu.memory_space<vmem>>[vector<16xi32>], vector<16xi32>,
      %swap3A_22 = arith.constant 16 : index
      %swap3A_23 = tpu.vector_load %arg8[%swap3A_22] {strides = array<i32>} : memref<128xi32, #tpu.memory_space<vmem>>, vector<16xi32>,
      tpu.vector_store %arg8[%swap3A_22], %gather3A_21 {strides = array<i32>} : memref<128xi32, #tpu.memory_space<vmem>>, vector<16xi32>,
      %add3A_24 = arith.constant 32 : i32
      %add3A_25 = arith.addi %mul3A_12, %add3A_24 : i32
      %get3A_26 = arith.index_cast %add3A_25 : i32 to index
      %get3A_27 = tpu.vector_load %arg7[%get3A_26] {strides = array<i32>} : memref<8192xi32, #tpu.memory_space<vmem>>, vector<16xi32>,
      %gather3A_28 = tpu.vector_load_idx %arg6[%get3A_27] : memref<32768xi32, #tpu.memory_space<vmem>>[vector<16xi32>], vector<16xi32>,
      %swap3A_29 = arith.constant 32 : index
      %swap3A_30 = tpu.vector_load %arg8[%swap3A_29] {strides = array<i32>} : memref<128xi32, #tpu.memory_space<vmem>>, vector<16xi32>,
      tpu.vector_store %arg8[%swap3A_29], %gather3A_28 {strides = array<i32>} : memref<128xi32, #tpu.memory_space<vmem>>, vector<16xi32>,
      %add3A_31 = arith.constant 48 : i32
      %add3A_32 = arith.addi %mul3A_12, %add3A_31 : i32
      %get3A_33 = arith.index_cast %add3A_32 : i32 to index
      %get3A_34 = tpu.vector_load %arg7[%get3A_33] {strides = array<i32>} : memref<8192xi32, #tpu.memory_space<vmem>>, vector<16xi32>,
      %gather3A_35 = tpu.vector_load_idx %arg6[%get3A_34] : memref<32768xi32, #tpu.memory_space<vmem>>[vector<16xi32>], vector<16xi32>,
      %swap3A_36 = arith.constant 48 : index
      %swap3A_37 = tpu.vector_load %arg8[%swap3A_36] {strides = array<i32>} : memref<128xi32, #tpu.memory_space<vmem>>, vector<16xi32>,
      tpu.vector_store %arg8[%swap3A_36], %gather3A_35 {strides = array<i32>} : memref<128xi32, #tpu.memory_space<vmem>>, vector<16xi32>,
      %add3A_38 = arith.constant 64 : i32
      %add3A_39 = arith.addi %mul3A_12, %add3A_38 : i32
      %get3A_40 = arith.index_cast %add3A_39 : i32 to index
      %get3A_41 = tpu.vector_load %arg7[%get3A_40] {strides = array<i32>} : memref<8192xi32, #tpu.memory_space<vmem>>, vector<16xi32>,
      %gather3A_42 = tpu.vector_load_idx %arg6[%get3A_41] : memref<32768xi32, #tpu.memory_space<vmem>>[vector<16xi32>], vector<16xi32>,
      %swap3A_43 = arith.constant 64 : index
      %swap3A_44 = tpu.vector_load %arg8[%swap3A_43] {strides = array<i32>} : memref<128xi32, #tpu.memory_space<vmem>>, vector<16xi32>,
      tpu.vector_store %arg8[%swap3A_43], %gather3A_42 {strides = array<i32>} : memref<128xi32, #tpu.memory_space<vmem>>, vector<16xi32>,
      %add3A_45 = arith.constant 80 : i32
      %add3A_46 = arith.addi %mul3A_12, %add3A_45 : i32
      %get3A_47 = arith.index_cast %add3A_46 : i32 to index
      %get3A_48 = tpu.vector_load %arg7[%get3A_47] {strides = array<i32>} : memref<8192xi32, #tpu.memory_space<vmem>>, vector<16xi32>,
      %gather3A_49 = tpu.vector_load_idx %arg6[%get3A_48] : memref<32768xi32, #tpu.memory_space<vmem>>[vector<16xi32>], vector<16xi32>,
      %swap3A_50 = arith.constant 80 : index
      %swap3A_51 = tpu.vector_load %arg8[%swap3A_50] {strides = array<i32>} : memref<128xi32, #tpu.memory_space<vmem>>, vector<16xi32>,
      tpu.vector_store %arg8[%swap3A_50], %gather3A_49 {strides = array<i32>} : memref<128xi32, #tpu.memory_space<vmem>>, vector<16xi32>,
      %add3A_52 = arith.constant 96 : i32
      %add3A_53 = arith.addi %mul3A_12, %add3A_52 : i32
      %get3A_54 = arith.index_cast %add3A_53 : i32 to index
      %get3A_55 = tpu.vector_load %arg7[%get3A_54] {strides = array<i32>} : memref<8192xi32, #tpu.memory_space<vmem>>, vector<16xi32>,
      %gather3A_56 = tpu.vector_load_idx %arg6[%get3A_55] : memref<32768xi32, #tpu.memory_space<vmem>>[vector<16xi32>], vector<16xi32>,
      %swap3A_57 = arith.constant 96 : index
      %swap3A_58 = tpu.vector_load %arg8[%swap3A_57] {strides = array<i32>} : memref<128xi32, #tpu.memory_space<vmem>>, vector<16xi32>,
      tpu.vector_store %arg8[%swap3A_57], %gather3A_56 {strides = array<i32>} : memref<128xi32, #tpu.memory_space<vmem>>, vector<16xi32>,
      %add3A_59 = arith.constant 112 : i32
      %add3A_60 = arith.addi %mul3A_12, %add3A_59 : i32
      %get3A_61 = arith.index_cast %add3A_60 : i32 to index
      %get3A_62 = tpu.vector_load %arg7[%get3A_61] {strides = array<i32>} : memref<8192xi32, #tpu.memory_space<vmem>>, vector<16xi32>,
      %gather3A_63 = tpu.vector_load_idx %arg6[%get3A_62] : memref<32768xi32, #tpu.memory_space<vmem>>[vector<16xi32>], vector<16xi32>,
      %swap3A_64 = arith.constant 112 : index
      %swap3A_65 = tpu.vector_load %arg8[%swap3A_64] {strides = array<i32>} : memref<128xi32, #tpu.memory_space<vmem>>, vector<16xi32>,
      tpu.vector_store %arg8[%swap3A_64], %gather3A_63 {strides = array<i32>} : memref<128xi32, #tpu.memory_space<vmem>>, vector<16xi32>,
      %dma_start3A = arith.constant 0 : i32
      %dma_start3A_66 = arith.constant 0 : i32
      %dma_start3A_67 = tpu.memref_slice %arg4[%dma_start3A, %dma_start3A_66] : memref<8192x32xf32, #tpu.memory_space<hbm>> -> memref<8192x32xf32, #tpu.memory_space<hbm>>
      tpu.enqueue_indirect_dma source(%dma_start3A_67 : memref<8192x32xf32, #tpu.memory_space<hbm>>) target(%arg9 : memref<128x32xf32, #tpu.memory_space<vmem>>) offsets(%arg8 : memref<128xi32, #tpu.memory_space<vmem>>) semaphore(%arg11 : memref<!tpu.dma_semaphore, #tpu.memory_space<semaphore_mem>>)
      %dma_wait3A = arith.constant 0 : i32
      %dma_wait3A_68 = arith.constant 0 : i32
      %dma_wait3A_69 = tpu.memref_slice %arg4[%dma_wait3A, %dma_wait3A_68] : memref<8192x32xf32, #tpu.memory_space<hbm>> -> memref<8192x32xf32, #tpu.memory_space<hbm>>
      tpu.wait_indirect_dma semaphore(%arg11 : memref<!tpu.dma_semaphore, #tpu.memory_space<semaphore_mem>>) src(%dma_wait3A_69 : memref<8192x32xf32, #tpu.memory_space<hbm>>) dst(%arg9 : memref<128x32xf32, #tpu.memory_space<vmem>>)
      %get3A_70 = arith.constant 0 : i32
      %get3A_71 = arith.index_cast %get3A_70 : i32 to index
      %get3A_72 = arith.constant 0 : index
      %get3A_73 = tpu.vector_load %arg9[%get3A_71, %get3A_72] {strides = array<i32>} : memref<128x32xf32, #tpu.memory_space<vmem>>, vector<16xf32>,
      %get3A_74 = arith.constant 1 : i32
      %get3A_75 = arith.index_cast %get3A_74 : i32 to index
      %get3A_76 = arith.constant 0 : index
      %get3A_77 = tpu.vector_load %arg9[%get3A_75, %get3A_76] {strides = array<i32>} : memref<128x32xf32, #tpu.memory_space<vmem>>, vector<16xf32>,
      %add3A_78 = arith.addf %get3A_73, %get3A_77 : vector<16xf32>
      %get3A_79 = arith.constant 2 : i32
      %get3A_80 = arith.index_cast %get3A_79 : i32 to index
      %get3A_81 = arith.constant 0 : index
      %get3A_82 = tpu.vector_load %arg9[%get3A_80, %get3A_81] {strides = array<i32>} : memref<128x32xf32, #tpu.memory_space<vmem>>, vector<16xf32>,
      %add3A_83 = arith.addf %add3A_78, %get3A_82 : vector<16xf32>
      %get3A_84 = arith.constant 3 : i32
      %get3A_85 = arith.index_cast %get3A_84 : i32 to index
      %get3A_86 = arith.constant 0 : index
      %get3A_87 = tpu.vector_load %arg9[%get3A_85, %get3A_86] {strides = array<i32>} : memref<128x32xf32, #tpu.memory_space<vmem>>, vector<16xf32>,
      %add3A_88 = arith.addf %add3A_83, %get3A_87 : vector<16xf32>
      %get3A_89 = arith.constant 4 : i32
      %get3A_90 = arith.index_cast %get3A_89 : i32 to index
      %get3A_91 = arith.constant 0 : index
      %get3A_92 = tpu.vector_load %arg9[%get3A_90, %get3A_91] {strides = array<i32>} : memref<128x32xf32, #tpu.memory_space<vmem>>, vector<16xf32>,
      %add3A_93 = arith.addf %add3A_88, %get3A_92 : vector<16xf32>
      %get3A_94 = arith.constant 5 : i32
      %get3A_95 = arith.index_cast %get3A_94 : i32 to index
      %get3A_96 = arith.constant 0 : index
      %get3A_97 = tpu.vector_load %arg9[%get3A_95, %get3A_96] {strides = array<i32>} : memref<128x32xf32, #tpu.memory_space<vmem>>, vector<16xf32>,
      %add3A_98 = arith.addf %add3A_93, %get3A_97 : vector<16xf32>
      %get3A_99 = arith.constant 6 : i32
      %get3A_100 = arith.index_cast %get3A_99 : i32 to index
      %get3A_101 = arith.constant 0 : index
      %get3A_102 = tpu.vector_load %arg9[%get3A_100, %get3A_101] {strides = array<i32>} : memref<128x32xf32, #tpu.memory_space<vmem>>, vector<16xf32>,
      %add3A_103 = arith.addf %add3A_98, %get3A_102 : vector<16xf32>
      %get3A_104 = arith.constant 7 : i32
      %get3A_105 = arith.index_cast %get3A_104 : i32 to index
      %get3A_106 = arith.constant 0 : index
      %get3A_107 = tpu.vector_load %arg9[%get3A_105, %get3A_106] {strides = array<i32>} : memref<128x32xf32, #tpu.memory_space<vmem>>, vector<16xf32>,
      %add3A_108 = arith.addf %add3A_103, %get3A_107 : vector<16xf32>
      %mul3A_109 = arith.constant 1.250000e-01 : f32
      %mul3A_110 = vector.broadcast %mul3A_109 : f32 to vector<16xf32>
      %mul3A_111 = arith.mulf %add3A_108, %mul3A_110 : vector<16xf32>
      %mul3A_112 = arith.constant 16 : i32
      %mul3A_113 = arith.muli %scan3A_10, %mul3A_112 : i32
      %add3A_114 = arith.constant 0 : i32
      %add3A_115 = arith.addi %mul3A_113, %add3A_114 : i32
      %swap3A_116 = arith.index_cast %add3A_115 : i32 to index
      %swap3A_117 = arith.constant 0 : index
      %swap3A_118 = tpu.vector_load %arg10[%swap3A_116, %swap3A_117] {strides = array<i32>} : memref<1024x32xf32, #tpu.memory_space<vmem>>, vector<16xf32>,
      tpu.vector_store %arg10[%swap3A_116, %swap3A_117], %mul3A_111 {strides = array<i32>} : memref<1024x32xf32, #tpu.memory_space<vmem>>, vector<16xf32>,
      %get3A_119 = arith.constant 0 : i32
      %get3A_120 = arith.index_cast %get3A_119 : i32 to index
      %get3A_121 = arith.constant 16 : index
      %get3A_122 = tpu.vector_load %arg9[%get3A_120, %get3A_121] {strides = array<i32>} : memref<128x32xf32, #tpu.memory_space<vmem>>, vector<16xf32>,
      %get3A_123 = arith.constant 1 : i32
      %get3A_124 = arith.index_cast %get3A_123 : i32 to index
      %get3A_125 = arith.constant 16 : index
      %get3A_126 = tpu.vector_load %arg9[%get3A_124, %get3A_125] {strides = array<i32>} : memref<128x32xf32, #tpu.memory_space<vmem>>, vector<16xf32>,
      %add3A_127 = arith.addf %get3A_122, %get3A_126 : vector<16xf32>
      %get3A_128 = arith.constant 2 : i32
      %get3A_129 = arith.index_cast %get3A_128 : i32 to index
      %get3A_130 = arith.constant 16 : index
      %get3A_131 = tpu.vector_load %arg9[%get3A_129, %get3A_130] {strides = array<i32>} : memref<128x32xf32, #tpu.memory_space<vmem>>, vector<16xf32>,
      %add3A_132 = arith.addf %add3A_127, %get3A_131 : vector<16xf32>
      %get3A_133 = arith.constant 3 : i32
      %get3A_134 = arith.index_cast %get3A_133 : i32 to index
      %get3A_135 = arith.constant 16 : index
      %get3A_136 = tpu.vector_load %arg9[%get3A_134, %get3A_135] {strides = array<i32>} : memref<128x32xf32, #tpu.memory_space<vmem>>, vector<16xf32>,
      %add3A_137 = arith.addf %add3A_132, %get3A_136 : vector<16xf32>
      %get3A_138 = arith.constant 4 : i32
      %get3A_139 = arith.index_cast %get3A_138 : i32 to index
      %get3A_140 = arith.constant 16 : index
      %get3A_141 = tpu.vector_load %arg9[%get3A_139, %get3A_140] {strides = array<i32>} : memref<128x32xf32, #tpu.memory_space<vmem>>, vector<16xf32>,
      %add3A_142 = arith.addf %add3A_137, %get3A_141 : vector<16xf32>
      %get3A_143 = arith.constant 5 : i32
      %get3A_144 = arith.index_cast %get3A_143 : i32 to index
      %get3A_145 = arith.constant 16 : index
      %get3A_146 = tpu.vector_load %arg9[%get3A_144, %get3A_145] {strides = array<i32>} : memref<128x32xf32, #tpu.memory_space<vmem>>, vector<16xf32>,
      %add3A_147 = arith.addf %add3A_142, %get3A_146 : vector<16xf32>
      %get3A_148 = arith.constant 6 : i32
      %get3A_149 = arith.index_cast %get3A_148 : i32 to index
      %get3A_150 = arith.constant 16 : index
      %get3A_151 = tpu.vector_load %arg9[%get3A_149, %get3A_150] {strides = array<i32>} : memref<128x32xf32, #tpu.memory_space<vmem>>, vector<16xf32>,
      %add3A_152 = arith.addf %add3A_147, %get3A_151 : vector<16xf32>
      %get3A_153 = arith.constant 7 : i32
      %get3A_154 = arith.index_cast %get3A_153 : i32 to index
      %get3A_155 = arith.constant 16 : index
      %get3A_156 = tpu.vector_load %arg9[%get3A_154, %get3A_155] {strides = array<i32>} : memref<128x32xf32, #tpu.memory_space<vmem>>, vector<16xf32>,
      %add3A_157 = arith.addf %add3A_152, %get3A_156 : vector<16xf32>
      %mul3A_158 = arith.constant 1.250000e-01 : f32
      %mul3A_159 = vector.broadcast %mul3A_158 : f32 to vector<16xf32>
      %mul3A_160 = arith.mulf %add3A_157, %mul3A_159 : vector<16xf32>
      %mul3A_161 = arith.constant 16 : i32
      %mul3A_162 = arith.muli %scan3A_10, %mul3A_161 : i32
      %add3A_163 = arith.constant 0 : i32
      %add3A_164 = arith.addi %mul3A_162, %add3A_163 : i32
      %swap3A_165 = arith.index_cast %add3A_164 : i32 to index
      %swap3A_166 = arith.constant 16 : index
      %swap3A_167 = tpu.vector_load %arg10[%swap3A_165, %swap3A_166] {strides = array<i32>} : memref<1024x32xf32, #tpu.memory_space<vmem>>, vector<16xf32>,
      tpu.vector_store %arg10[%swap3A_165, %swap3A_166], %mul3A_160 {strides = array<i32>} : memref<1024x32xf32, #tpu.memory_space<vmem>>, vector<16xf32>,
      %get3A_168 = arith.constant 8 : i32
      %get3A_169 = arith.index_cast %get3A_168 : i32 to index
      %get3A_170 = arith.constant 0 : index
      %get3A_171 = tpu.vector_load %arg9[%get3A_169, %get3A_170] {strides = array<i32>} : memref<128x32xf32, #tpu.memory_space<vmem>>, vector<16xf32>,
      %get3A_172 = arith.constant 9 : i32
      %get3A_173 = arith.index_cast %get3A_172 : i32 to index
      %get3A_174 = arith.constant 0 : index
      %get3A_175 = tpu.vector_load %arg9[%get3A_173, %get3A_174] {strides = array<i32>} : memref<128x32xf32, #tpu.memory_space<vmem>>, vector<16xf32>,
      %add3A_176 = arith.addf %get3A_171, %get3A_175 : vector<16xf32>
      %get3A_177 = arith.constant 10 : i32
      %get3A_178 = arith.index_cast %get3A_177 : i32 to index
      %get3A_179 = arith.constant 0 : index
      %get3A_180 = tpu.vector_load %arg9[%get3A_178, %get3A_179] {strides = array<i32>} : memref<128x32xf32, #tpu.memory_space<vmem>>, vector<16xf32>,
      %add3A_181 = arith.addf %add3A_176, %get3A_180 : vector<16xf32>
      %get3A_182 = arith.constant 11 : i32
      %get3A_183 = arith.index_cast %get3A_182 : i32 to index
      %get3A_184 = arith.constant 0 : index
      %get3A_185 = tpu.vector_load %arg9[%get3A_183, %get3A_184] {strides = array<i32>} : memref<128x32xf32, #tpu.memory_space<vmem>>, vector<16xf32>,
      %add3A_186 = arith.addf %add3A_181, %get3A_185 : vector<16xf32>
      %get3A_187 = arith.constant 12 : i32
      %get3A_188 = arith.index_cast %get3A_187 : i32 to index
      %get3A_189 = arith.constant 0 : index
      %get3A_190 = tpu.vector_load %arg9[%get3A_188, %get3A_189] {strides = array<i32>} : memref<128x32xf32, #tpu.memory_space<vmem>>, vector<16xf32>,
      %add3A_191 = arith.addf %add3A_186, %get3A_190 : vector<16xf32>
      %get3A_192 = arith.constant 13 : i32
      %get3A_193 = arith.index_cast %get3A_192 : i32 to index
      %get3A_194 = arith.constant 0 : index
      %get3A_195 = tpu.vector_load %arg9[%get3A_193, %get3A_194] {strides = array<i32>} : memref<128x32xf32, #tpu.memory_space<vmem>>, vector<16xf32>,
      %add3A_196 = arith.addf %add3A_191, %get3A_195 : vector<16xf32>
      %get3A_197 = arith.constant 14 : i32
      %get3A_198 = arith.index_cast %get3A_197 : i32 to index
      %get3A_199 = arith.constant 0 : index
      %get3A_200 = tpu.vector_load %arg9[%get3A_198, %get3A_199] {strides = array<i32>} : memref<128x32xf32, #tpu.memory_space<vmem>>, vector<16xf32>,
      %add3A_201 = arith.addf %add3A_196, %get3A_200 : vector<16xf32>
      %get3A_202 = arith.constant 15 : i32
      %get3A_203 = arith.index_cast %get3A_202 : i32 to index
      %get3A_204 = arith.constant 0 : index
      %get3A_205 = tpu.vector_load %arg9[%get3A_203, %get3A_204] {strides = array<i32>} : memref<128x32xf32, #tpu.memory_space<vmem>>, vector<16xf32>,
      %add3A_206 = arith.addf %add3A_201, %get3A_205 : vector<16xf32>
      %mul3A_207 = arith.constant 1.250000e-01 : f32
      %mul3A_208 = vector.broadcast %mul3A_207 : f32 to vector<16xf32>
      %mul3A_209 = arith.mulf %add3A_206, %mul3A_208 : vector<16xf32>
      %mul3A_210 = arith.constant 16 : i32
      %mul3A_211 = arith.muli %scan3A_10, %mul3A_210 : i32
      %add3A_212 = arith.constant 1 : i32
      %add3A_213 = arith.addi %mul3A_211, %add3A_212 : i32
      %swap3A_214 = arith.index_cast %add3A_213 : i32 to index
      %swap3A_215 = arith.constant 0 : index
      %swap3A_216 = tpu.vector_load %arg10[%swap3A_214, %swap3A_215] {strides = array<i32>} : memref<1024x32xf32, #tpu.memory_space<vmem>>, vector<16xf32>,
      tpu.vector_store %arg10[%swap3A_214, %swap3A_215], %mul3A_209 {strides = array<i32>} : memref<1024x32xf32, #tpu.memory_space<vmem>>, vector<16xf32>,
      %get3A_217 = arith.constant 8 : i32
      %get3A_218 = arith.index_cast %get3A_217 : i32 to index
      %get3A_219 = arith.constant 16 : index
      %get3A_220 = tpu.vector_load %arg9[%get3A_218, %get3A_219] {strides = array<i32>} : memref<128x32xf32, #tpu.memory_space<vmem>>, vector<16xf32>,
      %get3A_221 = arith.constant 9 : i32
      %get3A_222 = arith.index_cast %get3A_221 : i32 to index
      %get3A_223 = arith.constant 16 : index
      %get3A_224 = tpu.vector_load %arg9[%get3A_222, %get3A_223] {strides = array<i32>} : memref<128x32xf32, #tpu.memory_space<vmem>>, vector<16xf32>,
      %add3A_225 = arith.addf %get3A_220, %get3A_224 : vector<16xf32>
      %get3A_226 = arith.constant 10 : i32
      %get3A_227 = arith.index_cast %get3A_226 : i32 to index
      %get3A_228 = arith.constant 16 : index
      %get3A_229 = tpu.vector_load %arg9[%get3A_227, %get3A_228] {strides = array<i32>} : memref<128x32xf32, #tpu.memory_space<vmem>>, vector<16xf32>,
      %add3A_230 = arith.addf %add3A_225, %get3A_229 : vector<16xf32>
      %get3A_231 = arith.constant 11 : i32
      %get3A_232 = arith.index_cast %get3A_231 : i32 to index
      %get3A_233 = arith.constant 16 : index
      %get3A_234 = tpu.vector_load %arg9[%get3A_232, %get3A_233] {strides = array<i32>} : memref<128x32xf32, #tpu.memory_space<vmem>>, vector<16xf32>,
      %add3A_235 = arith.addf %add3A_230, %get3A_234 : vector<16xf32>
      %get3A_236 = arith.constant 12 : i32
      %get3A_237 = arith.index_cast %get3A_236 : i32 to index
      %get3A_238 = arith.constant 16 : index
      %get3A_239 = tpu.vector_load %arg9[%get3A_237, %get3A_238] {strides = array<i32>} : memref<128x32xf32, #tpu.memory_space<vmem>>, vector<16xf32>,
      %add3A_240 = arith.addf %add3A_235, %get3A_239 : vector<16xf32>
      %get3A_241 = arith.constant 13 : i32
      %get3A_242 = arith.index_cast %get3A_241 : i32 to index
      %get3A_243 = arith.constant 16 : index
      %get3A_244 = tpu.vector_load %arg9[%get3A_242, %get3A_243] {strides = array<i32>} : memref<128x32xf32, #tpu.memory_space<vmem>>, vector<16xf32>,
      %add3A_245 = arith.addf %add3A_240, %get3A_244 : vector<16xf32>
      %get3A_246 = arith.constant 14 : i32
      %get3A_247 = arith.index_cast %get3A_246 : i32 to index
      %get3A_248 = arith.constant 16 : index
      %get3A_249 = tpu.vector_load %arg9[%get3A_247, %get3A_248] {strides = array<i32>} : memref<128x32xf32, #tpu.memory_space<vmem>>, vector<16xf32>,
      %add3A_250 = arith.addf %add3A_245, %get3A_249 : vector<16xf32>
      %get3A_251 = arith.constant 15 : i32
      %get3A_252 = arith.index_cast %get3A_251 : i32 to index
      %get3A_253 = arith.constant 16 : index
      %get3A_254 = tpu.vector_load %arg9[%get3A_252, %get3A_253] {strides = array<i32>} : memref<128x32xf32, #tpu.memory_space<vmem>>, vector<16xf32>,
      %add3A_255 = arith.addf %add3A_250, %get3A_254 : vector<16xf32>
      %mul3A_256 = arith.constant 1.250000e-01 : f32
      %mul3A_257 = vector.broadcast %mul3A_256 : f32 to vector<16xf32>
      %mul3A_258 = arith.mulf %add3A_255, %mul3A_257 : vector<16xf32>
      %mul3A_259 = arith.constant 16 : i32
      %mul3A_260 = arith.muli %scan3A_10, %mul3A_259 : i32
      %add3A_261 = arith.constant 1 : i32
      %add3A_262 = arith.addi %mul3A_260, %add3A_261 : i32
      %swap3A_263 = arith.index_cast %add3A_262 : i32 to index
      %swap3A_264 = arith.constant 16 : index
      %swap3A_265 = tpu.vector_load %arg10[%swap3A_263, %swap3A_264] {strides = array<i32>} : memref<1024x32xf32, #tpu.memory_space<vmem>>, vector<16xf32>,
      tpu.vector_store %arg10[%swap3A_263, %swap3A_264], %mul3A_258 {strides = array<i32>} : memref<1024x32xf32, #tpu.memory_space<vmem>>, vector<16xf32>,
      %get3A_266 = arith.constant 16 : i32
      %get3A_267 = arith.index_cast %get3A_266 : i32 to index
      %get3A_268 = arith.constant 0 : index
      %get3A_269 = tpu.vector_load %arg9[%get3A_267, %get3A_268] {strides = array<i32>} : memref<128x32xf32, #tpu.memory_space<vmem>>, vector<16xf32>,
      %get3A_270 = arith.constant 17 : i32
      %get3A_271 = arith.index_cast %get3A_270 : i32 to index
      %get3A_272 = arith.constant 0 : index
      %get3A_273 = tpu.vector_load %arg9[%get3A_271, %get3A_272] {strides = array<i32>} : memref<128x32xf32, #tpu.memory_space<vmem>>, vector<16xf32>,
      %add3A_274 = arith.addf %get3A_269, %get3A_273 : vector<16xf32>
      %get3A_275 = arith.constant 18 : i32
      %get3A_276 = arith.index_cast %get3A_275 : i32 to index
      %get3A_277 = arith.constant 0 : index
      %get3A_278 = tpu.vector_load %arg9[%get3A_276, %get3A_277] {strides = array<i32>} : memref<128x32xf32, #tpu.memory_space<vmem>>, vector<16xf32>,
      %add3A_279 = arith.addf %add3A_274, %get3A_278 : vector<16xf32>
      %get3A_280 = arith.constant 19 : i32
      %get3A_281 = arith.index_cast %get3A_280 : i32 to index
      %get3A_282 = arith.constant 0 : index
      %get3A_283 = tpu.vector_load %arg9[%get3A_281, %get3A_282] {strides = array<i32>} : memref<128x32xf32, #tpu.memory_space<vmem>>, vector<16xf32>,
      %add3A_284 = arith.addf %add3A_279, %get3A_283 : vector<16xf32>
      %get3A_285 = arith.constant 20 : i32
      %get3A_286 = arith.index_cast %get3A_285 : i32 to index
      %get3A_287 = arith.constant 0 : index
      %get3A_288 = tpu.vector_load %arg9[%get3A_286, %get3A_287] {strides = array<i32>} : memref<128x32xf32, #tpu.memory_space<vmem>>, vector<16xf32>,
      %add3A_289 = arith.addf %add3A_284, %get3A_288 : vector<16xf32>
      %get3A_290 = arith.constant 21 : i32
      %get3A_291 = arith.index_cast %get3A_290 : i32 to index
      %get3A_292 = arith.constant 0 : index
      %get3A_293 = tpu.vector_load %arg9[%get3A_291, %get3A_292] {strides = array<i32>} : memref<128x32xf32, #tpu.memory_space<vmem>>, vector<16xf32>,
      %add3A_294 = arith.addf %add3A_289, %get3A_293 : vector<16xf32>
      %get3A_295 = arith.constant 22 : i32
      %get3A_296 = arith.index_cast %get3A_295 : i32 to index
      %get3A_297 = arith.constant 0 : index
      %get3A_298 = tpu.vector_load %arg9[%get3A_296, %get3A_297] {strides = array<i32>} : memref<128x32xf32, #tpu.memory_space<vmem>>, vector<16xf32>,
      %add3A_299 = arith.addf %add3A_294, %get3A_298 : vector<16xf32>
      %get3A_300 = arith.constant 23 : i32
      %get3A_301 = arith.index_cast %get3A_300 : i32 to index
      %get3A_302 = arith.constant 0 : index
      %get3A_303 = tpu.vector_load %arg9[%get3A_301, %get3A_302] {strides = array<i32>} : memref<128x32xf32, #tpu.memory_space<vmem>>, vector<16xf32>,
      %add3A_304 = arith.addf %add3A_299, %get3A_303 : vector<16xf32>
      %mul3A_305 = arith.constant 1.250000e-01 : f32
      %mul3A_306 = vector.broadcast %mul3A_305 : f32 to vector<16xf32>
      %mul3A_307 = arith.mulf %add3A_304, %mul3A_306 : vector<16xf32>
      %mul3A_308 = arith.constant 16 : i32
      %mul3A_309 = arith.muli %scan3A_10, %mul3A_308 : i32
      %add3A_310 = arith.constant 2 : i32
      %add3A_311 = arith.addi %mul3A_309, %add3A_310 : i32
      %swap3A_312 = arith.index_cast %add3A_311 : i32 to index
      %swap3A_313 = arith.constant 0 : index
      %swap3A_314 = tpu.vector_load %arg10[%swap3A_312, %swap3A_313] {strides = array<i32>} : memref<1024x32xf32, #tpu.memory_space<vmem>>, vector<16xf32>,
      tpu.vector_store %arg10[%swap3A_312, %swap3A_313], %mul3A_307 {strides = array<i32>} : memref<1024x32xf32, #tpu.memory_space<vmem>>, vector<16xf32>,
      %get3A_315 = arith.constant 16 : i32
      %get3A_316 = arith.index_cast %get3A_315 : i32 to index
      %get3A_317 = arith.constant 16 : index
      %get3A_318 = tpu.vector_load %arg9[%get3A_316, %get3A_317] {strides = array<i32>} : memref<128x32xf32, #tpu.memory_space<vmem>>, vector<16xf32>,
      %get3A_319 = arith.constant 17 : i32
      %get3A_320 = arith.index_cast %get3A_319 : i32 to index
      %get3A_321 = arith.constant 16 : index
      %get3A_322 = tpu.vector_load %arg9[%get3A_320, %get3A_321] {strides = array<i32>} : memref<128x32xf32, #tpu.memory_space<vmem>>, vector<16xf32>,
      %add3A_323 = arith.addf %get3A_318, %get3A_322 : vector<16xf32>
      %get3A_324 = arith.constant 18 : i32
      %get3A_325 = arith.index_cast %get3A_324 : i32 to index
      %get3A_326 = arith.constant 16 : index
      %get3A_327 = tpu.vector_load %arg9[%get3A_325, %get3A_326] {strides = array<i32>} : memref<128x32xf32, #tpu.memory_space<vmem>>, vector<16xf32>,
      %add3A_328 = arith.addf %add3A_323, %get3A_327 : vector<16xf32>
      %get3A_329 = arith.constant 19 : i32
      %get3A_330 = arith.index_cast %get3A_329 : i32 to index
      %get3A_331 = arith.constant 16 : index
      %get3A_332 = tpu.vector_load %arg9[%get3A_330, %get3A_331] {strides = array<i32>} : memref<128x32xf32, #tpu.memory_space<vmem>>, vector<16xf32>,
      %add3A_333 = arith.addf %add3A_328, %get3A_332 : vector<16xf32>
      %get3A_334 = arith.constant 20 : i32
      %get3A_335 = arith.index_cast %get3A_334 : i32 to index
      %get3A_336 = arith.constant 16 : index
      %get3A_337 = tpu.vector_load %arg9[%get3A_335, %get3A_336] {strides = array<i32>} : memref<128x32xf32, #tpu.memory_space<vmem>>, vector<16xf32>,
      %add3A_338 = arith.addf %add3A_333, %get3A_337 : vector<16xf32>
      %get3A_339 = arith.constant 21 : i32
      %get3A_340 = arith.index_cast %get3A_339 : i32 to index
      %get3A_341 = arith.constant 16 : index
      %get3A_342 = tpu.vector_load %arg9[%get3A_340, %get3A_341] {strides = array<i32>} : memref<128x32xf32, #tpu.memory_space<vmem>>, vector<16xf32>,
      %add3A_343 = arith.addf %add3A_338, %get3A_342 : vector<16xf32>
      %get3A_344 = arith.constant 22 : i32
      %get3A_345 = arith.index_cast %get3A_344 : i32 to index
      %get3A_346 = arith.constant 16 : index
      %get3A_347 = tpu.vector_load %arg9[%get3A_345, %get3A_346] {strides = array<i32>} : memref<128x32xf32, #tpu.memory_space<vmem>>, vector<16xf32>,
      %add3A_348 = arith.addf %add3A_343, %get3A_347 : vector<16xf32>
      %get3A_349 = arith.constant 23 : i32
      %get3A_350 = arith.index_cast %get3A_349 : i32 to index
      %get3A_351 = arith.constant 16 : index
      %get3A_352 = tpu.vector_load %arg9[%get3A_350, %get3A_351] {strides = array<i32>} : memref<128x32xf32, #tpu.memory_space<vmem>>, vector<16xf32>,
      %add3A_353 = arith.addf %add3A_348, %get3A_352 : vector<16xf32>
      %mul3A_354 = arith.constant 1.250000e-01 : f32
      %mul3A_355 = vector.broadcast %mul3A_354 : f32 to vector<16xf32>
      %mul3A_356 = arith.mulf %add3A_353, %mul3A_355 : vector<16xf32>
      %mul3A_357 = arith.constant 16 : i32
      %mul3A_358 = arith.muli %scan3A_10, %mul3A_357 : i32
      %add3A_359 = arith.constant 2 : i32
      %add3A_360 = arith.addi %mul3A_358, %add3A_359 : i32
      %swap3A_361 = arith.index_cast %add3A_360 : i32 to index
      %swap3A_362 = arith.constant 16 : index
      %swap3A_363 = tpu.vector_load %arg10[%swap3A_361, %swap3A_362] {strides = array<i32>} : memref<1024x32xf32, #tpu.memory_space<vmem>>, vector<16xf32>,
      tpu.vector_store %arg10[%swap3A_361, %swap3A_362], %mul3A_356 {strides = array<i32>} : memref<1024x32xf32, #tpu.memory_space<vmem>>, vector<16xf32>,
      %get3A_364 = arith.constant 24 : i32
      %get3A_365 = arith.index_cast %get3A_364 : i32 to index
      %get3A_366 = arith.constant 0 : index
      %get3A_367 = tpu.vector_load %arg9[%get3A_365, %get3A_366] {strides = array<i32>} : memref<128x32xf32, #tpu.memory_space<vmem>>, vector<16xf32>,
      %get3A_368 = arith.constant 25 : i32
      %get3A_369 = arith.index_cast %get3A_368 : i32 to index
      %get3A_370 = arith.constant 0 : index
      %get3A_371 = tpu.vector_load %arg9[%get3A_369, %get3A_370] {strides = array<i32>} : memref<128x32xf32, #tpu.memory_space<vmem>>, vector<16xf32>,
      %add3A_372 = arith.addf %get3A_367, %get3A_371 : vector<16xf32>
      %get3A_373 = arith.constant 26 : i32
      %get3A_374 = arith.index_cast %get3A_373 : i32 to index
      %get3A_375 = arith.constant 0 : index
      %get3A_376 = tpu.vector_load %arg9[%get3A_374, %get3A_375] {strides = array<i32>} : memref<128x32xf32, #tpu.memory_space<vmem>>, vector<16xf32>,
      %add3A_377 = arith.addf %add3A_372, %get3A_376 : vector<16xf32>
      %get3A_378 = arith.constant 27 : i32
      %get3A_379 = arith.index_cast %get3A_378 : i32 to index
      %get3A_380 = arith.constant 0 : index
      %get3A_381 = tpu.vector_load %arg9[%get3A_379, %get3A_380] {strides = array<i32>} : memref<128x32xf32, #tpu.memory_space<vmem>>, vector<16xf32>,
      %add3A_382 = arith.addf %add3A_377, %get3A_381 : vector<16xf32>
      %get3A_383 = arith.constant 28 : i32
      %get3A_384 = arith.index_cast %get3A_383 : i32 to index
      %get3A_385 = arith.constant 0 : index
      %get3A_386 = tpu.vector_load %arg9[%get3A_384, %get3A_385] {strides = array<i32>} : memref<128x32xf32, #tpu.memory_space<vmem>>, vector<16xf32>,
      %add3A_387 = arith.addf %add3A_382, %get3A_386 : vector<16xf32>
      %get3A_388 = arith.constant 29 : i32
      %get3A_389 = arith.index_cast %get3A_388 : i32 to index
      %get3A_390 = arith.constant 0 : index
      %get3A_391 = tpu.vector_load %arg9[%get3A_389, %get3A_390] {strides = array<i32>} : memref<128x32xf32, #tpu.memory_space<vmem>>, vector<16xf32>,
      %add3A_392 = arith.addf %add3A_387, %get3A_391 : vector<16xf32>
      %get3A_393 = arith.constant 30 : i32
      %get3A_394 = arith.index_cast %get3A_393 : i32 to index
      %get3A_395 = arith.constant 0 : index
      %get3A_396 = tpu.vector_load %arg9[%get3A_394, %get3A_395] {strides = array<i32>} : memref<128x32xf32, #tpu.memory_space<vmem>>, vector<16xf32>,
      %add3A_397 = arith.addf %add3A_392, %get3A_396 : vector<16xf32>
      %get3A_398 = arith.constant 31 : i32
      %get3A_399 = arith.index_cast %get3A_398 : i32 to index
      %get3A_400 = arith.constant 0 : index
      %get3A_401 = tpu.vector_load %arg9[%get3A_399, %get3A_400] {strides = array<i32>} : memref<128x32xf32, #tpu.memory_space<vmem>>, vector<16xf32>,
      %add3A_402 = arith.addf %add3A_397, %get3A_401 : vector<16xf32>
      %mul3A_403 = arith.constant 1.250000e-01 : f32
      %mul3A_404 = vector.broadcast %mul3A_403 : f32 to vector<16xf32>
      %mul3A_405 = arith.mulf %add3A_402, %mul3A_404 : vector<16xf32>
      %mul3A_406 = arith.constant 16 : i32
      %mul3A_407 = arith.muli %scan3A_10, %mul3A_406 : i32
      %add3A_408 = arith.constant 3 : i32
      %add3A_409 = arith.addi %mul3A_407, %add3A_408 : i32
      %swap3A_410 = arith.index_cast %add3A_409 : i32 to index
      %swap3A_411 = arith.constant 0 : index
      %swap3A_412 = tpu.vector_load %arg10[%swap3A_410, %swap3A_411] {strides = array<i32>} : memref<1024x32xf32, #tpu.memory_space<vmem>>, vector<16xf32>,
      tpu.vector_store %arg10[%swap3A_410, %swap3A_411], %mul3A_405 {strides = array<i32>} : memref<1024x32xf32, #tpu.memory_space<vmem>>, vector<16xf32>,
      %get3A_413 = arith.constant 24 : i32
      %get3A_414 = arith.index_cast %get3A_413 : i32 to index
      %get3A_415 = arith.constant 16 : index
      %get3A_416 = tpu.vector_load %arg9[%get3A_414, %get3A_415] {strides = array<i32>} : memref<128x32xf32, #tpu.memory_space<vmem>>, vector<16xf32>,
      %get3A_417 = arith.constant 25 : i32
      %get3A_418 = arith.index_cast %get3A_417 : i32 to index
      %get3A_419 = arith.constant 16 : index
      %get3A_420 = tpu.vector_load %arg9[%get3A_418, %get3A_419] {strides = array<i32>} : memref<128x32xf32, #tpu.memory_space<vmem>>, vector<16xf32>,
      %add3A_421 = arith.addf %get3A_416, %get3A_420 : vector<16xf32>
      %get3A_422 = arith.constant 26 : i32
      %get3A_423 = arith.index_cast %get3A_422 : i32 to index
      %get3A_424 = arith.constant 16 : index
      %get3A_425 = tpu.vector_load %arg9[%get3A_423, %get3A_424] {strides = array<i32>} : memref<128x32xf32, #tpu.memory_space<vmem>>, vector<16xf32>,
      %add3A_426 = arith.addf %add3A_421, %get3A_425 : vector<16xf32>
      %get3A_427 = arith.constant 27 : i32
      %get3A_428 = arith.index_cast %get3A_427 : i32 to index
      %get3A_429 = arith.constant 16 : index
      %get3A_430 = tpu.vector_load %arg9[%get3A_428, %get3A_429] {strides = array<i32>} : memref<128x32xf32, #tpu.memory_space<vmem>>, vector<16xf32>,
      %add3A_431 = arith.addf %add3A_426, %get3A_430 : vector<16xf32>
      %get3A_432 = arith.constant 28 : i32
      %get3A_433 = arith.index_cast %get3A_432 : i32 to index
      %get3A_434 = arith.constant 16 : index
      %get3A_435 = tpu.vector_load %arg9[%get3A_433, %get3A_434] {strides = array<i32>} : memref<128x32xf32, #tpu.memory_space<vmem>>, vector<16xf32>,
      %add3A_436 = arith.addf %add3A_431, %get3A_435 : vector<16xf32>
      %get3A_437 = arith.constant 29 : i32
      %get3A_438 = arith.index_cast %get3A_437 : i32 to index
      %get3A_439 = arith.constant 16 : index
      %get3A_440 = tpu.vector_load %arg9[%get3A_438, %get3A_439] {strides = array<i32>} : memref<128x32xf32, #tpu.memory_space<vmem>>, vector<16xf32>,
      %add3A_441 = arith.addf %add3A_436, %get3A_440 : vector<16xf32>
      %get3A_442 = arith.constant 30 : i32
      %get3A_443 = arith.index_cast %get3A_442 : i32 to index
      %get3A_444 = arith.constant 16 : index
      %get3A_445 = tpu.vector_load %arg9[%get3A_443, %get3A_444] {strides = array<i32>} : memref<128x32xf32, #tpu.memory_space<vmem>>, vector<16xf32>,
      %add3A_446 = arith.addf %add3A_441, %get3A_445 : vector<16xf32>
      %get3A_447 = arith.constant 31 : i32
      %get3A_448 = arith.index_cast %get3A_447 : i32 to index
      %get3A_449 = arith.constant 16 : index
      %get3A_450 = tpu.vector_load %arg9[%get3A_448, %get3A_449] {strides = array<i32>} : memref<128x32xf32, #tpu.memory_space<vmem>>, vector<16xf32>,
      %add3A_451 = arith.addf %add3A_446, %get3A_450 : vector<16xf32>
      %mul3A_452 = arith.constant 1.250000e-01 : f32
      %mul3A_453 = vector.broadcast %mul3A_452 : f32 to vector<16xf32>
      %mul3A_454 = arith.mulf %add3A_451, %mul3A_453 : vector<16xf32>
      %mul3A_455 = arith.constant 16 : i32
      %mul3A_456 = arith.muli %scan3A_10, %mul3A_455 : i32
      %add3A_457 = arith.constant 3 : i32
      %add3A_458 = arith.addi %mul3A_456, %add3A_457 : i32
      %swap3A_459 = arith.index_cast %add3A_458 : i32 to index
      %swap3A_460 = arith.constant 16 : index
      %swap3A_461 = tpu.vector_load %arg10[%swap3A_459, %swap3A_460] {strides = array<i32>} : memref<1024x32xf32, #tpu.memory_space<vmem>>, vector<16xf32>,
      tpu.vector_store %arg10[%swap3A_459, %swap3A_460], %mul3A_454 {strides = array<i32>} : memref<1024x32xf32, #tpu.memory_space<vmem>>, vector<16xf32>,
      %get3A_462 = arith.constant 32 : i32
      %get3A_463 = arith.index_cast %get3A_462 : i32 to index
      %get3A_464 = arith.constant 0 : index
      %get3A_465 = tpu.vector_load %arg9[%get3A_463, %get3A_464] {strides = array<i32>} : memref<128x32xf32, #tpu.memory_space<vmem>>, vector<16xf32>,
      %get3A_466 = arith.constant 33 : i32
      %get3A_467 = arith.index_cast %get3A_466 : i32 to index
      %get3A_468 = arith.constant 0 : index
      %get3A_469 = tpu.vector_load %arg9[%get3A_467, %get3A_468] {strides = array<i32>} : memref<128x32xf32, #tpu.memory_space<vmem>>, vector<16xf32>,
      %add3A_470 = arith.addf %get3A_465, %get3A_469 : vector<16xf32>
      %get3A_471 = arith.constant 34 : i32
      %get3A_472 = arith.index_cast %get3A_471 : i32 to index
      %get3A_473 = arith.constant 0 : index
      %get3A_474 = tpu.vector_load %arg9[%get3A_472, %get3A_473] {strides = array<i32>} : memref<128x32xf32, #tpu.memory_space<vmem>>, vector<16xf32>,
      %add3A_475 = arith.addf %add3A_470, %get3A_474 : vector<16xf32>
      %get3A_476 = arith.constant 35 : i32
      %get3A_477 = arith.index_cast %get3A_476 : i32 to index
      %get3A_478 = arith.constant 0 : index
      %get3A_479 = tpu.vector_load %arg9[%get3A_477, %get3A_478] {strides = array<i32>} : memref<128x32xf32, #tpu.memory_space<vmem>>, vector<16xf32>,
      %add3A_480 = arith.addf %add3A_475, %get3A_479 : vector<16xf32>
      %get3A_481 = arith.constant 36 : i32
      %get3A_482 = arith.index_cast %get3A_481 : i32 to index
      %get3A_483 = arith.constant 0 : index
      %get3A_484 = tpu.vector_load %arg9[%get3A_482, %get3A_483] {strides = array<i32>} : memref<128x32xf32, #tpu.memory_space<vmem>>, vector<16xf32>,
      %add3A_485 = arith.addf %add3A_480, %get3A_484 : vector<16xf32>
      %get3A_486 = arith.constant 37 : i32
      %get3A_487 = arith.index_cast %get3A_486 : i32 to index
      %get3A_488 = arith.constant 0 : index
      %get3A_489 = tpu.vector_load %arg9[%get3A_487, %get3A_488] {strides = array<i32>} : memref<128x32xf32, #tpu.memory_space<vmem>>, vector<16xf32>,
      %add3A_490 = arith.addf %add3A_485, %get3A_489 : vector<16xf32>
      %get3A_491 = arith.constant 38 : i32
      %get3A_492 = arith.index_cast %get3A_491 : i32 to index
      %get3A_493 = arith.constant 0 : index
      %get3A_494 = tpu.vector_load %arg9[%get3A_492, %get3A_493] {strides = array<i32>} : memref<128x32xf32, #tpu.memory_space<vmem>>, vector<16xf32>,
      %add3A_495 = arith.addf %add3A_490, %get3A_494 : vector<16xf32>
      %get3A_496 = arith.constant 39 : i32
      %get3A_497 = arith.index_cast %get3A_496 : i32 to index
      %get3A_498 = arith.constant 0 : index
      %get3A_499 = tpu.vector_load %arg9[%get3A_497, %get3A_498] {strides = array<i32>} : memref<128x32xf32, #tpu.memory_space<vmem>>, vector<16xf32>,
      %add3A_500 = arith.addf %add3A_495, %get3A_499 : vector<16xf32>
      %mul3A_501 = arith.constant 1.250000e-01 : f32
      %mul3A_502 = vector.broadcast %mul3A_501 : f32 to vector<16xf32>
      %mul3A_503 = arith.mulf %add3A_500, %mul3A_502 : vector<16xf32>
      %mul3A_504 = arith.constant 16 : i32
      %mul3A_505 = arith.muli %scan3A_10, %mul3A_504 : i32
      %add3A_506 = arith.constant 4 : i32
      %add3A_507 = arith.addi %mul3A_505, %add3A_506 : i32
      %swap3A_508 = arith.index_cast %add3A_507 : i32 to index
      %swap3A_509 = arith.constant 0 : index
      %swap3A_510 = tpu.vector_load %arg10[%swap3A_508, %swap3A_509] {strides = array<i32>} : memref<1024x32xf32, #tpu.memory_space<vmem>>, vector<16xf32>,
      tpu.vector_store %arg10[%swap3A_508, %swap3A_509], %mul3A_503 {strides = array<i32>} : memref<1024x32xf32, #tpu.memory_space<vmem>>, vector<16xf32>,
      %get3A_511 = arith.constant 32 : i32
      %get3A_512 = arith.index_cast %get3A_511 : i32 to index
      %get3A_513 = arith.constant 16 : index
      %get3A_514 = tpu.vector_load %arg9[%get3A_512, %get3A_513] {strides = array<i32>} : memref<128x32xf32, #tpu.memory_space<vmem>>, vector<16xf32>,
      %get3A_515 = arith.constant 33 : i32
      %get3A_516 = arith.index_cast %get3A_515 : i32 to index
      %get3A_517 = arith.constant 16 : index
      %get3A_518 = tpu.vector_load %arg9[%get3A_516, %get3A_517] {strides = array<i32>} : memref<128x32xf32, #tpu.memory_space<vmem>>, vector<16xf32>,
      %add3A_519 = arith.addf %get3A_514, %get3A_518 : vector<16xf32>
      %get3A_520 = arith.constant 34 : i32
      %get3A_521 = arith.index_cast %get3A_520 : i32 to index
      %get3A_522 = arith.constant 16 : index
      %get3A_523 = tpu.vector_load %arg9[%get3A_521, %get3A_522] {strides = array<i32>} : memref<128x32xf32, #tpu.memory_space<vmem>>, vector<16xf32>,
      %add3A_524 = arith.addf %add3A_519, %get3A_523 : vector<16xf32>
      %get3A_525 = arith.constant 35 : i32
      %get3A_526 = arith.index_cast %get3A_525 : i32 to index
      %get3A_527 = arith.constant 16 : index
      %get3A_528 = tpu.vector_load %arg9[%get3A_526, %get3A_527] {strides = array<i32>} : memref<128x32xf32, #tpu.memory_space<vmem>>, vector<16xf32>,
      %add3A_529 = arith.addf %add3A_524, %get3A_528 : vector<16xf32>
      %get3A_530 = arith.constant 36 : i32
      %get3A_531 = arith.index_cast %get3A_530 : i32 to index
      %get3A_532 = arith.constant 16 : index
      %get3A_533 = tpu.vector_load %arg9[%get3A_531, %get3A_532] {strides = array<i32>} : memref<128x32xf32, #tpu.memory_space<vmem>>, vector<16xf32>,
      %add3A_534 = arith.addf %add3A_529, %get3A_533 : vector<16xf32>
      %get3A_535 = arith.constant 37 : i32
      %get3A_536 = arith.index_cast %get3A_535 : i32 to index
      %get3A_537 = arith.constant 16 : index
      %get3A_538 = tpu.vector_load %arg9[%get3A_536, %get3A_537] {strides = array<i32>} : memref<128x32xf32, #tpu.memory_space<vmem>>, vector<16xf32>,
      %add3A_539 = arith.addf %add3A_534, %get3A_538 : vector<16xf32>
      %get3A_540 = arith.constant 38 : i32
      %get3A_541 = arith.index_cast %get3A_540 : i32 to index
      %get3A_542 = arith.constant 16 : index
      %get3A_543 = tpu.vector_load %arg9[%get3A_541, %get3A_542] {strides = array<i32>} : memref<128x32xf32, #tpu.memory_space<vmem>>, vector<16xf32>,
      %add3A_544 = arith.addf %add3A_539, %get3A_543 : vector<16xf32>
      %get3A_545 = arith.constant 39 : i32
      %get3A_546 = arith.index_cast %get3A_545 : i32 to index
      %get3A_547 = arith.constant 16 : index
      %get3A_548 = tpu.vector_load %arg9[%get3A_546, %get3A_547] {strides = array<i32>} : memref<128x32xf32, #tpu.memory_space<vmem>>, vector<16xf32>,
      %add3A_549 = arith.addf %add3A_544, %get3A_548 : vector<16xf32>
      %mul3A_550 = arith.constant 1.250000e-01 : f32
      %mul3A_551 = vector.broadcast %mul3A_550 : f32 to vector<16xf32>
      %mul3A_552 = arith.mulf %add3A_549, %mul3A_551 : vector<16xf32>
      %mul3A_553 = arith.constant 16 : i32
      %mul3A_554 = arith.muli %scan3A_10, %mul3A_553 : i32
      %add3A_555 = arith.constant 4 : i32
      %add3A_556 = arith.addi %mul3A_554, %add3A_555 : i32
      %swap3A_557 = arith.index_cast %add3A_556 : i32 to index
      %swap3A_558 = arith.constant 16 : index
      %swap3A_559 = tpu.vector_load %arg10[%swap3A_557, %swap3A_558] {strides = array<i32>} : memref<1024x32xf32, #tpu.memory_space<vmem>>, vector<16xf32>,
      tpu.vector_store %arg10[%swap3A_557, %swap3A_558], %mul3A_552 {strides = array<i32>} : memref<1024x32xf32, #tpu.memory_space<vmem>>, vector<16xf32>,
      %get3A_560 = arith.constant 40 : i32
      %get3A_561 = arith.index_cast %get3A_560 : i32 to index
      %get3A_562 = arith.constant 0 : index
      %get3A_563 = tpu.vector_load %arg9[%get3A_561, %get3A_562] {strides = array<i32>} : memref<128x32xf32, #tpu.memory_space<vmem>>, vector<16xf32>,
      %get3A_564 = arith.constant 41 : i32
      %get3A_565 = arith.index_cast %get3A_564 : i32 to index
      %get3A_566 = arith.constant 0 : index
      %get3A_567 = tpu.vector_load %arg9[%get3A_565, %get3A_566] {strides = array<i32>} : memref<128x32xf32, #tpu.memory_space<vmem>>, vector<16xf32>,
      %add3A_568 = arith.addf %get3A_563, %get3A_567 : vector<16xf32>
      %get3A_569 = arith.constant 42 : i32
      %get3A_570 = arith.index_cast %get3A_569 : i32 to index
      %get3A_571 = arith.constant 0 : index
      %get3A_572 = tpu.vector_load %arg9[%get3A_570, %get3A_571] {strides = array<i32>} : memref<128x32xf32, #tpu.memory_space<vmem>>, vector<16xf32>,
      %add3A_573 = arith.addf %add3A_568, %get3A_572 : vector<16xf32>
      %get3A_574 = arith.constant 43 : i32
      %get3A_575 = arith.index_cast %get3A_574 : i32 to index
      %get3A_576 = arith.constant 0 : index
      %get3A_577 = tpu.vector_load %arg9[%get3A_575, %get3A_576] {strides = array<i32>} : memref<128x32xf32, #tpu.memory_space<vmem>>, vector<16xf32>,
      %add3A_578 = arith.addf %add3A_573, %get3A_577 : vector<16xf32>
      %get3A_579 = arith.constant 44 : i32
      %get3A_580 = arith.index_cast %get3A_579 : i32 to index
      %get3A_581 = arith.constant 0 : index
      %get3A_582 = tpu.vector_load %arg9[%get3A_580, %get3A_581] {strides = array<i32>} : memref<128x32xf32, #tpu.memory_space<vmem>>, vector<16xf32>,
      %add3A_583 = arith.addf %add3A_578, %get3A_582 : vector<16xf32>
      %get3A_584 = arith.constant 45 : i32
      %get3A_585 = arith.index_cast %get3A_584 : i32 to index
      %get3A_586 = arith.constant 0 : index
      %get3A_587 = tpu.vector_load %arg9[%get3A_585, %get3A_586] {strides = array<i32>} : memref<128x32xf32, #tpu.memory_space<vmem>>, vector<16xf32>,
      %add3A_588 = arith.addf %add3A_583, %get3A_587 : vector<16xf32>
      %get3A_589 = arith.constant 46 : i32
      %get3A_590 = arith.index_cast %get3A_589 : i32 to index
      %get3A_591 = arith.constant 0 : index
      %get3A_592 = tpu.vector_load %arg9[%get3A_590, %get3A_591] {strides = array<i32>} : memref<128x32xf32, #tpu.memory_space<vmem>>, vector<16xf32>,
      %add3A_593 = arith.addf %add3A_588, %get3A_592 : vector<16xf32>
      %get3A_594 = arith.constant 47 : i32
      %get3A_595 = arith.index_cast %get3A_594 : i32 to index
      %get3A_596 = arith.constant 0 : index
      %get3A_597 = tpu.vector_load %arg9[%get3A_595, %get3A_596] {strides = array<i32>} : memref<128x32xf32, #tpu.memory_space<vmem>>, vector<16xf32>,
      %add3A_598 = arith.addf %add3A_593, %get3A_597 : vector<16xf32>
      %mul3A_599 = arith.constant 1.250000e-01 : f32
      %mul3A_600 = vector.broadcast %mul3A_599 : f32 to vector<16xf32>
      %mul3A_601 = arith.mulf %add3A_598, %mul3A_600 : vector<16xf32>
      %mul3A_602 = arith.constant 16 : i32
      %mul3A_603 = arith.muli %scan3A_10, %mul3A_602 : i32
      %add3A_604 = arith.constant 5 : i32
      %add3A_605 = arith.addi %mul3A_603, %add3A_604 : i32
      %swap3A_606 = arith.index_cast %add3A_605 : i32 to index
      %swap3A_607 = arith.constant 0 : index
      %swap3A_608 = tpu.vector_load %arg10[%swap3A_606, %swap3A_607] {strides = array<i32>} : memref<1024x32xf32, #tpu.memory_space<vmem>>, vector<16xf32>,
      tpu.vector_store %arg10[%swap3A_606, %swap3A_607], %mul3A_601 {strides = array<i32>} : memref<1024x32xf32, #tpu.memory_space<vmem>>, vector<16xf32>,
      %get3A_609 = arith.constant 40 : i32
      %get3A_610 = arith.index_cast %get3A_609 : i32 to index
      %get3A_611 = arith.constant 16 : index
      %get3A_612 = tpu.vector_load %arg9[%get3A_610, %get3A_611] {strides = array<i32>} : memref<128x32xf32, #tpu.memory_space<vmem>>, vector<16xf32>,
      %get3A_613 = arith.constant 41 : i32
      %get3A_614 = arith.index_cast %get3A_613 : i32 to index
      %get3A_615 = arith.constant 16 : index
      %get3A_616 = tpu.vector_load %arg9[%get3A_614, %get3A_615] {strides = array<i32>} : memref<128x32xf32, #tpu.memory_space<vmem>>, vector<16xf32>,
      %add3A_617 = arith.addf %get3A_612, %get3A_616 : vector<16xf32>
      %get3A_618 = arith.constant 42 : i32
      %get3A_619 = arith.index_cast %get3A_618 : i32 to index
      %get3A_620 = arith.constant 16 : index
      %get3A_621 = tpu.vector_load %arg9[%get3A_619, %get3A_620] {strides = array<i32>} : memref<128x32xf32, #tpu.memory_space<vmem>>, vector<16xf32>,
      %add3A_622 = arith.addf %add3A_617, %get3A_621 : vector<16xf32>
      %get3A_623 = arith.constant 43 : i32
      %get3A_624 = arith.index_cast %get3A_623 : i32 to index
      %get3A_625 = arith.constant 16 : index
      %get3A_626 = tpu.vector_load %arg9[%get3A_624, %get3A_625] {strides = array<i32>} : memref<128x32xf32, #tpu.memory_space<vmem>>, vector<16xf32>,
      %add3A_627 = arith.addf %add3A_622, %get3A_626 : vector<16xf32>
      %get3A_628 = arith.constant 44 : i32
      %get3A_629 = arith.index_cast %get3A_628 : i32 to index
      %get3A_630 = arith.constant 16 : index
      %get3A_631 = tpu.vector_load %arg9[%get3A_629, %get3A_630] {strides = array<i32>} : memref<128x32xf32, #tpu.memory_space<vmem>>, vector<16xf32>,
      %add3A_632 = arith.addf %add3A_627, %get3A_631 : vector<16xf32>
      %get3A_633 = arith.constant 45 : i32
      %get3A_634 = arith.index_cast %get3A_633 : i32 to index
      %get3A_635 = arith.constant 16 : index
      %get3A_636 = tpu.vector_load %arg9[%get3A_634, %get3A_635] {strides = array<i32>} : memref<128x32xf32, #tpu.memory_space<vmem>>, vector<16xf32>,
      %add3A_637 = arith.addf %add3A_632, %get3A_636 : vector<16xf32>
      %get3A_638 = arith.constant 46 : i32
      %get3A_639 = arith.index_cast %get3A_638 : i32 to index
      %get3A_640 = arith.constant 16 : index
      %get3A_641 = tpu.vector_load %arg9[%get3A_639, %get3A_640] {strides = array<i32>} : memref<128x32xf32, #tpu.memory_space<vmem>>, vector<16xf32>,
      %add3A_642 = arith.addf %add3A_637, %get3A_641 : vector<16xf32>
      %get3A_643 = arith.constant 47 : i32
      %get3A_644 = arith.index_cast %get3A_643 : i32 to index
      %get3A_645 = arith.constant 16 : index
      %get3A_646 = tpu.vector_load %arg9[%get3A_644, %get3A_645] {strides = array<i32>} : memref<128x32xf32, #tpu.memory_space<vmem>>, vector<16xf32>,
      %add3A_647 = arith.addf %add3A_642, %get3A_646 : vector<16xf32>
      %mul3A_648 = arith.constant 1.250000e-01 : f32
      %mul3A_649 = vector.broadcast %mul3A_648 : f32 to vector<16xf32>
      %mul3A_650 = arith.mulf %add3A_647, %mul3A_649 : vector<16xf32>
      %mul3A_651 = arith.constant 16 : i32
      %mul3A_652 = arith.muli %scan3A_10, %mul3A_651 : i32
      %add3A_653 = arith.constant 5 : i32
      %add3A_654 = arith.addi %mul3A_652, %add3A_653 : i32
      %swap3A_655 = arith.index_cast %add3A_654 : i32 to index
      %swap3A_656 = arith.constant 16 : index
      %swap3A_657 = tpu.vector_load %arg10[%swap3A_655, %swap3A_656] {strides = array<i32>} : memref<1024x32xf32, #tpu.memory_space<vmem>>, vector<16xf32>,
      tpu.vector_store %arg10[%swap3A_655, %swap3A_656], %mul3A_650 {strides = array<i32>} : memref<1024x32xf32, #tpu.memory_space<vmem>>, vector<16xf32>,
      %get3A_658 = arith.constant 48 : i32
      %get3A_659 = arith.index_cast %get3A_658 : i32 to index
      %get3A_660 = arith.constant 0 : index
      %get3A_661 = tpu.vector_load %arg9[%get3A_659, %get3A_660] {strides = array<i32>} : memref<128x32xf32, #tpu.memory_space<vmem>>, vector<16xf32>,
      %get3A_662 = arith.constant 49 : i32
      %get3A_663 = arith.index_cast %get3A_662 : i32 to index
      %get3A_664 = arith.constant 0 : index
      %get3A_665 = tpu.vector_load %arg9[%get3A_663, %get3A_664] {strides = array<i32>} : memref<128x32xf32, #tpu.memory_space<vmem>>, vector<16xf32>,
      %add3A_666 = arith.addf %get3A_661, %get3A_665 : vector<16xf32>
      %get3A_667 = arith.constant 50 : i32
      %get3A_668 = arith.index_cast %get3A_667 : i32 to index
      %get3A_669 = arith.constant 0 : index
      %get3A_670 = tpu.vector_load %arg9[%get3A_668, %get3A_669] {strides = array<i32>} : memref<128x32xf32, #tpu.memory_space<vmem>>, vector<16xf32>,
      %add3A_671 = arith.addf %add3A_666, %get3A_670 : vector<16xf32>
      %get3A_672 = arith.constant 51 : i32
      %get3A_673 = arith.index_cast %get3A_672 : i32 to index
      %get3A_674 = arith.constant 0 : index
      %get3A_675 = tpu.vector_load %arg9[%get3A_673, %get3A_674] {strides = array<i32>} : memref<128x32xf32, #tpu.memory_space<vmem>>, vector<16xf32>,
      %add3A_676 = arith.addf %add3A_671, %get3A_675 : vector<16xf32>
      %get3A_677 = arith.constant 52 : i32
      %get3A_678 = arith.index_cast %get3A_677 : i32 to index
      %get3A_679 = arith.constant 0 : index
      %get3A_680 = tpu.vector_load %arg9[%get3A_678, %get3A_679] {strides = array<i32>} : memref<128x32xf32, #tpu.memory_space<vmem>>, vector<16xf32>,
      %add3A_681 = arith.addf %add3A_676, %get3A_680 : vector<16xf32>
      %get3A_682 = arith.constant 53 : i32
      %get3A_683 = arith.index_cast %get3A_682 : i32 to index
      %get3A_684 = arith.constant 0 : index
      %get3A_685 = tpu.vector_load %arg9[%get3A_683, %get3A_684] {strides = array<i32>} : memref<128x32xf32, #tpu.memory_space<vmem>>, vector<16xf32>,
      %add3A_686 = arith.addf %add3A_681, %get3A_685 : vector<16xf32>
      %get3A_687 = arith.constant 54 : i32
      %get3A_688 = arith.index_cast %get3A_687 : i32 to index
      %get3A_689 = arith.constant 0 : index
      %get3A_690 = tpu.vector_load %arg9[%get3A_688, %get3A_689] {strides = array<i32>} : memref<128x32xf32, #tpu.memory_space<vmem>>, vector<16xf32>,
      %add3A_691 = arith.addf %add3A_686, %get3A_690 : vector<16xf32>
      %get3A_692 = arith.constant 55 : i32
      %get3A_693 = arith.index_cast %get3A_692 : i32 to index
      %get3A_694 = arith.constant 0 : index
      %get3A_695 = tpu.vector_load %arg9[%get3A_693, %get3A_694] {strides = array<i32>} : memref<128x32xf32, #tpu.memory_space<vmem>>, vector<16xf32>,
      %add3A_696 = arith.addf %add3A_691, %get3A_695 : vector<16xf32>
      %mul3A_697 = arith.constant 1.250000e-01 : f32
      %mul3A_698 = vector.broadcast %mul3A_697 : f32 to vector<16xf32>
      %mul3A_699 = arith.mulf %add3A_696, %mul3A_698 : vector<16xf32>
      %mul3A_700 = arith.constant 16 : i32
      %mul3A_701 = arith.muli %scan3A_10, %mul3A_700 : i32
      %add3A_702 = arith.constant 6 : i32
      %add3A_703 = arith.addi %mul3A_701, %add3A_702 : i32
      %swap3A_704 = arith.index_cast %add3A_703 : i32 to index
      %swap3A_705 = arith.constant 0 : index
      %swap3A_706 = tpu.vector_load %arg10[%swap3A_704, %swap3A_705] {strides = array<i32>} : memref<1024x32xf32, #tpu.memory_space<vmem>>, vector<16xf32>,
      tpu.vector_store %arg10[%swap3A_704, %swap3A_705], %mul3A_699 {strides = array<i32>} : memref<1024x32xf32, #tpu.memory_space<vmem>>, vector<16xf32>,
      %get3A_707 = arith.constant 48 : i32
      %get3A_708 = arith.index_cast %get3A_707 : i32 to index
      %get3A_709 = arith.constant 16 : index
      %get3A_710 = tpu.vector_load %arg9[%get3A_708, %get3A_709] {strides = array<i32>} : memref<128x32xf32, #tpu.memory_space<vmem>>, vector<16xf32>,
      %get3A_711 = arith.constant 49 : i32
      %get3A_712 = arith.index_cast %get3A_711 : i32 to index
      %get3A_713 = arith.constant 16 : index
      %get3A_714 = tpu.vector_load %arg9[%get3A_712, %get3A_713] {strides = array<i32>} : memref<128x32xf32, #tpu.memory_space<vmem>>, vector<16xf32>,
      %add3A_715 = arith.addf %get3A_710, %get3A_714 : vector<16xf32>
      %get3A_716 = arith.constant 50 : i32
      %get3A_717 = arith.index_cast %get3A_716 : i32 to index
      %get3A_718 = arith.constant 16 : index
      %get3A_719 = tpu.vector_load %arg9[%get3A_717, %get3A_718] {strides = array<i32>} : memref<128x32xf32, #tpu.memory_space<vmem>>, vector<16xf32>,
      %add3A_720 = arith.addf %add3A_715, %get3A_719 : vector<16xf32>
      %get3A_721 = arith.constant 51 : i32
      %get3A_722 = arith.index_cast %get3A_721 : i32 to index
      %get3A_723 = arith.constant 16 : index
      %get3A_724 = tpu.vector_load %arg9[%get3A_722, %get3A_723] {strides = array<i32>} : memref<128x32xf32, #tpu.memory_space<vmem>>, vector<16xf32>,
      %add3A_725 = arith.addf %add3A_720, %get3A_724 : vector<16xf32>
      %get3A_726 = arith.constant 52 : i32
      %get3A_727 = arith.index_cast %get3A_726 : i32 to index
      %get3A_728 = arith.constant 16 : index
      %get3A_729 = tpu.vector_load %arg9[%get3A_727, %get3A_728] {strides = array<i32>} : memref<128x32xf32, #tpu.memory_space<vmem>>, vector<16xf32>,
      %add3A_730 = arith.addf %add3A_725, %get3A_729 : vector<16xf32>
      %get3A_731 = arith.constant 53 : i32
      %get3A_732 = arith.index_cast %get3A_731 : i32 to index
      %get3A_733 = arith.constant 16 : index
      %get3A_734 = tpu.vector_load %arg9[%get3A_732, %get3A_733] {strides = array<i32>} : memref<128x32xf32, #tpu.memory_space<vmem>>, vector<16xf32>,
      %add3A_735 = arith.addf %add3A_730, %get3A_734 : vector<16xf32>
      %get3A_736 = arith.constant 54 : i32
      %get3A_737 = arith.index_cast %get3A_736 : i32 to index
      %get3A_738 = arith.constant 16 : index
      %get3A_739 = tpu.vector_load %arg9[%get3A_737, %get3A_738] {strides = array<i32>} : memref<128x32xf32, #tpu.memory_space<vmem>>, vector<16xf32>,
      %add3A_740 = arith.addf %add3A_735, %get3A_739 : vector<16xf32>
      %get3A_741 = arith.constant 55 : i32
      %get3A_742 = arith.index_cast %get3A_741 : i32 to index
      %get3A_743 = arith.constant 16 : index
      %get3A_744 = tpu.vector_load %arg9[%get3A_742, %get3A_743] {strides = array<i32>} : memref<128x32xf32, #tpu.memory_space<vmem>>, vector<16xf32>,
      %add3A_745 = arith.addf %add3A_740, %get3A_744 : vector<16xf32>
      %mul3A_746 = arith.constant 1.250000e-01 : f32
      %mul3A_747 = vector.broadcast %mul3A_746 : f32 to vector<16xf32>
      %mul3A_748 = arith.mulf %add3A_745, %mul3A_747 : vector<16xf32>
      %mul3A_749 = arith.constant 16 : i32
      %mul3A_750 = arith.muli %scan3A_10, %mul3A_749 : i32
      %add3A_751 = arith.constant 6 : i32
      %add3A_752 = arith.addi %mul3A_750, %add3A_751 : i32
      %swap3A_753 = arith.index_cast %add3A_752 : i32 to index
      %swap3A_754 = arith.constant 16 : index
      %swap3A_755 = tpu.vector_load %arg10[%swap3A_753, %swap3A_754] {strides = array<i32>} : memref<1024x32xf32, #tpu.memory_space<vmem>>, vector<16xf32>,
      tpu.vector_store %arg10[%swap3A_753, %swap3A_754], %mul3A_748 {strides = array<i32>} : memref<1024x32xf32, #tpu.memory_space<vmem>>, vector<16xf32>,
      %get3A_756 = arith.constant 56 : i32
      %get3A_757 = arith.index_cast %get3A_756 : i32 to index
      %get3A_758 = arith.constant 0 : index
      %get3A_759 = tpu.vector_load %arg9[%get3A_757, %get3A_758] {strides = array<i32>} : memref<128x32xf32, #tpu.memory_space<vmem>>, vector<16xf32>,
      %get3A_760 = arith.constant 57 : i32
      %get3A_761 = arith.index_cast %get3A_760 : i32 to index
      %get3A_762 = arith.constant 0 : index
      %get3A_763 = tpu.vector_load %arg9[%get3A_761, %get3A_762] {strides = array<i32>} : memref<128x32xf32, #tpu.memory_space<vmem>>, vector<16xf32>,
      %add3A_764 = arith.addf %get3A_759, %get3A_763 : vector<16xf32>
      %get3A_765 = arith.constant 58 : i32
      %get3A_766 = arith.index_cast %get3A_765 : i32 to index
      %get3A_767 = arith.constant 0 : index
      %get3A_768 = tpu.vector_load %arg9[%get3A_766, %get3A_767] {strides = array<i32>} : memref<128x32xf32, #tpu.memory_space<vmem>>, vector<16xf32>,
      %add3A_769 = arith.addf %add3A_764, %get3A_768 : vector<16xf32>
      %get3A_770 = arith.constant 59 : i32
      %get3A_771 = arith.index_cast %get3A_770 : i32 to index
      %get3A_772 = arith.constant 0 : index
      %get3A_773 = tpu.vector_load %arg9[%get3A_771, %get3A_772] {strides = array<i32>} : memref<128x32xf32, #tpu.memory_space<vmem>>, vector<16xf32>,
      %add3A_774 = arith.addf %add3A_769, %get3A_773 : vector<16xf32>
      %get3A_775 = arith.constant 60 : i32
      %get3A_776 = arith.index_cast %get3A_775 : i32 to index
      %get3A_777 = arith.constant 0 : index
      %get3A_778 = tpu.vector_load %arg9[%get3A_776, %get3A_777] {strides = array<i32>} : memref<128x32xf32, #tpu.memory_space<vmem>>, vector<16xf32>,
      %add3A_779 = arith.addf %add3A_774, %get3A_778 : vector<16xf32>
      %get3A_780 = arith.constant 61 : i32
      %get3A_781 = arith.index_cast %get3A_780 : i32 to index
      %get3A_782 = arith.constant 0 : index
      %get3A_783 = tpu.vector_load %arg9[%get3A_781, %get3A_782] {strides = array<i32>} : memref<128x32xf32, #tpu.memory_space<vmem>>, vector<16xf32>,
      %add3A_784 = arith.addf %add3A_779, %get3A_783 : vector<16xf32>
      %get3A_785 = arith.constant 62 : i32
      %get3A_786 = arith.index_cast %get3A_785 : i32 to index
      %get3A_787 = arith.constant 0 : index
      %get3A_788 = tpu.vector_load %arg9[%get3A_786, %get3A_787] {strides = array<i32>} : memref<128x32xf32, #tpu.memory_space<vmem>>, vector<16xf32>,
      %add3A_789 = arith.addf %add3A_784, %get3A_788 : vector<16xf32>
      %get3A_790 = arith.constant 63 : i32
      %get3A_791 = arith.index_cast %get3A_790 : i32 to index
      %get3A_792 = arith.constant 0 : index
      %get3A_793 = tpu.vector_load %arg9[%get3A_791, %get3A_792] {strides = array<i32>} : memref<128x32xf32, #tpu.memory_space<vmem>>, vector<16xf32>,
      %add3A_794 = arith.addf %add3A_789, %get3A_793 : vector<16xf32>
      %mul3A_795 = arith.constant 1.250000e-01 : f32
      %mul3A_796 = vector.broadcast %mul3A_795 : f32 to vector<16xf32>
      %mul3A_797 = arith.mulf %add3A_794, %mul3A_796 : vector<16xf32>
      %mul3A_798 = arith.constant 16 : i32
      %mul3A_799 = arith.muli %scan3A_10, %mul3A_798 : i32
      %add3A_800 = arith.constant 7 : i32
      %add3A_801 = arith.addi %mul3A_799, %add3A_800 : i32
      %swap3A_802 = arith.index_cast %add3A_801 : i32 to index
      %swap3A_803 = arith.constant 0 : index
      %swap3A_804 = tpu.vector_load %arg10[%swap3A_802, %swap3A_803] {strides = array<i32>} : memref<1024x32xf32, #tpu.memory_space<vmem>>, vector<16xf32>,
      tpu.vector_store %arg10[%swap3A_802, %swap3A_803], %mul3A_797 {strides = array<i32>} : memref<1024x32xf32, #tpu.memory_space<vmem>>, vector<16xf32>,
      %get3A_805 = arith.constant 56 : i32
      %get3A_806 = arith.index_cast %get3A_805 : i32 to index
      %get3A_807 = arith.constant 16 : index
      %get3A_808 = tpu.vector_load %arg9[%get3A_806, %get3A_807] {strides = array<i32>} : memref<128x32xf32, #tpu.memory_space<vmem>>, vector<16xf32>,
      %get3A_809 = arith.constant 57 : i32
      %get3A_810 = arith.index_cast %get3A_809 : i32 to index
      %get3A_811 = arith.constant 16 : index
      %get3A_812 = tpu.vector_load %arg9[%get3A_810, %get3A_811] {strides = array<i32>} : memref<128x32xf32, #tpu.memory_space<vmem>>, vector<16xf32>,
      %add3A_813 = arith.addf %get3A_808, %get3A_812 : vector<16xf32>
      %get3A_814 = arith.constant 58 : i32
      %get3A_815 = arith.index_cast %get3A_814 : i32 to index
      %get3A_816 = arith.constant 16 : index
      %get3A_817 = tpu.vector_load %arg9[%get3A_815, %get3A_816] {strides = array<i32>} : memref<128x32xf32, #tpu.memory_space<vmem>>, vector<16xf32>,
      %add3A_818 = arith.addf %add3A_813, %get3A_817 : vector<16xf32>
      %get3A_819 = arith.constant 59 : i32
      %get3A_820 = arith.index_cast %get3A_819 : i32 to index
      %get3A_821 = arith.constant 16 : index
      %get3A_822 = tpu.vector_load %arg9[%get3A_820, %get3A_821] {strides = array<i32>} : memref<128x32xf32, #tpu.memory_space<vmem>>, vector<16xf32>,
      %add3A_823 = arith.addf %add3A_818, %get3A_822 : vector<16xf32>
      %get3A_824 = arith.constant 60 : i32
      %get3A_825 = arith.index_cast %get3A_824 : i32 to index
      %get3A_826 = arith.constant 16 : index
      %get3A_827 = tpu.vector_load %arg9[%get3A_825, %get3A_826] {strides = array<i32>} : memref<128x32xf32, #tpu.memory_space<vmem>>, vector<16xf32>,
      %add3A_828 = arith.addf %add3A_823, %get3A_827 : vector<16xf32>
      %get3A_829 = arith.constant 61 : i32
      %get3A_830 = arith.index_cast %get3A_829 : i32 to index
      %get3A_831 = arith.constant 16 : index
      %get3A_832 = tpu.vector_load %arg9[%get3A_830, %get3A_831] {strides = array<i32>} : memref<128x32xf32, #tpu.memory_space<vmem>>, vector<16xf32>,
      %add3A_833 = arith.addf %add3A_828, %get3A_832 : vector<16xf32>
      %get3A_834 = arith.constant 62 : i32
      %get3A_835 = arith.index_cast %get3A_834 : i32 to index
      %get3A_836 = arith.constant 16 : index
      %get3A_837 = tpu.vector_load %arg9[%get3A_835, %get3A_836] {strides = array<i32>} : memref<128x32xf32, #tpu.memory_space<vmem>>, vector<16xf32>,
      %add3A_838 = arith.addf %add3A_833, %get3A_837 : vector<16xf32>
      %get3A_839 = arith.constant 63 : i32
      %get3A_840 = arith.index_cast %get3A_839 : i32 to index
      %get3A_841 = arith.constant 16 : index
      %get3A_842 = tpu.vector_load %arg9[%get3A_840, %get3A_841] {strides = array<i32>} : memref<128x32xf32, #tpu.memory_space<vmem>>, vector<16xf32>,
      %add3A_843 = arith.addf %add3A_838, %get3A_842 : vector<16xf32>
      %mul3A_844 = arith.constant 1.250000e-01 : f32
      %mul3A_845 = vector.broadcast %mul3A_844 : f32 to vector<16xf32>
      %mul3A_846 = arith.mulf %add3A_843, %mul3A_845 : vector<16xf32>
      %mul3A_847 = arith.constant 16 : i32
      %mul3A_848 = arith.muli %scan3A_10, %mul3A_847 : i32
      %add3A_849 = arith.constant 7 : i32
      %add3A_850 = arith.addi %mul3A_848, %add3A_849 : i32
      %swap3A_851 = arith.index_cast %add3A_850 : i32 to index
      %swap3A_852 = arith.constant 16 : index
      %swap3A_853 = tpu.vector_load %arg10[%swap3A_851, %swap3A_852] {strides = array<i32>} : memref<1024x32xf32, #tpu.memory_space<vmem>>, vector<16xf32>,
      tpu.vector_store %arg10[%swap3A_851, %swap3A_852], %mul3A_846 {strides = array<i32>} : memref<1024x32xf32, #tpu.memory_space<vmem>>, vector<16xf32>,
      %get3A_854 = arith.constant 64 : i32
      %get3A_855 = arith.index_cast %get3A_854 : i32 to index
      %get3A_856 = arith.constant 0 : index
      %get3A_857 = tpu.vector_load %arg9[%get3A_855, %get3A_856] {strides = array<i32>} : memref<128x32xf32, #tpu.memory_space<vmem>>, vector<16xf32>,
      %get3A_858 = arith.constant 65 : i32
      %get3A_859 = arith.index_cast %get3A_858 : i32 to index
      %get3A_860 = arith.constant 0 : index
      %get3A_861 = tpu.vector_load %arg9[%get3A_859, %get3A_860] {strides = array<i32>} : memref<128x32xf32, #tpu.memory_space<vmem>>, vector<16xf32>,
      %add3A_862 = arith.addf %get3A_857, %get3A_861 : vector<16xf32>
      %get3A_863 = arith.constant 66 : i32
      %get3A_864 = arith.index_cast %get3A_863 : i32 to index
      %get3A_865 = arith.constant 0 : index
      %get3A_866 = tpu.vector_load %arg9[%get3A_864, %get3A_865] {strides = array<i32>} : memref<128x32xf32, #tpu.memory_space<vmem>>, vector<16xf32>,
      %add3A_867 = arith.addf %add3A_862, %get3A_866 : vector<16xf32>
      %get3A_868 = arith.constant 67 : i32
      %get3A_869 = arith.index_cast %get3A_868 : i32 to index
      %get3A_870 = arith.constant 0 : index
      %get3A_871 = tpu.vector_load %arg9[%get3A_869, %get3A_870] {strides = array<i32>} : memref<128x32xf32, #tpu.memory_space<vmem>>, vector<16xf32>,
      %add3A_872 = arith.addf %add3A_867, %get3A_871 : vector<16xf32>
      %get3A_873 = arith.constant 68 : i32
      %get3A_874 = arith.index_cast %get3A_873 : i32 to index
      %get3A_875 = arith.constant 0 : index
      %get3A_876 = tpu.vector_load %arg9[%get3A_874, %get3A_875] {strides = array<i32>} : memref<128x32xf32, #tpu.memory_space<vmem>>, vector<16xf32>,
      %add3A_877 = arith.addf %add3A_872, %get3A_876 : vector<16xf32>
      %get3A_878 = arith.constant 69 : i32
      %get3A_879 = arith.index_cast %get3A_878 : i32 to index
      %get3A_880 = arith.constant 0 : index
      %get3A_881 = tpu.vector_load %arg9[%get3A_879, %get3A_880] {strides = array<i32>} : memref<128x32xf32, #tpu.memory_space<vmem>>, vector<16xf32>,
      %add3A_882 = arith.addf %add3A_877, %get3A_881 : vector<16xf32>
      %get3A_883 = arith.constant 70 : i32
      %get3A_884 = arith.index_cast %get3A_883 : i32 to index
      %get3A_885 = arith.constant 0 : index
      %get3A_886 = tpu.vector_load %arg9[%get3A_884, %get3A_885] {strides = array<i32>} : memref<128x32xf32, #tpu.memory_space<vmem>>, vector<16xf32>,
      %add3A_887 = arith.addf %add3A_882, %get3A_886 : vector<16xf32>
      %get3A_888 = arith.constant 71 : i32
      %get3A_889 = arith.index_cast %get3A_888 : i32 to index
      %get3A_890 = arith.constant 0 : index
      %get3A_891 = tpu.vector_load %arg9[%get3A_889, %get3A_890] {strides = array<i32>} : memref<128x32xf32, #tpu.memory_space<vmem>>, vector<16xf32>,
      %add3A_892 = arith.addf %add3A_887, %get3A_891 : vector<16xf32>
      %mul3A_893 = arith.constant 1.250000e-01 : f32
      %mul3A_894 = vector.broadcast %mul3A_893 : f32 to vector<16xf32>
      %mul3A_895 = arith.mulf %add3A_892, %mul3A_894 : vector<16xf32>
      %mul3A_896 = arith.constant 16 : i32
      %mul3A_897 = arith.muli %scan3A_10, %mul3A_896 : i32
      %add3A_898 = arith.constant 8 : i32
      %add3A_899 = arith.addi %mul3A_897, %add3A_898 : i32
      %swap3A_900 = arith.index_cast %add3A_899 : i32 to index
      %swap3A_901 = arith.constant 0 : index
      %swap3A_902 = tpu.vector_load %arg10[%swap3A_900, %swap3A_901] {strides = array<i32>} : memref<1024x32xf32, #tpu.memory_space<vmem>>, vector<16xf32>,
      tpu.vector_store %arg10[%swap3A_900, %swap3A_901], %mul3A_895 {strides = array<i32>} : memref<1024x32xf32, #tpu.memory_space<vmem>>, vector<16xf32>,
      %get3A_903 = arith.constant 64 : i32
      %get3A_904 = arith.index_cast %get3A_903 : i32 to index
      %get3A_905 = arith.constant 16 : index
      %get3A_906 = tpu.vector_load %arg9[%get3A_904, %get3A_905] {strides = array<i32>} : memref<128x32xf32, #tpu.memory_space<vmem>>, vector<16xf32>,
      %get3A_907 = arith.constant 65 : i32
      %get3A_908 = arith.index_cast %get3A_907 : i32 to index
      %get3A_909 = arith.constant 16 : index
      %get3A_910 = tpu.vector_load %arg9[%get3A_908, %get3A_909] {strides = array<i32>} : memref<128x32xf32, #tpu.memory_space<vmem>>, vector<16xf32>,
      %add3A_911 = arith.addf %get3A_906, %get3A_910 : vector<16xf32>
      %get3A_912 = arith.constant 66 : i32
      %get3A_913 = arith.index_cast %get3A_912 : i32 to index
      %get3A_914 = arith.constant 16 : index
      %get3A_915 = tpu.vector_load %arg9[%get3A_913, %get3A_914] {strides = array<i32>} : memref<128x32xf32, #tpu.memory_space<vmem>>, vector<16xf32>,
      %add3A_916 = arith.addf %add3A_911, %get3A_915 : vector<16xf32>
      %get3A_917 = arith.constant 67 : i32
      %get3A_918 = arith.index_cast %get3A_917 : i32 to index
      %get3A_919 = arith.constant 16 : index
      %get3A_920 = tpu.vector_load %arg9[%get3A_918, %get3A_919] {strides = array<i32>} : memref<128x32xf32, #tpu.memory_space<vmem>>, vector<16xf32>,
      %add3A_921 = arith.addf %add3A_916, %get3A_920 : vector<16xf32>
      %get3A_922 = arith.constant 68 : i32
      %get3A_923 = arith.index_cast %get3A_922 : i32 to index
      %get3A_924 = arith.constant 16 : index
      %get3A_925 = tpu.vector_load %arg9[%get3A_923, %get3A_924] {strides = array<i32>} : memref<128x32xf32, #tpu.memory_space<vmem>>, vector<16xf32>,
      %add3A_926 = arith.addf %add3A_921, %get3A_925 : vector<16xf32>
      %get3A_927 = arith.constant 69 : i32
      %get3A_928 = arith.index_cast %get3A_927 : i32 to index
      %get3A_929 = arith.constant 16 : index
      %get3A_930 = tpu.vector_load %arg9[%get3A_928, %get3A_929] {strides = array<i32>} : memref<128x32xf32, #tpu.memory_space<vmem>>, vector<16xf32>,
      %add3A_931 = arith.addf %add3A_926, %get3A_930 : vector<16xf32>
      %get3A_932 = arith.constant 70 : i32
      %get3A_933 = arith.index_cast %get3A_932 : i32 to index
      %get3A_934 = arith.constant 16 : index
      %get3A_935 = tpu.vector_load %arg9[%get3A_933, %get3A_934] {strides = array<i32>} : memref<128x32xf32, #tpu.memory_space<vmem>>, vector<16xf32>,
      %add3A_936 = arith.addf %add3A_931, %get3A_935 : vector<16xf32>
      %get3A_937 = arith.constant 71 : i32
      %get3A_938 = arith.index_cast %get3A_937 : i32 to index
      %get3A_939 = arith.constant 16 : index
      %get3A_940 = tpu.vector_load %arg9[%get3A_938, %get3A_939] {strides = array<i32>} : memref<128x32xf32, #tpu.memory_space<vmem>>, vector<16xf32>,
      %add3A_941 = arith.addf %add3A_936, %get3A_940 : vector<16xf32>
      %mul3A_942 = arith.constant 1.250000e-01 : f32
      %mul3A_943 = vector.broadcast %mul3A_942 : f32 to vector<16xf32>
      %mul3A_944 = arith.mulf %add3A_941, %mul3A_943 : vector<16xf32>
      %mul3A_945 = arith.constant 16 : i32
      %mul3A_946 = arith.muli %scan3A_10, %mul3A_945 : i32
      %add3A_947 = arith.constant 8 : i32
      %add3A_948 = arith.addi %mul3A_946, %add3A_947 : i32
      %swap3A_949 = arith.index_cast %add3A_948 : i32 to index
      %swap3A_950 = arith.constant 16 : index
      %swap3A_951 = tpu.vector_load %arg10[%swap3A_949, %swap3A_950] {strides = array<i32>} : memref<1024x32xf32, #tpu.memory_space<vmem>>, vector<16xf32>,
      tpu.vector_store %arg10[%swap3A_949, %swap3A_950], %mul3A_944 {strides = array<i32>} : memref<1024x32xf32, #tpu.memory_space<vmem>>, vector<16xf32>,
      %get3A_952 = arith.constant 72 : i32
      %get3A_953 = arith.index_cast %get3A_952 : i32 to index
      %get3A_954 = arith.constant 0 : index
      %get3A_955 = tpu.vector_load %arg9[%get3A_953, %get3A_954] {strides = array<i32>} : memref<128x32xf32, #tpu.memory_space<vmem>>, vector<16xf32>,
      %get3A_956 = arith.constant 73 : i32
      %get3A_957 = arith.index_cast %get3A_956 : i32 to index
      %get3A_958 = arith.constant 0 : index
      %get3A_959 = tpu.vector_load %arg9[%get3A_957, %get3A_958] {strides = array<i32>} : memref<128x32xf32, #tpu.memory_space<vmem>>, vector<16xf32>,
      %add3A_960 = arith.addf %get3A_955, %get3A_959 : vector<16xf32>
      %get3A_961 = arith.constant 74 : i32
      %get3A_962 = arith.index_cast %get3A_961 : i32 to index
      %get3A_963 = arith.constant 0 : index
      %get3A_964 = tpu.vector_load %arg9[%get3A_962, %get3A_963] {strides = array<i32>} : memref<128x32xf32, #tpu.memory_space<vmem>>, vector<16xf32>,
      %add3A_965 = arith.addf %add3A_960, %get3A_964 : vector<16xf32>
      %get3A_966 = arith.constant 75 : i32
      %get3A_967 = arith.index_cast %get3A_966 : i32 to index
      %get3A_968 = arith.constant 0 : index
      %get3A_969 = tpu.vector_load %arg9[%get3A_967, %get3A_968] {strides = array<i32>} : memref<128x32xf32, #tpu.memory_space<vmem>>, vector<16xf32>,
      %add3A_970 = arith.addf %add3A_965, %get3A_969 : vector<16xf32>
      %get3A_971 = arith.constant 76 : i32
      %get3A_972 = arith.index_cast %get3A_971 : i32 to index
      %get3A_973 = arith.constant 0 : index
      %get3A_974 = tpu.vector_load %arg9[%get3A_972, %get3A_973] {strides = array<i32>} : memref<128x32xf32, #tpu.memory_space<vmem>>, vector<16xf32>,
      %add3A_975 = arith.addf %add3A_970, %get3A_974 : vector<16xf32>
      %get3A_976 = arith.constant 77 : i32
      %get3A_977 = arith.index_cast %get3A_976 : i32 to index
      %get3A_978 = arith.constant 0 : index
      %get3A_979 = tpu.vector_load %arg9[%get3A_977, %get3A_978] {strides = array<i32>} : memref<128x32xf32, #tpu.memory_space<vmem>>, vector<16xf32>,
      %add3A_980 = arith.addf %add3A_975, %get3A_979 : vector<16xf32>
      %get3A_981 = arith.constant 78 : i32
      %get3A_982 = arith.index_cast %get3A_981 : i32 to index
      %get3A_983 = arith.constant 0 : index
      %get3A_984 = tpu.vector_load %arg9[%get3A_982, %get3A_983] {strides = array<i32>} : memref<128x32xf32, #tpu.memory_space<vmem>>, vector<16xf32>,
      %add3A_985 = arith.addf %add3A_980, %get3A_984 : vector<16xf32>
      %get3A_986 = arith.constant 79 : i32
      %get3A_987 = arith.index_cast %get3A_986 : i32 to index
      %get3A_988 = arith.constant 0 : index
      %get3A_989 = tpu.vector_load %arg9[%get3A_987, %get3A_988] {strides = array<i32>} : memref<128x32xf32, #tpu.memory_space<vmem>>, vector<16xf32>,
      %add3A_990 = arith.addf %add3A_985, %get3A_989 : vector<16xf32>
      %mul3A_991 = arith.constant 1.250000e-01 : f32
      %mul3A_992 = vector.broadcast %mul3A_991 : f32 to vector<16xf32>
      %mul3A_993 = arith.mulf %add3A_990, %mul3A_992 : vector<16xf32>
      %mul3A_994 = arith.constant 16 : i32
      %mul3A_995 = arith.muli %scan3A_10, %mul3A_994 : i32
      %add3A_996 = arith.constant 9 : i32
      %add3A_997 = arith.addi %mul3A_995, %add3A_996 : i32
      %swap3A_998 = arith.index_cast %add3A_997 : i32 to index
      %swap3A_999 = arith.constant 0 : index
      %swap3A_1000 = tpu.vector_load %arg10[%swap3A_998, %swap3A_999] {strides = array<i32>} : memref<1024x32xf32, #tpu.memory_space<vmem>>, vector<16xf32>,
      tpu.vector_store %arg10[%swap3A_998, %swap3A_999], %mul3A_993 {strides = array<i32>} : memref<1024x32xf32, #tpu.memory_space<vmem>>, vector<16xf32>,
      %get3A_1001 = arith.constant 72 : i32
      %get3A_1002 = arith.index_cast %get3A_1001 : i32 to index
      %get3A_1003 = arith.constant 16 : index
      %get3A_1004 = tpu.vector_load %arg9[%get3A_1002, %get3A_1003] {strides = array<i32>} : memref<128x32xf32, #tpu.memory_space<vmem>>, vector<16xf32>,
      %get3A_1005 = arith.constant 73 : i32
      %get3A_1006 = arith.index_cast %get3A_1005 : i32 to index
      %get3A_1007 = arith.constant 16 : index
      %get3A_1008 = tpu.vector_load %arg9[%get3A_1006, %get3A_1007] {strides = array<i32>} : memref<128x32xf32, #tpu.memory_space<vmem>>, vector<16xf32>,
      %add3A_1009 = arith.addf %get3A_1004, %get3A_1008 : vector<16xf32>
      %get3A_1010 = arith.constant 74 : i32
      %get3A_1011 = arith.index_cast %get3A_1010 : i32 to index
      %get3A_1012 = arith.constant 16 : index
      %get3A_1013 = tpu.vector_load %arg9[%get3A_1011, %get3A_1012] {strides = array<i32>} : memref<128x32xf32, #tpu.memory_space<vmem>>, vector<16xf32>,
      %add3A_1014 = arith.addf %add3A_1009, %get3A_1013 : vector<16xf32>
      %get3A_1015 = arith.constant 75 : i32
      %get3A_1016 = arith.index_cast %get3A_1015 : i32 to index
      %get3A_1017 = arith.constant 16 : index
      %get3A_1018 = tpu.vector_load %arg9[%get3A_1016, %get3A_1017] {strides = array<i32>} : memref<128x32xf32, #tpu.memory_space<vmem>>, vector<16xf32>,
      %add3A_1019 = arith.addf %add3A_1014, %get3A_1018 : vector<16xf32>
      %get3A_1020 = arith.constant 76 : i32
      %get3A_1021 = arith.index_cast %get3A_1020 : i32 to index
      %get3A_1022 = arith.constant 16 : index
      %get3A_1023 = tpu.vector_load %arg9[%get3A_1021, %get3A_1022] {strides = array<i32>} : memref<128x32xf32, #tpu.memory_space<vmem>>, vector<16xf32>,
      %add3A_1024 = arith.addf %add3A_1019, %get3A_1023 : vector<16xf32>
      %get3A_1025 = arith.constant 77 : i32
      %get3A_1026 = arith.index_cast %get3A_1025 : i32 to index
      %get3A_1027 = arith.constant 16 : index
      %get3A_1028 = tpu.vector_load %arg9[%get3A_1026, %get3A_1027] {strides = array<i32>} : memref<128x32xf32, #tpu.memory_space<vmem>>, vector<16xf32>,
      %add3A_1029 = arith.addf %add3A_1024, %get3A_1028 : vector<16xf32>
      %get3A_1030 = arith.constant 78 : i32
      %get3A_1031 = arith.index_cast %get3A_1030 : i32 to index
      %get3A_1032 = arith.constant 16 : index
      %get3A_1033 = tpu.vector_load %arg9[%get3A_1031, %get3A_1032] {strides = array<i32>} : memref<128x32xf32, #tpu.memory_space<vmem>>, vector<16xf32>,
      %add3A_1034 = arith.addf %add3A_1029, %get3A_1033 : vector<16xf32>
      %get3A_1035 = arith.constant 79 : i32
      %get3A_1036 = arith.index_cast %get3A_1035 : i32 to index
      %get3A_1037 = arith.constant 16 : index
      %get3A_1038 = tpu.vector_load %arg9[%get3A_1036, %get3A_1037] {strides = array<i32>} : memref<128x32xf32, #tpu.memory_space<vmem>>, vector<16xf32>,
      %add3A_1039 = arith.addf %add3A_1034, %get3A_1038 : vector<16xf32>
      %mul3A_1040 = arith.constant 1.250000e-01 : f32
      %mul3A_1041 = vector.broadcast %mul3A_1040 : f32 to vector<16xf32>
      %mul3A_1042 = arith.mulf %add3A_1039, %mul3A_1041 : vector<16xf32>
      %mul3A_1043 = arith.constant 16 : i32
      %mul3A_1044 = arith.muli %scan3A_10, %mul3A_1043 : i32
      %add3A_1045 = arith.constant 9 : i32
      %add3A_1046 = arith.addi %mul3A_1044, %add3A_1045 : i32
      %swap3A_1047 = arith.index_cast %add3A_1046 : i32 to index
      %swap3A_1048 = arith.constant 16 : index
      %swap3A_1049 = tpu.vector_load %arg10[%swap3A_1047, %swap3A_1048] {strides = array<i32>} : memref<1024x32xf32, #tpu.memory_space<vmem>>, vector<16xf32>,
      tpu.vector_store %arg10[%swap3A_1047, %swap3A_1048], %mul3A_1042 {strides = array<i32>} : memref<1024x32xf32, #tpu.memory_space<vmem>>, vector<16xf32>,
      %get3A_1050 = arith.constant 80 : i32
      %get3A_1051 = arith.index_cast %get3A_1050 : i32 to index
      %get3A_1052 = arith.constant 0 : index
      %get3A_1053 = tpu.vector_load %arg9[%get3A_1051, %get3A_1052] {strides = array<i32>} : memref<128x32xf32, #tpu.memory_space<vmem>>, vector<16xf32>,
      %get3A_1054 = arith.constant 81 : i32
      %get3A_1055 = arith.index_cast %get3A_1054 : i32 to index
      %get3A_1056 = arith.constant 0 : index
      %get3A_1057 = tpu.vector_load %arg9[%get3A_1055, %get3A_1056] {strides = array<i32>} : memref<128x32xf32, #tpu.memory_space<vmem>>, vector<16xf32>,
      %add3A_1058 = arith.addf %get3A_1053, %get3A_1057 : vector<16xf32>
      %get3A_1059 = arith.constant 82 : i32
      %get3A_1060 = arith.index_cast %get3A_1059 : i32 to index
      %get3A_1061 = arith.constant 0 : index
      %get3A_1062 = tpu.vector_load %arg9[%get3A_1060, %get3A_1061] {strides = array<i32>} : memref<128x32xf32, #tpu.memory_space<vmem>>, vector<16xf32>,
      %add3A_1063 = arith.addf %add3A_1058, %get3A_1062 : vector<16xf32>
      %get3A_1064 = arith.constant 83 : i32
      %get3A_1065 = arith.index_cast %get3A_1064 : i32 to index
      %get3A_1066 = arith.constant 0 : index
      %get3A_1067 = tpu.vector_load %arg9[%get3A_1065, %get3A_1066] {strides = array<i32>} : memref<128x32xf32, #tpu.memory_space<vmem>>, vector<16xf32>,
      %add3A_1068 = arith.addf %add3A_1063, %get3A_1067 : vector<16xf32>
      %get3A_1069 = arith.constant 84 : i32
      %get3A_1070 = arith.index_cast %get3A_1069 : i32 to index
      %get3A_1071 = arith.constant 0 : index
      %get3A_1072 = tpu.vector_load %arg9[%get3A_1070, %get3A_1071] {strides = array<i32>} : memref<128x32xf32, #tpu.memory_space<vmem>>, vector<16xf32>,
      %add3A_1073 = arith.addf %add3A_1068, %get3A_1072 : vector<16xf32>
      %get3A_1074 = arith.constant 85 : i32
      %get3A_1075 = arith.index_cast %get3A_1074 : i32 to index
      %get3A_1076 = arith.constant 0 : index
      %get3A_1077 = tpu.vector_load %arg9[%get3A_1075, %get3A_1076] {strides = array<i32>} : memref<128x32xf32, #tpu.memory_space<vmem>>, vector<16xf32>,
      %add3A_1078 = arith.addf %add3A_1073, %get3A_1077 : vector<16xf32>
      %get3A_1079 = arith.constant 86 : i32
      %get3A_1080 = arith.index_cast %get3A_1079 : i32 to index
      %get3A_1081 = arith.constant 0 : index
      %get3A_1082 = tpu.vector_load %arg9[%get3A_1080, %get3A_1081] {strides = array<i32>} : memref<128x32xf32, #tpu.memory_space<vmem>>, vector<16xf32>,
      %add3A_1083 = arith.addf %add3A_1078, %get3A_1082 : vector<16xf32>
      %get3A_1084 = arith.constant 87 : i32
      %get3A_1085 = arith.index_cast %get3A_1084 : i32 to index
      %get3A_1086 = arith.constant 0 : index
      %get3A_1087 = tpu.vector_load %arg9[%get3A_1085, %get3A_1086] {strides = array<i32>} : memref<128x32xf32, #tpu.memory_space<vmem>>, vector<16xf32>,
      %add3A_1088 = arith.addf %add3A_1083, %get3A_1087 : vector<16xf32>
      %mul3A_1089 = arith.constant 1.250000e-01 : f32
      %mul3A_1090 = vector.broadcast %mul3A_1089 : f32 to vector<16xf32>
      %mul3A_1091 = arith.mulf %add3A_1088, %mul3A_1090 : vector<16xf32>
      %mul3A_1092 = arith.constant 16 : i32
      %mul3A_1093 = arith.muli %scan3A_10, %mul3A_1092 : i32
      %add3A_1094 = arith.constant 10 : i32
      %add3A_1095 = arith.addi %mul3A_1093, %add3A_1094 : i32
      %swap3A_1096 = arith.index_cast %add3A_1095 : i32 to index
      %swap3A_1097 = arith.constant 0 : index
      %swap3A_1098 = tpu.vector_load %arg10[%swap3A_1096, %swap3A_1097] {strides = array<i32>} : memref<1024x32xf32, #tpu.memory_space<vmem>>, vector<16xf32>,
      tpu.vector_store %arg10[%swap3A_1096, %swap3A_1097], %mul3A_1091 {strides = array<i32>} : memref<1024x32xf32, #tpu.memory_space<vmem>>, vector<16xf32>,
      %get3A_1099 = arith.constant 80 : i32
      %get3A_1100 = arith.index_cast %get3A_1099 : i32 to index
      %get3A_1101 = arith.constant 16 : index
      %get3A_1102 = tpu.vector_load %arg9[%get3A_1100, %get3A_1101] {strides = array<i32>} : memref<128x32xf32, #tpu.memory_space<vmem>>, vector<16xf32>,
      %get3A_1103 = arith.constant 81 : i32
      %get3A_1104 = arith.index_cast %get3A_1103 : i32 to index
      %get3A_1105 = arith.constant 16 : index
      %get3A_1106 = tpu.vector_load %arg9[%get3A_1104, %get3A_1105] {strides = array<i32>} : memref<128x32xf32, #tpu.memory_space<vmem>>, vector<16xf32>,
      %add3A_1107 = arith.addf %get3A_1102, %get3A_1106 : vector<16xf32>
      %get3A_1108 = arith.constant 82 : i32
      %get3A_1109 = arith.index_cast %get3A_1108 : i32 to index
      %get3A_1110 = arith.constant 16 : index
      %get3A_1111 = tpu.vector_load %arg9[%get3A_1109, %get3A_1110] {strides = array<i32>} : memref<128x32xf32, #tpu.memory_space<vmem>>, vector<16xf32>,
      %add3A_1112 = arith.addf %add3A_1107, %get3A_1111 : vector<16xf32>
      %get3A_1113 = arith.constant 83 : i32
      %get3A_1114 = arith.index_cast %get3A_1113 : i32 to index
      %get3A_1115 = arith.constant 16 : index
      %get3A_1116 = tpu.vector_load %arg9[%get3A_1114, %get3A_1115] {strides = array<i32>} : memref<128x32xf32, #tpu.memory_space<vmem>>, vector<16xf32>,
      %add3A_1117 = arith.addf %add3A_1112, %get3A_1116 : vector<16xf32>
      %get3A_1118 = arith.constant 84 : i32
      %get3A_1119 = arith.index_cast %get3A_1118 : i32 to index
      %get3A_1120 = arith.constant 16 : index
      %get3A_1121 = tpu.vector_load %arg9[%get3A_1119, %get3A_1120] {strides = array<i32>} : memref<128x32xf32, #tpu.memory_space<vmem>>, vector<16xf32>,
      %add3A_1122 = arith.addf %add3A_1117, %get3A_1121 : vector<16xf32>
      %get3A_1123 = arith.constant 85 : i32
      %get3A_1124 = arith.index_cast %get3A_1123 : i32 to index
      %get3A_1125 = arith.constant 16 : index
      %get3A_1126 = tpu.vector_load %arg9[%get3A_1124, %get3A_1125] {strides = array<i32>} : memref<128x32xf32, #tpu.memory_space<vmem>>, vector<16xf32>,
      %add3A_1127 = arith.addf %add3A_1122, %get3A_1126 : vector<16xf32>
      %get3A_1128 = arith.constant 86 : i32
      %get3A_1129 = arith.index_cast %get3A_1128 : i32 to index
      %get3A_1130 = arith.constant 16 : index
      %get3A_1131 = tpu.vector_load %arg9[%get3A_1129, %get3A_1130] {strides = array<i32>} : memref<128x32xf32, #tpu.memory_space<vmem>>, vector<16xf32>,
      %add3A_1132 = arith.addf %add3A_1127, %get3A_1131 : vector<16xf32>
      %get3A_1133 = arith.constant 87 : i32
      %get3A_1134 = arith.index_cast %get3A_1133 : i32 to index
      %get3A_1135 = arith.constant 16 : index
      %get3A_1136 = tpu.vector_load %arg9[%get3A_1134, %get3A_1135] {strides = array<i32>} : memref<128x32xf32, #tpu.memory_space<vmem>>, vector<16xf32>,
      %add3A_1137 = arith.addf %add3A_1132, %get3A_1136 : vector<16xf32>
      %mul3A_1138 = arith.constant 1.250000e-01 : f32
      %mul3A_1139 = vector.broadcast %mul3A_1138 : f32 to vector<16xf32>
      %mul3A_1140 = arith.mulf %add3A_1137, %mul3A_1139 : vector<16xf32>
      %mul3A_1141 = arith.constant 16 : i32
      %mul3A_1142 = arith.muli %scan3A_10, %mul3A_1141 : i32
      %add3A_1143 = arith.constant 10 : i32
      %add3A_1144 = arith.addi %mul3A_1142, %add3A_1143 : i32
      %swap3A_1145 = arith.index_cast %add3A_1144 : i32 to index
      %swap3A_1146 = arith.constant 16 : index
      %swap3A_1147 = tpu.vector_load %arg10[%swap3A_1145, %swap3A_1146] {strides = array<i32>} : memref<1024x32xf32, #tpu.memory_space<vmem>>, vector<16xf32>,
      tpu.vector_store %arg10[%swap3A_1145, %swap3A_1146], %mul3A_1140 {strides = array<i32>} : memref<1024x32xf32, #tpu.memory_space<vmem>>, vector<16xf32>,
      %get3A_1148 = arith.constant 88 : i32
      %get3A_1149 = arith.index_cast %get3A_1148 : i32 to index
      %get3A_1150 = arith.constant 0 : index
      %get3A_1151 = tpu.vector_load %arg9[%get3A_1149, %get3A_1150] {strides = array<i32>} : memref<128x32xf32, #tpu.memory_space<vmem>>, vector<16xf32>,
      %get3A_1152 = arith.constant 89 : i32
      %get3A_1153 = arith.index_cast %get3A_1152 : i32 to index
      %get3A_1154 = arith.constant 0 : index
      %get3A_1155 = tpu.vector_load %arg9[%get3A_1153, %get3A_1154] {strides = array<i32>} : memref<128x32xf32, #tpu.memory_space<vmem>>, vector<16xf32>,
      %add3A_1156 = arith.addf %get3A_1151, %get3A_1155 : vector<16xf32>
      %get3A_1157 = arith.constant 90 : i32
      %get3A_1158 = arith.index_cast %get3A_1157 : i32 to index
      %get3A_1159 = arith.constant 0 : index
      %get3A_1160 = tpu.vector_load %arg9[%get3A_1158, %get3A_1159] {strides = array<i32>} : memref<128x32xf32, #tpu.memory_space<vmem>>, vector<16xf32>,
      %add3A_1161 = arith.addf %add3A_1156, %get3A_1160 : vector<16xf32>
      %get3A_1162 = arith.constant 91 : i32
      %get3A_1163 = arith.index_cast %get3A_1162 : i32 to index
      %get3A_1164 = arith.constant 0 : index
      %get3A_1165 = tpu.vector_load %arg9[%get3A_1163, %get3A_1164] {strides = array<i32>} : memref<128x32xf32, #tpu.memory_space<vmem>>, vector<16xf32>,
      %add3A_1166 = arith.addf %add3A_1161, %get3A_1165 : vector<16xf32>
      %get3A_1167 = arith.constant 92 : i32
      %get3A_1168 = arith.index_cast %get3A_1167 : i32 to index
      %get3A_1169 = arith.constant 0 : index
      %get3A_1170 = tpu.vector_load %arg9[%get3A_1168, %get3A_1169] {strides = array<i32>} : memref<128x32xf32, #tpu.memory_space<vmem>>, vector<16xf32>,
      %add3A_1171 = arith.addf %add3A_1166, %get3A_1170 : vector<16xf32>
      %get3A_1172 = arith.constant 93 : i32
      %get3A_1173 = arith.index_cast %get3A_1172 : i32 to index
      %get3A_1174 = arith.constant 0 : index
      %get3A_1175 = tpu.vector_load %arg9[%get3A_1173, %get3A_1174] {strides = array<i32>} : memref<128x32xf32, #tpu.memory_space<vmem>>, vector<16xf32>,
      %add3A_1176 = arith.addf %add3A_1171, %get3A_1175 : vector<16xf32>
      %get3A_1177 = arith.constant 94 : i32
      %get3A_1178 = arith.index_cast %get3A_1177 : i32 to index
      %get3A_1179 = arith.constant 0 : index
      %get3A_1180 = tpu.vector_load %arg9[%get3A_1178, %get3A_1179] {strides = array<i32>} : memref<128x32xf32, #tpu.memory_space<vmem>>, vector<16xf32>,
      %add3A_1181 = arith.addf %add3A_1176, %get3A_1180 : vector<16xf32>
      %get3A_1182 = arith.constant 95 : i32
      %get3A_1183 = arith.index_cast %get3A_1182 : i32 to index
      %get3A_1184 = arith.constant 0 : index
      %get3A_1185 = tpu.vector_load %arg9[%get3A_1183, %get3A_1184] {strides = array<i32>} : memref<128x32xf32, #tpu.memory_space<vmem>>, vector<16xf32>,
      %add3A_1186 = arith.addf %add3A_1181, %get3A_1185 : vector<16xf32>
      %mul3A_1187 = arith.constant 1.250000e-01 : f32
      %mul3A_1188 = vector.broadcast %mul3A_1187 : f32 to vector<16xf32>
      %mul3A_1189 = arith.mulf %add3A_1186, %mul3A_1188 : vector<16xf32>
      %mul3A_1190 = arith.constant 16 : i32
      %mul3A_1191 = arith.muli %scan3A_10, %mul3A_1190 : i32
      %add3A_1192 = arith.constant 11 : i32
      %add3A_1193 = arith.addi %mul3A_1191, %add3A_1192 : i32
      %swap3A_1194 = arith.index_cast %add3A_1193 : i32 to index
      %swap3A_1195 = arith.constant 0 : index
      %swap3A_1196 = tpu.vector_load %arg10[%swap3A_1194, %swap3A_1195] {strides = array<i32>} : memref<1024x32xf32, #tpu.memory_space<vmem>>, vector<16xf32>,
      tpu.vector_store %arg10[%swap3A_1194, %swap3A_1195], %mul3A_1189 {strides = array<i32>} : memref<1024x32xf32, #tpu.memory_space<vmem>>, vector<16xf32>,
      %get3A_1197 = arith.constant 88 : i32
      %get3A_1198 = arith.index_cast %get3A_1197 : i32 to index
      %get3A_1199 = arith.constant 16 : index
      %get3A_1200 = tpu.vector_load %arg9[%get3A_1198, %get3A_1199] {strides = array<i32>} : memref<128x32xf32, #tpu.memory_space<vmem>>, vector<16xf32>,
      %get3A_1201 = arith.constant 89 : i32
      %get3A_1202 = arith.index_cast %get3A_1201 : i32 to index
      %get3A_1203 = arith.constant 16 : index
      %get3A_1204 = tpu.vector_load %arg9[%get3A_1202, %get3A_1203] {strides = array<i32>} : memref<128x32xf32, #tpu.memory_space<vmem>>, vector<16xf32>,
      %add3A_1205 = arith.addf %get3A_1200, %get3A_1204 : vector<16xf32>
      %get3A_1206 = arith.constant 90 : i32
      %get3A_1207 = arith.index_cast %get3A_1206 : i32 to index
      %get3A_1208 = arith.constant 16 : index
      %get3A_1209 = tpu.vector_load %arg9[%get3A_1207, %get3A_1208] {strides = array<i32>} : memref<128x32xf32, #tpu.memory_space<vmem>>, vector<16xf32>,
      %add3A_1210 = arith.addf %add3A_1205, %get3A_1209 : vector<16xf32>
      %get3A_1211 = arith.constant 91 : i32
      %get3A_1212 = arith.index_cast %get3A_1211 : i32 to index
      %get3A_1213 = arith.constant 16 : index
      %get3A_1214 = tpu.vector_load %arg9[%get3A_1212, %get3A_1213] {strides = array<i32>} : memref<128x32xf32, #tpu.memory_space<vmem>>, vector<16xf32>,
      %add3A_1215 = arith.addf %add3A_1210, %get3A_1214 : vector<16xf32>
      %get3A_1216 = arith.constant 92 : i32
      %get3A_1217 = arith.index_cast %get3A_1216 : i32 to index
      %get3A_1218 = arith.constant 16 : index
      %get3A_1219 = tpu.vector_load %arg9[%get3A_1217, %get3A_1218] {strides = array<i32>} : memref<128x32xf32, #tpu.memory_space<vmem>>, vector<16xf32>,
      %add3A_1220 = arith.addf %add3A_1215, %get3A_1219 : vector<16xf32>
      %get3A_1221 = arith.constant 93 : i32
      %get3A_1222 = arith.index_cast %get3A_1221 : i32 to index
      %get3A_1223 = arith.constant 16 : index
      %get3A_1224 = tpu.vector_load %arg9[%get3A_1222, %get3A_1223] {strides = array<i32>} : memref<128x32xf32, #tpu.memory_space<vmem>>, vector<16xf32>,
      %add3A_1225 = arith.addf %add3A_1220, %get3A_1224 : vector<16xf32>
      %get3A_1226 = arith.constant 94 : i32
      %get3A_1227 = arith.index_cast %get3A_1226 : i32 to index
      %get3A_1228 = arith.constant 16 : index
      %get3A_1229 = tpu.vector_load %arg9[%get3A_1227, %get3A_1228] {strides = array<i32>} : memref<128x32xf32, #tpu.memory_space<vmem>>, vector<16xf32>,
      %add3A_1230 = arith.addf %add3A_1225, %get3A_1229 : vector<16xf32>
      %get3A_1231 = arith.constant 95 : i32
      %get3A_1232 = arith.index_cast %get3A_1231 : i32 to index
      %get3A_1233 = arith.constant 16 : index
      %get3A_1234 = tpu.vector_load %arg9[%get3A_1232, %get3A_1233] {strides = array<i32>} : memref<128x32xf32, #tpu.memory_space<vmem>>, vector<16xf32>,
      %add3A_1235 = arith.addf %add3A_1230, %get3A_1234 : vector<16xf32>
      %mul3A_1236 = arith.constant 1.250000e-01 : f32
      %mul3A_1237 = vector.broadcast %mul3A_1236 : f32 to vector<16xf32>
      %mul3A_1238 = arith.mulf %add3A_1235, %mul3A_1237 : vector<16xf32>
      %mul3A_1239 = arith.constant 16 : i32
      %mul3A_1240 = arith.muli %scan3A_10, %mul3A_1239 : i32
      %add3A_1241 = arith.constant 11 : i32
      %add3A_1242 = arith.addi %mul3A_1240, %add3A_1241 : i32
      %swap3A_1243 = arith.index_cast %add3A_1242 : i32 to index
      %swap3A_1244 = arith.constant 16 : index
      %swap3A_1245 = tpu.vector_load %arg10[%swap3A_1243, %swap3A_1244] {strides = array<i32>} : memref<1024x32xf32, #tpu.memory_space<vmem>>, vector<16xf32>,
      tpu.vector_store %arg10[%swap3A_1243, %swap3A_1244], %mul3A_1238 {strides = array<i32>} : memref<1024x32xf32, #tpu.memory_space<vmem>>, vector<16xf32>,
      %get3A_1246 = arith.constant 96 : i32
      %get3A_1247 = arith.index_cast %get3A_1246 : i32 to index
      %get3A_1248 = arith.constant 0 : index
      %get3A_1249 = tpu.vector_load %arg9[%get3A_1247, %get3A_1248] {strides = array<i32>} : memref<128x32xf32, #tpu.memory_space<vmem>>, vector<16xf32>,
      %get3A_1250 = arith.constant 97 : i32
      %get3A_1251 = arith.index_cast %get3A_1250 : i32 to index
      %get3A_1252 = arith.constant 0 : index
      %get3A_1253 = tpu.vector_load %arg9[%get3A_1251, %get3A_1252] {strides = array<i32>} : memref<128x32xf32, #tpu.memory_space<vmem>>, vector<16xf32>,
      %add3A_1254 = arith.addf %get3A_1249, %get3A_1253 : vector<16xf32>
      %get3A_1255 = arith.constant 98 : i32
      %get3A_1256 = arith.index_cast %get3A_1255 : i32 to index
      %get3A_1257 = arith.constant 0 : index
      %get3A_1258 = tpu.vector_load %arg9[%get3A_1256, %get3A_1257] {strides = array<i32>} : memref<128x32xf32, #tpu.memory_space<vmem>>, vector<16xf32>,
      %add3A_1259 = arith.addf %add3A_1254, %get3A_1258 : vector<16xf32>
      %get3A_1260 = arith.constant 99 : i32
      %get3A_1261 = arith.index_cast %get3A_1260 : i32 to index
      %get3A_1262 = arith.constant 0 : index
      %get3A_1263 = tpu.vector_load %arg9[%get3A_1261, %get3A_1262] {strides = array<i32>} : memref<128x32xf32, #tpu.memory_space<vmem>>, vector<16xf32>,
      %add3A_1264 = arith.addf %add3A_1259, %get3A_1263 : vector<16xf32>
      %get3A_1265 = arith.constant 100 : i32
      %get3A_1266 = arith.index_cast %get3A_1265 : i32 to index
      %get3A_1267 = arith.constant 0 : index
      %get3A_1268 = tpu.vector_load %arg9[%get3A_1266, %get3A_1267] {strides = array<i32>} : memref<128x32xf32, #tpu.memory_space<vmem>>, vector<16xf32>,
      %add3A_1269 = arith.addf %add3A_1264, %get3A_1268 : vector<16xf32>
      %get3A_1270 = arith.constant 101 : i32
      %get3A_1271 = arith.index_cast %get3A_1270 : i32 to index
      %get3A_1272 = arith.constant 0 : index
      %get3A_1273 = tpu.vector_load %arg9[%get3A_1271, %get3A_1272] {strides = array<i32>} : memref<128x32xf32, #tpu.memory_space<vmem>>, vector<16xf32>,
      %add3A_1274 = arith.addf %add3A_1269, %get3A_1273 : vector<16xf32>
      %get3A_1275 = arith.constant 102 : i32
      %get3A_1276 = arith.index_cast %get3A_1275 : i32 to index
      %get3A_1277 = arith.constant 0 : index
      %get3A_1278 = tpu.vector_load %arg9[%get3A_1276, %get3A_1277] {strides = array<i32>} : memref<128x32xf32, #tpu.memory_space<vmem>>, vector<16xf32>,
      %add3A_1279 = arith.addf %add3A_1274, %get3A_1278 : vector<16xf32>
      %get3A_1280 = arith.constant 103 : i32
      %get3A_1281 = arith.index_cast %get3A_1280 : i32 to index
      %get3A_1282 = arith.constant 0 : index
      %get3A_1283 = tpu.vector_load %arg9[%get3A_1281, %get3A_1282] {strides = array<i32>} : memref<128x32xf32, #tpu.memory_space<vmem>>, vector<16xf32>,
      %add3A_1284 = arith.addf %add3A_1279, %get3A_1283 : vector<16xf32>
      %mul3A_1285 = arith.constant 1.250000e-01 : f32
      %mul3A_1286 = vector.broadcast %mul3A_1285 : f32 to vector<16xf32>
      %mul3A_1287 = arith.mulf %add3A_1284, %mul3A_1286 : vector<16xf32>
      %mul3A_1288 = arith.constant 16 : i32
      %mul3A_1289 = arith.muli %scan3A_10, %mul3A_1288 : i32
      %add3A_1290 = arith.constant 12 : i32
      %add3A_1291 = arith.addi %mul3A_1289, %add3A_1290 : i32
      %swap3A_1292 = arith.index_cast %add3A_1291 : i32 to index
      %swap3A_1293 = arith.constant 0 : index
      %swap3A_1294 = tpu.vector_load %arg10[%swap3A_1292, %swap3A_1293] {strides = array<i32>} : memref<1024x32xf32, #tpu.memory_space<vmem>>, vector<16xf32>,
      tpu.vector_store %arg10[%swap3A_1292, %swap3A_1293], %mul3A_1287 {strides = array<i32>} : memref<1024x32xf32, #tpu.memory_space<vmem>>, vector<16xf32>,
      %get3A_1295 = arith.constant 96 : i32
      %get3A_1296 = arith.index_cast %get3A_1295 : i32 to index
      %get3A_1297 = arith.constant 16 : index
      %get3A_1298 = tpu.vector_load %arg9[%get3A_1296, %get3A_1297] {strides = array<i32>} : memref<128x32xf32, #tpu.memory_space<vmem>>, vector<16xf32>,
      %get3A_1299 = arith.constant 97 : i32
      %get3A_1300 = arith.index_cast %get3A_1299 : i32 to index
      %get3A_1301 = arith.constant 16 : index
      %get3A_1302 = tpu.vector_load %arg9[%get3A_1300, %get3A_1301] {strides = array<i32>} : memref<128x32xf32, #tpu.memory_space<vmem>>, vector<16xf32>,
      %add3A_1303 = arith.addf %get3A_1298, %get3A_1302 : vector<16xf32>
      %get3A_1304 = arith.constant 98 : i32
      %get3A_1305 = arith.index_cast %get3A_1304 : i32 to index
      %get3A_1306 = arith.constant 16 : index
      %get3A_1307 = tpu.vector_load %arg9[%get3A_1305, %get3A_1306] {strides = array<i32>} : memref<128x32xf32, #tpu.memory_space<vmem>>, vector<16xf32>,
      %add3A_1308 = arith.addf %add3A_1303, %get3A_1307 : vector<16xf32>
      %get3A_1309 = arith.constant 99 : i32
      %get3A_1310 = arith.index_cast %get3A_1309 : i32 to index
      %get3A_1311 = arith.constant 16 : index
      %get3A_1312 = tpu.vector_load %arg9[%get3A_1310, %get3A_1311] {strides = array<i32>} : memref<128x32xf32, #tpu.memory_space<vmem>>, vector<16xf32>,
      %add3A_1313 = arith.addf %add3A_1308, %get3A_1312 : vector<16xf32>
      %get3A_1314 = arith.constant 100 : i32
      %get3A_1315 = arith.index_cast %get3A_1314 : i32 to index
      %get3A_1316 = arith.constant 16 : index
      %get3A_1317 = tpu.vector_load %arg9[%get3A_1315, %get3A_1316] {strides = array<i32>} : memref<128x32xf32, #tpu.memory_space<vmem>>, vector<16xf32>,
      %add3A_1318 = arith.addf %add3A_1313, %get3A_1317 : vector<16xf32>
      %get3A_1319 = arith.constant 101 : i32
      %get3A_1320 = arith.index_cast %get3A_1319 : i32 to index
      %get3A_1321 = arith.constant 16 : index
      %get3A_1322 = tpu.vector_load %arg9[%get3A_1320, %get3A_1321] {strides = array<i32>} : memref<128x32xf32, #tpu.memory_space<vmem>>, vector<16xf32>,
      %add3A_1323 = arith.addf %add3A_1318, %get3A_1322 : vector<16xf32>
      %get3A_1324 = arith.constant 102 : i32
      %get3A_1325 = arith.index_cast %get3A_1324 : i32 to index
      %get3A_1326 = arith.constant 16 : index
      %get3A_1327 = tpu.vector_load %arg9[%get3A_1325, %get3A_1326] {strides = array<i32>} : memref<128x32xf32, #tpu.memory_space<vmem>>, vector<16xf32>,
      %add3A_1328 = arith.addf %add3A_1323, %get3A_1327 : vector<16xf32>
      %get3A_1329 = arith.constant 103 : i32
      %get3A_1330 = arith.index_cast %get3A_1329 : i32 to index
      %get3A_1331 = arith.constant 16 : index
      %get3A_1332 = tpu.vector_load %arg9[%get3A_1330, %get3A_1331] {strides = array<i32>} : memref<128x32xf32, #tpu.memory_space<vmem>>, vector<16xf32>,
      %add3A_1333 = arith.addf %add3A_1328, %get3A_1332 : vector<16xf32>
      %mul3A_1334 = arith.constant 1.250000e-01 : f32
      %mul3A_1335 = vector.broadcast %mul3A_1334 : f32 to vector<16xf32>
      %mul3A_1336 = arith.mulf %add3A_1333, %mul3A_1335 : vector<16xf32>
      %mul3A_1337 = arith.constant 16 : i32
      %mul3A_1338 = arith.muli %scan3A_10, %mul3A_1337 : i32
      %add3A_1339 = arith.constant 12 : i32
      %add3A_1340 = arith.addi %mul3A_1338, %add3A_1339 : i32
      %swap3A_1341 = arith.index_cast %add3A_1340 : i32 to index
      %swap3A_1342 = arith.constant 16 : index
      %swap3A_1343 = tpu.vector_load %arg10[%swap3A_1341, %swap3A_1342] {strides = array<i32>} : memref<1024x32xf32, #tpu.memory_space<vmem>>, vector<16xf32>,
      tpu.vector_store %arg10[%swap3A_1341, %swap3A_1342], %mul3A_1336 {strides = array<i32>} : memref<1024x32xf32, #tpu.memory_space<vmem>>, vector<16xf32>,
      %get3A_1344 = arith.constant 104 : i32
      %get3A_1345 = arith.index_cast %get3A_1344 : i32 to index
      %get3A_1346 = arith.constant 0 : index
      %get3A_1347 = tpu.vector_load %arg9[%get3A_1345, %get3A_1346] {strides = array<i32>} : memref<128x32xf32, #tpu.memory_space<vmem>>, vector<16xf32>,
      %get3A_1348 = arith.constant 105 : i32
      %get3A_1349 = arith.index_cast %get3A_1348 : i32 to index
      %get3A_1350 = arith.constant 0 : index
      %get3A_1351 = tpu.vector_load %arg9[%get3A_1349, %get3A_1350] {strides = array<i32>} : memref<128x32xf32, #tpu.memory_space<vmem>>, vector<16xf32>,
      %add3A_1352 = arith.addf %get3A_1347, %get3A_1351 : vector<16xf32>
      %get3A_1353 = arith.constant 106 : i32
      %get3A_1354 = arith.index_cast %get3A_1353 : i32 to index
      %get3A_1355 = arith.constant 0 : index
      %get3A_1356 = tpu.vector_load %arg9[%get3A_1354, %get3A_1355] {strides = array<i32>} : memref<128x32xf32, #tpu.memory_space<vmem>>, vector<16xf32>,
      %add3A_1357 = arith.addf %add3A_1352, %get3A_1356 : vector<16xf32>
      %get3A_1358 = arith.constant 107 : i32
      %get3A_1359 = arith.index_cast %get3A_1358 : i32 to index
      %get3A_1360 = arith.constant 0 : index
      %get3A_1361 = tpu.vector_load %arg9[%get3A_1359, %get3A_1360] {strides = array<i32>} : memref<128x32xf32, #tpu.memory_space<vmem>>, vector<16xf32>,
      %add3A_1362 = arith.addf %add3A_1357, %get3A_1361 : vector<16xf32>
      %get3A_1363 = arith.constant 108 : i32
      %get3A_1364 = arith.index_cast %get3A_1363 : i32 to index
      %get3A_1365 = arith.constant 0 : index
      %get3A_1366 = tpu.vector_load %arg9[%get3A_1364, %get3A_1365] {strides = array<i32>} : memref<128x32xf32, #tpu.memory_space<vmem>>, vector<16xf32>,
      %add3A_1367 = arith.addf %add3A_1362, %get3A_1366 : vector<16xf32>
      %get3A_1368 = arith.constant 109 : i32
      %get3A_1369 = arith.index_cast %get3A_1368 : i32 to index
      %get3A_1370 = arith.constant 0 : index
      %get3A_1371 = tpu.vector_load %arg9[%get3A_1369, %get3A_1370] {strides = array<i32>} : memref<128x32xf32, #tpu.memory_space<vmem>>, vector<16xf32>,
      %add3A_1372 = arith.addf %add3A_1367, %get3A_1371 : vector<16xf32>
      %get3A_1373 = arith.constant 110 : i32
      %get3A_1374 = arith.index_cast %get3A_1373 : i32 to index
      %get3A_1375 = arith.constant 0 : index
      %get3A_1376 = tpu.vector_load %arg9[%get3A_1374, %get3A_1375] {strides = array<i32>} : memref<128x32xf32, #tpu.memory_space<vmem>>, vector<16xf32>,
      %add3A_1377 = arith.addf %add3A_1372, %get3A_1376 : vector<16xf32>
      %get3A_1378 = arith.constant 111 : i32
      %get3A_1379 = arith.index_cast %get3A_1378 : i32 to index
      %get3A_1380 = arith.constant 0 : index
      %get3A_1381 = tpu.vector_load %arg9[%get3A_1379, %get3A_1380] {strides = array<i32>} : memref<128x32xf32, #tpu.memory_space<vmem>>, vector<16xf32>,
      %add3A_1382 = arith.addf %add3A_1377, %get3A_1381 : vector<16xf32>
      %mul3A_1383 = arith.constant 1.250000e-01 : f32
      %mul3A_1384 = vector.broadcast %mul3A_1383 : f32 to vector<16xf32>
      %mul3A_1385 = arith.mulf %add3A_1382, %mul3A_1384 : vector<16xf32>
      %mul3A_1386 = arith.constant 16 : i32
      %mul3A_1387 = arith.muli %scan3A_10, %mul3A_1386 : i32
      %add3A_1388 = arith.constant 13 : i32
      %add3A_1389 = arith.addi %mul3A_1387, %add3A_1388 : i32
      %swap3A_1390 = arith.index_cast %add3A_1389 : i32 to index
      %swap3A_1391 = arith.constant 0 : index
      %swap3A_1392 = tpu.vector_load %arg10[%swap3A_1390, %swap3A_1391] {strides = array<i32>} : memref<1024x32xf32, #tpu.memory_space<vmem>>, vector<16xf32>,
      tpu.vector_store %arg10[%swap3A_1390, %swap3A_1391], %mul3A_1385 {strides = array<i32>} : memref<1024x32xf32, #tpu.memory_space<vmem>>, vector<16xf32>,
      %get3A_1393 = arith.constant 104 : i32
      %get3A_1394 = arith.index_cast %get3A_1393 : i32 to index
      %get3A_1395 = arith.constant 16 : index
      %get3A_1396 = tpu.vector_load %arg9[%get3A_1394, %get3A_1395] {strides = array<i32>} : memref<128x32xf32, #tpu.memory_space<vmem>>, vector<16xf32>,
      %get3A_1397 = arith.constant 105 : i32
      %get3A_1398 = arith.index_cast %get3A_1397 : i32 to index
      %get3A_1399 = arith.constant 16 : index
      %get3A_1400 = tpu.vector_load %arg9[%get3A_1398, %get3A_1399] {strides = array<i32>} : memref<128x32xf32, #tpu.memory_space<vmem>>, vector<16xf32>,
      %add3A_1401 = arith.addf %get3A_1396, %get3A_1400 : vector<16xf32>
      %get3A_1402 = arith.constant 106 : i32
      %get3A_1403 = arith.index_cast %get3A_1402 : i32 to index
      %get3A_1404 = arith.constant 16 : index
      %get3A_1405 = tpu.vector_load %arg9[%get3A_1403, %get3A_1404] {strides = array<i32>} : memref<128x32xf32, #tpu.memory_space<vmem>>, vector<16xf32>,
      %add3A_1406 = arith.addf %add3A_1401, %get3A_1405 : vector<16xf32>
      %get3A_1407 = arith.constant 107 : i32
      %get3A_1408 = arith.index_cast %get3A_1407 : i32 to index
      %get3A_1409 = arith.constant 16 : index
      %get3A_1410 = tpu.vector_load %arg9[%get3A_1408, %get3A_1409] {strides = array<i32>} : memref<128x32xf32, #tpu.memory_space<vmem>>, vector<16xf32>,
      %add3A_1411 = arith.addf %add3A_1406, %get3A_1410 : vector<16xf32>
      %get3A_1412 = arith.constant 108 : i32
      %get3A_1413 = arith.index_cast %get3A_1412 : i32 to index
      %get3A_1414 = arith.constant 16 : index
      %get3A_1415 = tpu.vector_load %arg9[%get3A_1413, %get3A_1414] {strides = array<i32>} : memref<128x32xf32, #tpu.memory_space<vmem>>, vector<16xf32>,
      %add3A_1416 = arith.addf %add3A_1411, %get3A_1415 : vector<16xf32>
      %get3A_1417 = arith.constant 109 : i32
      %get3A_1418 = arith.index_cast %get3A_1417 : i32 to index
      %get3A_1419 = arith.constant 16 : index
      %get3A_1420 = tpu.vector_load %arg9[%get3A_1418, %get3A_1419] {strides = array<i32>} : memref<128x32xf32, #tpu.memory_space<vmem>>, vector<16xf32>,
      %add3A_1421 = arith.addf %add3A_1416, %get3A_1420 : vector<16xf32>
      %get3A_1422 = arith.constant 110 : i32
      %get3A_1423 = arith.index_cast %get3A_1422 : i32 to index
      %get3A_1424 = arith.constant 16 : index
      %get3A_1425 = tpu.vector_load %arg9[%get3A_1423, %get3A_1424] {strides = array<i32>} : memref<128x32xf32, #tpu.memory_space<vmem>>, vector<16xf32>,
      %add3A_1426 = arith.addf %add3A_1421, %get3A_1425 : vector<16xf32>
      %get3A_1427 = arith.constant 111 : i32
      %get3A_1428 = arith.index_cast %get3A_1427 : i32 to index
      %get3A_1429 = arith.constant 16 : index
      %get3A_1430 = tpu.vector_load %arg9[%get3A_1428, %get3A_1429] {strides = array<i32>} : memref<128x32xf32, #tpu.memory_space<vmem>>, vector<16xf32>,
      %add3A_1431 = arith.addf %add3A_1426, %get3A_1430 : vector<16xf32>
      %mul3A_1432 = arith.constant 1.250000e-01 : f32
      %mul3A_1433 = vector.broadcast %mul3A_1432 : f32 to vector<16xf32>
      %mul3A_1434 = arith.mulf %add3A_1431, %mul3A_1433 : vector<16xf32>
      %mul3A_1435 = arith.constant 16 : i32
      %mul3A_1436 = arith.muli %scan3A_10, %mul3A_1435 : i32
      %add3A_1437 = arith.constant 13 : i32
      %add3A_1438 = arith.addi %mul3A_1436, %add3A_1437 : i32
      %swap3A_1439 = arith.index_cast %add3A_1438 : i32 to index
      %swap3A_1440 = arith.constant 16 : index
      %swap3A_1441 = tpu.vector_load %arg10[%swap3A_1439, %swap3A_1440] {strides = array<i32>} : memref<1024x32xf32, #tpu.memory_space<vmem>>, vector<16xf32>,
      tpu.vector_store %arg10[%swap3A_1439, %swap3A_1440], %mul3A_1434 {strides = array<i32>} : memref<1024x32xf32, #tpu.memory_space<vmem>>, vector<16xf32>,
      %get3A_1442 = arith.constant 112 : i32
      %get3A_1443 = arith.index_cast %get3A_1442 : i32 to index
      %get3A_1444 = arith.constant 0 : index
      %get3A_1445 = tpu.vector_load %arg9[%get3A_1443, %get3A_1444] {strides = array<i32>} : memref<128x32xf32, #tpu.memory_space<vmem>>, vector<16xf32>,
      %get3A_1446 = arith.constant 113 : i32
      %get3A_1447 = arith.index_cast %get3A_1446 : i32 to index
      %get3A_1448 = arith.constant 0 : index
      %get3A_1449 = tpu.vector_load %arg9[%get3A_1447, %get3A_1448] {strides = array<i32>} : memref<128x32xf32, #tpu.memory_space<vmem>>, vector<16xf32>,
      %add3A_1450 = arith.addf %get3A_1445, %get3A_1449 : vector<16xf32>
      %get3A_1451 = arith.constant 114 : i32
      %get3A_1452 = arith.index_cast %get3A_1451 : i32 to index
      %get3A_1453 = arith.constant 0 : index
      %get3A_1454 = tpu.vector_load %arg9[%get3A_1452, %get3A_1453] {strides = array<i32>} : memref<128x32xf32, #tpu.memory_space<vmem>>, vector<16xf32>,
      %add3A_1455 = arith.addf %add3A_1450, %get3A_1454 : vector<16xf32>
      %get3A_1456 = arith.constant 115 : i32
      %get3A_1457 = arith.index_cast %get3A_1456 : i32 to index
      %get3A_1458 = arith.constant 0 : index
      %get3A_1459 = tpu.vector_load %arg9[%get3A_1457, %get3A_1458] {strides = array<i32>} : memref<128x32xf32, #tpu.memory_space<vmem>>, vector<16xf32>,
      %add3A_1460 = arith.addf %add3A_1455, %get3A_1459 : vector<16xf32>
      %get3A_1461 = arith.constant 116 : i32
      %get3A_1462 = arith.index_cast %get3A_1461 : i32 to index
      %get3A_1463 = arith.constant 0 : index
      %get3A_1464 = tpu.vector_load %arg9[%get3A_1462, %get3A_1463] {strides = array<i32>} : memref<128x32xf32, #tpu.memory_space<vmem>>, vector<16xf32>,
      %add3A_1465 = arith.addf %add3A_1460, %get3A_1464 : vector<16xf32>
      %get3A_1466 = arith.constant 117 : i32
      %get3A_1467 = arith.index_cast %get3A_1466 : i32 to index
      %get3A_1468 = arith.constant 0 : index
      %get3A_1469 = tpu.vector_load %arg9[%get3A_1467, %get3A_1468] {strides = array<i32>} : memref<128x32xf32, #tpu.memory_space<vmem>>, vector<16xf32>,
      %add3A_1470 = arith.addf %add3A_1465, %get3A_1469 : vector<16xf32>
      %get3A_1471 = arith.constant 118 : i32
      %get3A_1472 = arith.index_cast %get3A_1471 : i32 to index
      %get3A_1473 = arith.constant 0 : index
      %get3A_1474 = tpu.vector_load %arg9[%get3A_1472, %get3A_1473] {strides = array<i32>} : memref<128x32xf32, #tpu.memory_space<vmem>>, vector<16xf32>,
      %add3A_1475 = arith.addf %add3A_1470, %get3A_1474 : vector<16xf32>
      %get3A_1476 = arith.constant 119 : i32
      %get3A_1477 = arith.index_cast %get3A_1476 : i32 to index
      %get3A_1478 = arith.constant 0 : index
      %get3A_1479 = tpu.vector_load %arg9[%get3A_1477, %get3A_1478] {strides = array<i32>} : memref<128x32xf32, #tpu.memory_space<vmem>>, vector<16xf32>,
      %add3A_1480 = arith.addf %add3A_1475, %get3A_1479 : vector<16xf32>
      %mul3A_1481 = arith.constant 1.250000e-01 : f32
      %mul3A_1482 = vector.broadcast %mul3A_1481 : f32 to vector<16xf32>
      %mul3A_1483 = arith.mulf %add3A_1480, %mul3A_1482 : vector<16xf32>
      %mul3A_1484 = arith.constant 16 : i32
      %mul3A_1485 = arith.muli %scan3A_10, %mul3A_1484 : i32
      %add3A_1486 = arith.constant 14 : i32
      %add3A_1487 = arith.addi %mul3A_1485, %add3A_1486 : i32
      %swap3A_1488 = arith.index_cast %add3A_1487 : i32 to index
      %swap3A_1489 = arith.constant 0 : index
      %swap3A_1490 = tpu.vector_load %arg10[%swap3A_1488, %swap3A_1489] {strides = array<i32>} : memref<1024x32xf32, #tpu.memory_space<vmem>>, vector<16xf32>,
      tpu.vector_store %arg10[%swap3A_1488, %swap3A_1489], %mul3A_1483 {strides = array<i32>} : memref<1024x32xf32, #tpu.memory_space<vmem>>, vector<16xf32>,
      %get3A_1491 = arith.constant 112 : i32
      %get3A_1492 = arith.index_cast %get3A_1491 : i32 to index
      %get3A_1493 = arith.constant 16 : index
      %get3A_1494 = tpu.vector_load %arg9[%get3A_1492, %get3A_1493] {strides = array<i32>} : memref<128x32xf32, #tpu.memory_space<vmem>>, vector<16xf32>,
      %get3A_1495 = arith.constant 113 : i32
      %get3A_1496 = arith.index_cast %get3A_1495 : i32 to index
      %get3A_1497 = arith.constant 16 : index
      %get3A_1498 = tpu.vector_load %arg9[%get3A_1496, %get3A_1497] {strides = array<i32>} : memref<128x32xf32, #tpu.memory_space<vmem>>, vector<16xf32>,
      %add3A_1499 = arith.addf %get3A_1494, %get3A_1498 : vector<16xf32>
      %get3A_1500 = arith.constant 114 : i32
      %get3A_1501 = arith.index_cast %get3A_1500 : i32 to index
      %get3A_1502 = arith.constant 16 : index
      %get3A_1503 = tpu.vector_load %arg9[%get3A_1501, %get3A_1502] {strides = array<i32>} : memref<128x32xf32, #tpu.memory_space<vmem>>, vector<16xf32>,
      %add3A_1504 = arith.addf %add3A_1499, %get3A_1503 : vector<16xf32>
      %get3A_1505 = arith.constant 115 : i32
      %get3A_1506 = arith.index_cast %get3A_1505 : i32 to index
      %get3A_1507 = arith.constant 16 : index
      %get3A_1508 = tpu.vector_load %arg9[%get3A_1506, %get3A_1507] {strides = array<i32>} : memref<128x32xf32, #tpu.memory_space<vmem>>, vector<16xf32>,
      %add3A_1509 = arith.addf %add3A_1504, %get3A_1508 : vector<16xf32>
      %get3A_1510 = arith.constant 116 : i32
      %get3A_1511 = arith.index_cast %get3A_1510 : i32 to index
      %get3A_1512 = arith.constant 16 : index
      %get3A_1513 = tpu.vector_load %arg9[%get3A_1511, %get3A_1512] {strides = array<i32>} : memref<128x32xf32, #tpu.memory_space<vmem>>, vector<16xf32>,
      %add3A_1514 = arith.addf %add3A_1509, %get3A_1513 : vector<16xf32>
      %get3A_1515 = arith.constant 117 : i32
      %get3A_1516 = arith.index_cast %get3A_1515 : i32 to index
      %get3A_1517 = arith.constant 16 : index
      %get3A_1518 = tpu.vector_load %arg9[%get3A_1516, %get3A_1517] {strides = array<i32>} : memref<128x32xf32, #tpu.memory_space<vmem>>, vector<16xf32>,
      %add3A_1519 = arith.addf %add3A_1514, %get3A_1518 : vector<16xf32>
      %get3A_1520 = arith.constant 118 : i32
      %get3A_1521 = arith.index_cast %get3A_1520 : i32 to index
      %get3A_1522 = arith.constant 16 : index
      %get3A_1523 = tpu.vector_load %arg9[%get3A_1521, %get3A_1522] {strides = array<i32>} : memref<128x32xf32, #tpu.memory_space<vmem>>, vector<16xf32>,
      %add3A_1524 = arith.addf %add3A_1519, %get3A_1523 : vector<16xf32>
      %get3A_1525 = arith.constant 119 : i32
      %get3A_1526 = arith.index_cast %get3A_1525 : i32 to index
      %get3A_1527 = arith.constant 16 : index
      %get3A_1528 = tpu.vector_load %arg9[%get3A_1526, %get3A_1527] {strides = array<i32>} : memref<128x32xf32, #tpu.memory_space<vmem>>, vector<16xf32>,
      %add3A_1529 = arith.addf %add3A_1524, %get3A_1528 : vector<16xf32>
      %mul3A_1530 = arith.constant 1.250000e-01 : f32
      %mul3A_1531 = vector.broadcast %mul3A_1530 : f32 to vector<16xf32>
      %mul3A_1532 = arith.mulf %add3A_1529, %mul3A_1531 : vector<16xf32>
      %mul3A_1533 = arith.constant 16 : i32
      %mul3A_1534 = arith.muli %scan3A_10, %mul3A_1533 : i32
      %add3A_1535 = arith.constant 14 : i32
      %add3A_1536 = arith.addi %mul3A_1534, %add3A_1535 : i32
      %swap3A_1537 = arith.index_cast %add3A_1536 : i32 to index
      %swap3A_1538 = arith.constant 16 : index
      %swap3A_1539 = tpu.vector_load %arg10[%swap3A_1537, %swap3A_1538] {strides = array<i32>} : memref<1024x32xf32, #tpu.memory_space<vmem>>, vector<16xf32>,
      tpu.vector_store %arg10[%swap3A_1537, %swap3A_1538], %mul3A_1532 {strides = array<i32>} : memref<1024x32xf32, #tpu.memory_space<vmem>>, vector<16xf32>,
      %get3A_1540 = arith.constant 120 : i32
      %get3A_1541 = arith.index_cast %get3A_1540 : i32 to index
      %get3A_1542 = arith.constant 0 : index
      %get3A_1543 = tpu.vector_load %arg9[%get3A_1541, %get3A_1542] {strides = array<i32>} : memref<128x32xf32, #tpu.memory_space<vmem>>, vector<16xf32>,
      %get3A_1544 = arith.constant 121 : i32
      %get3A_1545 = arith.index_cast %get3A_1544 : i32 to index
      %get3A_1546 = arith.constant 0 : index
      %get3A_1547 = tpu.vector_load %arg9[%get3A_1545, %get3A_1546] {strides = array<i32>} : memref<128x32xf32, #tpu.memory_space<vmem>>, vector<16xf32>,
      %add3A_1548 = arith.addf %get3A_1543, %get3A_1547 : vector<16xf32>
      %get3A_1549 = arith.constant 122 : i32
      %get3A_1550 = arith.index_cast %get3A_1549 : i32 to index
      %get3A_1551 = arith.constant 0 : index
      %get3A_1552 = tpu.vector_load %arg9[%get3A_1550, %get3A_1551] {strides = array<i32>} : memref<128x32xf32, #tpu.memory_space<vmem>>, vector<16xf32>,
      %add3A_1553 = arith.addf %add3A_1548, %get3A_1552 : vector<16xf32>
      %get3A_1554 = arith.constant 123 : i32
      %get3A_1555 = arith.index_cast %get3A_1554 : i32 to index
      %get3A_1556 = arith.constant 0 : index
      %get3A_1557 = tpu.vector_load %arg9[%get3A_1555, %get3A_1556] {strides = array<i32>} : memref<128x32xf32, #tpu.memory_space<vmem>>, vector<16xf32>,
      %add3A_1558 = arith.addf %add3A_1553, %get3A_1557 : vector<16xf32>
      %get3A_1559 = arith.constant 124 : i32
      %get3A_1560 = arith.index_cast %get3A_1559 : i32 to index
      %get3A_1561 = arith.constant 0 : index
      %get3A_1562 = tpu.vector_load %arg9[%get3A_1560, %get3A_1561] {strides = array<i32>} : memref<128x32xf32, #tpu.memory_space<vmem>>, vector<16xf32>,
      %add3A_1563 = arith.addf %add3A_1558, %get3A_1562 : vector<16xf32>
      %get3A_1564 = arith.constant 125 : i32
      %get3A_1565 = arith.index_cast %get3A_1564 : i32 to index
      %get3A_1566 = arith.constant 0 : index
      %get3A_1567 = tpu.vector_load %arg9[%get3A_1565, %get3A_1566] {strides = array<i32>} : memref<128x32xf32, #tpu.memory_space<vmem>>, vector<16xf32>,
      %add3A_1568 = arith.addf %add3A_1563, %get3A_1567 : vector<16xf32>
      %get3A_1569 = arith.constant 126 : i32
      %get3A_1570 = arith.index_cast %get3A_1569 : i32 to index
      %get3A_1571 = arith.constant 0 : index
      %get3A_1572 = tpu.vector_load %arg9[%get3A_1570, %get3A_1571] {strides = array<i32>} : memref<128x32xf32, #tpu.memory_space<vmem>>, vector<16xf32>,
      %add3A_1573 = arith.addf %add3A_1568, %get3A_1572 : vector<16xf32>
      %get3A_1574 = arith.constant 127 : i32
      %get3A_1575 = arith.index_cast %get3A_1574 : i32 to index
      %get3A_1576 = arith.constant 0 : index
      %get3A_1577 = tpu.vector_load %arg9[%get3A_1575, %get3A_1576] {strides = array<i32>} : memref<128x32xf32, #tpu.memory_space<vmem>>, vector<16xf32>,
      %add3A_1578 = arith.addf %add3A_1573, %get3A_1577 : vector<16xf32>
      %mul3A_1579 = arith.constant 1.250000e-01 : f32
      %mul3A_1580 = vector.broadcast %mul3A_1579 : f32 to vector<16xf32>
      %mul3A_1581 = arith.mulf %add3A_1578, %mul3A_1580 : vector<16xf32>
      %mul3A_1582 = arith.constant 16 : i32
      %mul3A_1583 = arith.muli %scan3A_10, %mul3A_1582 : i32
      %add3A_1584 = arith.constant 15 : i32
      %add3A_1585 = arith.addi %mul3A_1583, %add3A_1584 : i32
      %swap3A_1586 = arith.index_cast %add3A_1585 : i32 to index
      %swap3A_1587 = arith.constant 0 : index
      %swap3A_1588 = tpu.vector_load %arg10[%swap3A_1586, %swap3A_1587] {strides = array<i32>} : memref<1024x32xf32, #tpu.memory_space<vmem>>, vector<16xf32>,
      tpu.vector_store %arg10[%swap3A_1586, %swap3A_1587], %mul3A_1581 {strides = array<i32>} : memref<1024x32xf32, #tpu.memory_space<vmem>>, vector<16xf32>,
      %get3A_1589 = arith.constant 120 : i32
      %get3A_1590 = arith.index_cast %get3A_1589 : i32 to index
      %get3A_1591 = arith.constant 16 : index
      %get3A_1592 = tpu.vector_load %arg9[%get3A_1590, %get3A_1591] {strides = array<i32>} : memref<128x32xf32, #tpu.memory_space<vmem>>, vector<16xf32>,
      %get3A_1593 = arith.constant 121 : i32
      %get3A_1594 = arith.index_cast %get3A_1593 : i32 to index
      %get3A_1595 = arith.constant 16 : index
      %get3A_1596 = tpu.vector_load %arg9[%get3A_1594, %get3A_1595] {strides = array<i32>} : memref<128x32xf32, #tpu.memory_space<vmem>>, vector<16xf32>,
      %add3A_1597 = arith.addf %get3A_1592, %get3A_1596 : vector<16xf32>
      %get3A_1598 = arith.constant 122 : i32
      %get3A_1599 = arith.index_cast %get3A_1598 : i32 to index
      %get3A_1600 = arith.constant 16 : index
      %get3A_1601 = tpu.vector_load %arg9[%get3A_1599, %get3A_1600] {strides = array<i32>} : memref<128x32xf32, #tpu.memory_space<vmem>>, vector<16xf32>,
      %add3A_1602 = arith.addf %add3A_1597, %get3A_1601 : vector<16xf32>
      %get3A_1603 = arith.constant 123 : i32
      %get3A_1604 = arith.index_cast %get3A_1603 : i32 to index
      %get3A_1605 = arith.constant 16 : index
      %get3A_1606 = tpu.vector_load %arg9[%get3A_1604, %get3A_1605] {strides = array<i32>} : memref<128x32xf32, #tpu.memory_space<vmem>>, vector<16xf32>,
      %add3A_1607 = arith.addf %add3A_1602, %get3A_1606 : vector<16xf32>
      %get3A_1608 = arith.constant 124 : i32
      %get3A_1609 = arith.index_cast %get3A_1608 : i32 to index
      %get3A_1610 = arith.constant 16 : index
      %get3A_1611 = tpu.vector_load %arg9[%get3A_1609, %get3A_1610] {strides = array<i32>} : memref<128x32xf32, #tpu.memory_space<vmem>>, vector<16xf32>,
      %add3A_1612 = arith.addf %add3A_1607, %get3A_1611 : vector<16xf32>
      %get3A_1613 = arith.constant 125 : i32
      %get3A_1614 = arith.index_cast %get3A_1613 : i32 to index
      %get3A_1615 = arith.constant 16 : index
      %get3A_1616 = tpu.vector_load %arg9[%get3A_1614, %get3A_1615] {strides = array<i32>} : memref<128x32xf32, #tpu.memory_space<vmem>>, vector<16xf32>,
      %add3A_1617 = arith.addf %add3A_1612, %get3A_1616 : vector<16xf32>
      %get3A_1618 = arith.constant 126 : i32
      %get3A_1619 = arith.index_cast %get3A_1618 : i32 to index
      %get3A_1620 = arith.constant 16 : index
      %get3A_1621 = tpu.vector_load %arg9[%get3A_1619, %get3A_1620] {strides = array<i32>} : memref<128x32xf32, #tpu.memory_space<vmem>>, vector<16xf32>,
      %add3A_1622 = arith.addf %add3A_1617, %get3A_1621 : vector<16xf32>
      %get3A_1623 = arith.constant 127 : i32
      %get3A_1624 = arith.index_cast %get3A_1623 : i32 to index
      %get3A_1625 = arith.constant 16 : index
      %get3A_1626 = tpu.vector_load %arg9[%get3A_1624, %get3A_1625] {strides = array<i32>} : memref<128x32xf32, #tpu.memory_space<vmem>>, vector<16xf32>,
      %add3A_1627 = arith.addf %add3A_1622, %get3A_1626 : vector<16xf32>
      %mul3A_1628 = arith.constant 1.250000e-01 : f32
      %mul3A_1629 = vector.broadcast %mul3A_1628 : f32 to vector<16xf32>
      %mul3A_1630 = arith.mulf %add3A_1627, %mul3A_1629 : vector<16xf32>
      %mul3A_1631 = arith.constant 16 : i32
      %mul3A_1632 = arith.muli %scan3A_10, %mul3A_1631 : i32
      %add3A_1633 = arith.constant 15 : i32
      %add3A_1634 = arith.addi %mul3A_1632, %add3A_1633 : i32
      %swap3A_1635 = arith.index_cast %add3A_1634 : i32 to index
      %swap3A_1636 = arith.constant 16 : index
      %swap3A_1637 = tpu.vector_load %arg10[%swap3A_1635, %swap3A_1636] {strides = array<i32>} : memref<1024x32xf32, #tpu.memory_space<vmem>>, vector<16xf32>,
      tpu.vector_store %arg10[%swap3A_1635, %swap3A_1636], %mul3A_1630 {strides = array<i32>} : memref<1024x32xf32, #tpu.memory_space<vmem>>, vector<16xf32>,
    }
    %scan3A_7 = arith.constant 64 : i32
    %mul3A_8 = arith.constant 1024 : i32
    %mul3A_9 = arith.muli %add3A, %mul3A_8 : i32
    "tpu.region"() ({
      %run_scoped3A = tpu.sem_alloc : memref<!tpu.dma_semaphore, #tpu.memory_space<semaphore_mem>>
      %dma_start3A = arith.constant 0 : i32
      %dma_start3A_10 = tpu.memref_slice %arg5[%mul3A_9, %dma_start3A] : memref<32768x32xf32, #tpu.memory_space<hbm>> -> memref<1024x32xf32, #tpu.memory_space<hbm>>
      %dma_start3A_11 = arith.constant 0 : i32
      %dma_start3A_12 = tpu.memref_slice %arg5[%mul3A_9, %dma_start3A_11] : memref<32768x32xf32, #tpu.memory_space<hbm>> -> memref<1024x32xf32, #tpu.memory_space<hbm>>
      tpu.enqueue_dma source(%arg10 : memref<1024x32xf32, #tpu.memory_space<vmem>>) target(%dma_start3A_12 : memref<1024x32xf32, #tpu.memory_space<hbm>>) target_semaphore(%run_scoped3A : memref<!tpu.dma_semaphore, #tpu.memory_space<semaphore_mem>>)
      %dma_wait3A = arith.constant 0 : i32
      %dma_wait3A_13 = tpu.memref_slice %arg5[%mul3A_9, %dma_wait3A] : memref<32768x32xf32, #tpu.memory_space<hbm>> -> memref<1024x32xf32, #tpu.memory_space<hbm>>
      %dma_wait3A_14 = arith.constant 0 : i32
      %dma_wait3A_15 = tpu.memref_slice %arg5[%mul3A_9, %dma_wait3A_14] : memref<32768x32xf32, #tpu.memory_space<hbm>> -> memref<1024x32xf32, #tpu.memory_space<hbm>>
      tpu.wait_dma2 semaphore(%run_scoped3A : memref<!tpu.dma_semaphore, #tpu.memory_space<semaphore_mem>>) src(%arg10 : memref<1024x32xf32, #tpu.memory_space<vmem>>) dst(%dma_wait3A_15 : memref<1024x32xf32, #tpu.memory_space<hbm>>)
      tpu.yield
    }) : () -> ()
    return
  }
}

#map = affine_map<(d0, d1) -> (0)>
#map1 = affine_map<(d0, d1) -> (0, 0)>
module attributes {stable_mosaic.version = 14 : i64} {
  func.func @k(%arg0: i32, %arg1: i32, %arg2: memref<32768xi32, #tpu.memory_space<hbm>>, %arg3: memref<32000x32xf32, #tpu.memory_space<hbm>>, %arg4: memref<32768x32xf32, #tpu.memory_space<hbm>>, %arg5: memref<128xi32, #tpu.memory_space<vmem>>, %arg6: memref<128x32xf32, #tpu.memory_space<vmem>>, %arg7: memref<!tpu.dma_semaphore, #tpu.memory_space<semaphore_mem>>) attributes {dimension_semantics = [#tpu.dimension_semantics<core_parallel>, #tpu.dimension_semantics<subcore_parallel>], iteration_bounds = array<i64: 2, 16>, scalar_prefetch = 0 : i64, scratch_operands = 3 : i64, tpu.core_type = #tpu.core_type<sc_vector_subcore>, window_params = [{transform_indices = #map}, {transform_indices = #map1}, {transform_indices = #map1}]} {
    %mul3A = arith.constant 2 : i32
    %mul3A_0 = arith.muli %arg1, %mul3A : i32
    %add3A = arith.addi %mul3A_0, %arg0 : i32
    %mul3A_1 = arith.constant 1024 : i32
    %mul3A_2 = arith.muli %add3A, %mul3A_1 : i32
    %scan3A = arith.constant 0 : i32
    %scan3A_3 = arith.constant 0 : i32
    %scan3A_4 = arith.constant 8 : i32
    %scan3A_5 = arith.addi %scan3A_3, %scan3A_4 : i32
    %scan3A_6 = arith.constant 1 : i32
    scf.for %scan3A_8 = %scan3A_3 to %scan3A_5 step %scan3A_6  : i32 {
      %mul3A_9 = arith.constant 128 : i32
      %mul3A_10 = arith.muli %scan3A_8, %mul3A_9 : i32
      %add3A_11 = arith.addi %mul3A_2, %mul3A_10 : i32
      "tpu.region"() ({
        %run_scoped3A = tpu.sem_alloc : memref<!tpu.dma_semaphore, #tpu.memory_space<semaphore_mem>>
        %dma_start3A_16 = tpu.memref_slice %arg2[%add3A_11] : memref<32768xi32, #tpu.memory_space<hbm>> -> memref<128xi32, #tpu.memory_space<hbm>>
        %dma_start3A_17 = tpu.memref_slice %arg2[%add3A_11] : memref<32768xi32, #tpu.memory_space<hbm>> -> memref<128xi32, #tpu.memory_space<hbm>>
        tpu.enqueue_dma source(%dma_start3A_17 : memref<128xi32, #tpu.memory_space<hbm>>) target(%arg5 : memref<128xi32, #tpu.memory_space<vmem>>) target_semaphore(%run_scoped3A : memref<!tpu.dma_semaphore, #tpu.memory_space<semaphore_mem>>)
        %dma_wait3A_18 = tpu.memref_slice %arg2[%add3A_11] : memref<32768xi32, #tpu.memory_space<hbm>> -> memref<128xi32, #tpu.memory_space<hbm>>
        %dma_wait3A_19 = tpu.memref_slice %arg2[%add3A_11] : memref<32768xi32, #tpu.memory_space<hbm>> -> memref<128xi32, #tpu.memory_space<hbm>>
        tpu.wait_dma2 semaphore(%run_scoped3A : memref<!tpu.dma_semaphore, #tpu.memory_space<semaphore_mem>>) src(%dma_wait3A_19 : memref<128xi32, #tpu.memory_space<hbm>>) dst(%arg5 : memref<128xi32, #tpu.memory_space<vmem>>)
        tpu.yield
      }) : () -> ()
      %dma_start3A = arith.constant 0 : i32
      %dma_start3A_12 = arith.constant 0 : i32
      %dma_start3A_13 = tpu.memref_slice %arg3[%dma_start3A, %dma_start3A_12] : memref<32000x32xf32, #tpu.memory_space<hbm>> -> memref<32000x32xf32, #tpu.memory_space<hbm>>
      tpu.enqueue_indirect_dma source(%dma_start3A_13 : memref<32000x32xf32, #tpu.memory_space<hbm>>) target(%arg6 : memref<128x32xf32, #tpu.memory_space<vmem>>) offsets(%arg5 : memref<128xi32, #tpu.memory_space<vmem>>) semaphore(%arg7 : memref<!tpu.dma_semaphore, #tpu.memory_space<semaphore_mem>>)
      %dma_wait3A = arith.constant 0 : i32
      %dma_wait3A_14 = arith.constant 0 : i32
      %dma_wait3A_15 = tpu.memref_slice %arg3[%dma_wait3A, %dma_wait3A_14] : memref<32000x32xf32, #tpu.memory_space<hbm>> -> memref<32000x32xf32, #tpu.memory_space<hbm>>
      tpu.wait_indirect_dma semaphore(%arg7 : memref<!tpu.dma_semaphore, #tpu.memory_space<semaphore_mem>>) src(%dma_wait3A_15 : memref<32000x32xf32, #tpu.memory_space<hbm>>) dst(%arg6 : memref<128x32xf32, #tpu.memory_space<vmem>>)
      "tpu.region"() ({
        %run_scoped3A = tpu.sem_alloc : memref<!tpu.dma_semaphore, #tpu.memory_space<semaphore_mem>>
        %dma_start3A_16 = arith.constant 0 : i32
        %dma_start3A_17 = tpu.memref_slice %arg4[%add3A_11, %dma_start3A_16] : memref<32768x32xf32, #tpu.memory_space<hbm>> -> memref<128x32xf32, #tpu.memory_space<hbm>>
        %dma_start3A_18 = arith.constant 0 : i32
        %dma_start3A_19 = tpu.memref_slice %arg4[%add3A_11, %dma_start3A_18] : memref<32768x32xf32, #tpu.memory_space<hbm>> -> memref<128x32xf32, #tpu.memory_space<hbm>>
        tpu.enqueue_dma source(%arg6 : memref<128x32xf32, #tpu.memory_space<vmem>>) target(%dma_start3A_19 : memref<128x32xf32, #tpu.memory_space<hbm>>) target_semaphore(%run_scoped3A : memref<!tpu.dma_semaphore, #tpu.memory_space<semaphore_mem>>)
        %dma_wait3A_20 = arith.constant 0 : i32
        %dma_wait3A_21 = tpu.memref_slice %arg4[%add3A_11, %dma_wait3A_20] : memref<32768x32xf32, #tpu.memory_space<hbm>> -> memref<128x32xf32, #tpu.memory_space<hbm>>
        %dma_wait3A_22 = arith.constant 0 : i32
        %dma_wait3A_23 = tpu.memref_slice %arg4[%add3A_11, %dma_wait3A_22] : memref<32768x32xf32, #tpu.memory_space<hbm>> -> memref<128x32xf32, #tpu.memory_space<hbm>>
        tpu.wait_dma2 semaphore(%run_scoped3A : memref<!tpu.dma_semaphore, #tpu.memory_space<semaphore_mem>>) src(%arg6 : memref<128x32xf32, #tpu.memory_space<vmem>>) dst(%dma_wait3A_23 : memref<128x32xf32, #tpu.memory_space<hbm>>)
        tpu.yield
      }) : () -> ()
    }
    %scan3A_7 = arith.constant 8 : i32
    return
  }
}

module attributes {stable_mosaic.version = 14 : i64} {
  func.func @body(%arg0: i32, %arg1: memref<1024x32xbf16, #tpu.memory_space<vmem>>, %arg2: memref<1024x1xf32, #tpu.memory_space<vmem>>, %arg3: memref<32x8192xbf16, #tpu.memory_space<vmem>>, %arg4: memref<1x8192xf32, #tpu.memory_space<vmem>>, %arg5: memref<1024x1xi32, #tpu.memory_space<vmem>>) attributes {dimension_semantics = [#tpu.dimension_semantics<arbitrary>], iteration_bounds = array<i64: 32>, scalar_prefetch = 0 : i64, scratch_operands = 0 : i64, tpu.core_type = #tpu.core_type<tc>, window_params = [{transform_indices = @transform_0, window_bounds = array<i64: 1024, 32>}, {transform_indices = @transform_1, window_bounds = array<i64: 1024, 1>}, {pipeline_mode = #tpu.pipeline_mode<synchronous>, transform_indices = @transform_2, window_bounds = array<i64: 32, 8192>}, {pipeline_mode = #tpu.pipeline_mode<synchronous>, transform_indices = @transform_3, window_bounds = array<i64: 1, 8192>}, {transform_indices = @transform_4, window_bounds = array<i64: 1024, 1>}]} {
    %get3A = arith.constant 0 : index
    %get3A_0 = arith.constant 0 : index
    %get3A_1 = vector.load %arg1[%get3A, %get3A_0] : memref<1024x32xbf16, #tpu.memory_space<vmem>>, vector<1024x32xbf16>
    %get3A_2 = arith.constant 0 : index
    %get3A_3 = arith.constant 0 : index
    %get3A_4 = vector.load %arg2[%get3A_2, %get3A_3] : memref<1024x1xf32, #tpu.memory_space<vmem>>, vector<1024x1xf32>
    %get3A_5 = arith.constant 0 : index
    %get3A_6 = arith.constant 0 : index
    %get3A_7 = vector.load %arg3[%get3A_5, %get3A_6] : memref<32x8192xbf16, #tpu.memory_space<vmem>>, vector<32x512xbf16>
    %dot_general3A = arith.constant dense<0.000000e+00> : vector<1024x512xf32>
    %dot_general3A_8 = tpu.matmul %get3A_1, %get3A_7, %dot_general3A {dimension_numbers = #tpu.dot_dimension_numbers<[1], [0], [0], [1], [0, 0, 1, 1], [], []>, transpose_lhs_hint = false} : vector<1024x32xbf16>, vector<32x512xbf16>, vector<1024x512xf32> -> vector<1024x512xf32>
    %add3A = vector.broadcast %get3A_4 : vector<1024x1xf32> to vector<1024x512xf32>
    %add3A_9 = arith.addf %add3A, %dot_general3A_8 : vector<1024x512xf32>
    %get3A_10 = arith.constant 0 : index
    %get3A_11 = arith.constant 0 : index
    %get3A_12 = vector.load %arg4[%get3A_10, %get3A_11] : memref<1x8192xf32, #tpu.memory_space<vmem>>, vector<1x512xf32>
    %add3A_13 = vector.broadcast %get3A_12 : vector<1x512xf32> to vector<1024x512xf32>
    %add3A_14 = arith.addf %add3A_9, %add3A_13 : vector<1024x512xf32>
    %broadcast_in_dim3A = arith.constant 0 : i32
    %broadcast_in_dim3A_15 = vector.broadcast %broadcast_in_dim3A : i32 to vector<1024x512xi32>
    %get3A_16 = arith.constant 0 : index
    %get3A_17 = arith.constant 512 : index
    %get3A_18 = vector.load %arg3[%get3A_16, %get3A_17] : memref<32x8192xbf16, #tpu.memory_space<vmem>>, vector<32x512xbf16>
    %dot_general3A_19 = arith.constant dense<0.000000e+00> : vector<1024x512xf32>
    %dot_general3A_20 = tpu.matmul %get3A_1, %get3A_18, %dot_general3A_19 {dimension_numbers = #tpu.dot_dimension_numbers<[1], [0], [0], [1], [0, 0, 1, 1], [], []>, transpose_lhs_hint = false} : vector<1024x32xbf16>, vector<32x512xbf16>, vector<1024x512xf32> -> vector<1024x512xf32>
    %add3A_21 = vector.broadcast %get3A_4 : vector<1024x1xf32> to vector<1024x512xf32>
    %add3A_22 = arith.addf %add3A_21, %dot_general3A_20 : vector<1024x512xf32>
    %get3A_23 = arith.constant 0 : index
    %get3A_24 = arith.constant 512 : index
    %get3A_25 = vector.load %arg4[%get3A_23, %get3A_24] : memref<1x8192xf32, #tpu.memory_space<vmem>>, vector<1x512xf32>
    %add3A_26 = vector.broadcast %get3A_25 : vector<1x512xf32> to vector<1024x512xf32>
    %add3A_27 = arith.addf %add3A_22, %add3A_26 : vector<1024x512xf32>
    %lt3A = arith.cmpf olt, %add3A_27, %add3A_14 : vector<1024x512xf32>
    %select_n3A = arith.select %lt3A, %add3A_27, %add3A_14 : vector<1024x512xi1>, vector<1024x512xf32>
    %jit3A = arith.constant 1 : i32
    %broadcast_in_dim3A_28 = vector.broadcast %jit3A : i32 to vector<1024x512xi32>
    %select_n3A_29 = arith.select %lt3A, %broadcast_in_dim3A_28, %broadcast_in_dim3A_15 : vector<1024x512xi1>, vector<1024x512xi32>
    %get3A_30 = arith.constant 0 : index
    %get3A_31 = arith.constant 1024 : index
    %get3A_32 = vector.load %arg3[%get3A_30, %get3A_31] : memref<32x8192xbf16, #tpu.memory_space<vmem>>, vector<32x512xbf16>
    %dot_general3A_33 = arith.constant dense<0.000000e+00> : vector<1024x512xf32>
    %dot_general3A_34 = tpu.matmul %get3A_1, %get3A_32, %dot_general3A_33 {dimension_numbers = #tpu.dot_dimension_numbers<[1], [0], [0], [1], [0, 0, 1, 1], [], []>, transpose_lhs_hint = false} : vector<1024x32xbf16>, vector<32x512xbf16>, vector<1024x512xf32> -> vector<1024x512xf32>
    %add3A_35 = vector.broadcast %get3A_4 : vector<1024x1xf32> to vector<1024x512xf32>
    %add3A_36 = arith.addf %add3A_35, %dot_general3A_34 : vector<1024x512xf32>
    %get3A_37 = arith.constant 0 : index
    %get3A_38 = arith.constant 1024 : index
    %get3A_39 = vector.load %arg4[%get3A_37, %get3A_38] : memref<1x8192xf32, #tpu.memory_space<vmem>>, vector<1x512xf32>
    %add3A_40 = vector.broadcast %get3A_39 : vector<1x512xf32> to vector<1024x512xf32>
    %add3A_41 = arith.addf %add3A_36, %add3A_40 : vector<1024x512xf32>
    %lt3A_42 = arith.cmpf olt, %add3A_41, %select_n3A : vector<1024x512xf32>
    %select_n3A_43 = arith.select %lt3A_42, %add3A_41, %select_n3A : vector<1024x512xi1>, vector<1024x512xf32>
    %jit3A_44 = arith.constant 2 : i32
    %broadcast_in_dim3A_45 = vector.broadcast %jit3A_44 : i32 to vector<1024x512xi32>
    %select_n3A_46 = arith.select %lt3A_42, %broadcast_in_dim3A_45, %select_n3A_29 : vector<1024x512xi1>, vector<1024x512xi32>
    %get3A_47 = arith.constant 0 : index
    %get3A_48 = arith.constant 1536 : index
    %get3A_49 = vector.load %arg3[%get3A_47, %get3A_48] : memref<32x8192xbf16, #tpu.memory_space<vmem>>, vector<32x512xbf16>
    %dot_general3A_50 = arith.constant dense<0.000000e+00> : vector<1024x512xf32>
    %dot_general3A_51 = tpu.matmul %get3A_1, %get3A_49, %dot_general3A_50 {dimension_numbers = #tpu.dot_dimension_numbers<[1], [0], [0], [1], [0, 0, 1, 1], [], []>, transpose_lhs_hint = false} : vector<1024x32xbf16>, vector<32x512xbf16>, vector<1024x512xf32> -> vector<1024x512xf32>
    %add3A_52 = vector.broadcast %get3A_4 : vector<1024x1xf32> to vector<1024x512xf32>
    %add3A_53 = arith.addf %add3A_52, %dot_general3A_51 : vector<1024x512xf32>
    %get3A_54 = arith.constant 0 : index
    %get3A_55 = arith.constant 1536 : index
    %get3A_56 = vector.load %arg4[%get3A_54, %get3A_55] : memref<1x8192xf32, #tpu.memory_space<vmem>>, vector<1x512xf32>
    %add3A_57 = vector.broadcast %get3A_56 : vector<1x512xf32> to vector<1024x512xf32>
    %add3A_58 = arith.addf %add3A_53, %add3A_57 : vector<1024x512xf32>
    %lt3A_59 = arith.cmpf olt, %add3A_58, %select_n3A_43 : vector<1024x512xf32>
    %select_n3A_60 = arith.select %lt3A_59, %add3A_58, %select_n3A_43 : vector<1024x512xi1>, vector<1024x512xf32>
    %jit3A_61 = arith.constant 3 : i32
    %broadcast_in_dim3A_62 = vector.broadcast %jit3A_61 : i32 to vector<1024x512xi32>
    %select_n3A_63 = arith.select %lt3A_59, %broadcast_in_dim3A_62, %select_n3A_46 : vector<1024x512xi1>, vector<1024x512xi32>
    %get3A_64 = arith.constant 0 : index
    %get3A_65 = arith.constant 2048 : index
    %get3A_66 = vector.load %arg3[%get3A_64, %get3A_65] : memref<32x8192xbf16, #tpu.memory_space<vmem>>, vector<32x512xbf16>
    %dot_general3A_67 = arith.constant dense<0.000000e+00> : vector<1024x512xf32>
    %dot_general3A_68 = tpu.matmul %get3A_1, %get3A_66, %dot_general3A_67 {dimension_numbers = #tpu.dot_dimension_numbers<[1], [0], [0], [1], [0, 0, 1, 1], [], []>, transpose_lhs_hint = false} : vector<1024x32xbf16>, vector<32x512xbf16>, vector<1024x512xf32> -> vector<1024x512xf32>
    %add3A_69 = vector.broadcast %get3A_4 : vector<1024x1xf32> to vector<1024x512xf32>
    %add3A_70 = arith.addf %add3A_69, %dot_general3A_68 : vector<1024x512xf32>
    %get3A_71 = arith.constant 0 : index
    %get3A_72 = arith.constant 2048 : index
    %get3A_73 = vector.load %arg4[%get3A_71, %get3A_72] : memref<1x8192xf32, #tpu.memory_space<vmem>>, vector<1x512xf32>
    %add3A_74 = vector.broadcast %get3A_73 : vector<1x512xf32> to vector<1024x512xf32>
    %add3A_75 = arith.addf %add3A_70, %add3A_74 : vector<1024x512xf32>
    %lt3A_76 = arith.cmpf olt, %add3A_75, %select_n3A_60 : vector<1024x512xf32>
    %select_n3A_77 = arith.select %lt3A_76, %add3A_75, %select_n3A_60 : vector<1024x512xi1>, vector<1024x512xf32>
    %jit3A_78 = arith.constant 4 : i32
    %broadcast_in_dim3A_79 = vector.broadcast %jit3A_78 : i32 to vector<1024x512xi32>
    %select_n3A_80 = arith.select %lt3A_76, %broadcast_in_dim3A_79, %select_n3A_63 : vector<1024x512xi1>, vector<1024x512xi32>
    %get3A_81 = arith.constant 0 : index
    %get3A_82 = arith.constant 2560 : index
    %get3A_83 = vector.load %arg3[%get3A_81, %get3A_82] : memref<32x8192xbf16, #tpu.memory_space<vmem>>, vector<32x512xbf16>
    %dot_general3A_84 = arith.constant dense<0.000000e+00> : vector<1024x512xf32>
    %dot_general3A_85 = tpu.matmul %get3A_1, %get3A_83, %dot_general3A_84 {dimension_numbers = #tpu.dot_dimension_numbers<[1], [0], [0], [1], [0, 0, 1, 1], [], []>, transpose_lhs_hint = false} : vector<1024x32xbf16>, vector<32x512xbf16>, vector<1024x512xf32> -> vector<1024x512xf32>
    %add3A_86 = vector.broadcast %get3A_4 : vector<1024x1xf32> to vector<1024x512xf32>
    %add3A_87 = arith.addf %add3A_86, %dot_general3A_85 : vector<1024x512xf32>
    %get3A_88 = arith.constant 0 : index
    %get3A_89 = arith.constant 2560 : index
    %get3A_90 = vector.load %arg4[%get3A_88, %get3A_89] : memref<1x8192xf32, #tpu.memory_space<vmem>>, vector<1x512xf32>
    %add3A_91 = vector.broadcast %get3A_90 : vector<1x512xf32> to vector<1024x512xf32>
    %add3A_92 = arith.addf %add3A_87, %add3A_91 : vector<1024x512xf32>
    %lt3A_93 = arith.cmpf olt, %add3A_92, %select_n3A_77 : vector<1024x512xf32>
    %select_n3A_94 = arith.select %lt3A_93, %add3A_92, %select_n3A_77 : vector<1024x512xi1>, vector<1024x512xf32>
    %jit3A_95 = arith.constant 5 : i32
    %broadcast_in_dim3A_96 = vector.broadcast %jit3A_95 : i32 to vector<1024x512xi32>
    %select_n3A_97 = arith.select %lt3A_93, %broadcast_in_dim3A_96, %select_n3A_80 : vector<1024x512xi1>, vector<1024x512xi32>
    %get3A_98 = arith.constant 0 : index
    %get3A_99 = arith.constant 3072 : index
    %get3A_100 = vector.load %arg3[%get3A_98, %get3A_99] : memref<32x8192xbf16, #tpu.memory_space<vmem>>, vector<32x512xbf16>
    %dot_general3A_101 = arith.constant dense<0.000000e+00> : vector<1024x512xf32>
    %dot_general3A_102 = tpu.matmul %get3A_1, %get3A_100, %dot_general3A_101 {dimension_numbers = #tpu.dot_dimension_numbers<[1], [0], [0], [1], [0, 0, 1, 1], [], []>, transpose_lhs_hint = false} : vector<1024x32xbf16>, vector<32x512xbf16>, vector<1024x512xf32> -> vector<1024x512xf32>
    %add3A_103 = vector.broadcast %get3A_4 : vector<1024x1xf32> to vector<1024x512xf32>
    %add3A_104 = arith.addf %add3A_103, %dot_general3A_102 : vector<1024x512xf32>
    %get3A_105 = arith.constant 0 : index
    %get3A_106 = arith.constant 3072 : index
    %get3A_107 = vector.load %arg4[%get3A_105, %get3A_106] : memref<1x8192xf32, #tpu.memory_space<vmem>>, vector<1x512xf32>
    %add3A_108 = vector.broadcast %get3A_107 : vector<1x512xf32> to vector<1024x512xf32>
    %add3A_109 = arith.addf %add3A_104, %add3A_108 : vector<1024x512xf32>
    %lt3A_110 = arith.cmpf olt, %add3A_109, %select_n3A_94 : vector<1024x512xf32>
    %select_n3A_111 = arith.select %lt3A_110, %add3A_109, %select_n3A_94 : vector<1024x512xi1>, vector<1024x512xf32>
    %jit3A_112 = arith.constant 6 : i32
    %broadcast_in_dim3A_113 = vector.broadcast %jit3A_112 : i32 to vector<1024x512xi32>
    %select_n3A_114 = arith.select %lt3A_110, %broadcast_in_dim3A_113, %select_n3A_97 : vector<1024x512xi1>, vector<1024x512xi32>
    %get3A_115 = arith.constant 0 : index
    %get3A_116 = arith.constant 3584 : index
    %get3A_117 = vector.load %arg3[%get3A_115, %get3A_116] : memref<32x8192xbf16, #tpu.memory_space<vmem>>, vector<32x512xbf16>
    %dot_general3A_118 = arith.constant dense<0.000000e+00> : vector<1024x512xf32>
    %dot_general3A_119 = tpu.matmul %get3A_1, %get3A_117, %dot_general3A_118 {dimension_numbers = #tpu.dot_dimension_numbers<[1], [0], [0], [1], [0, 0, 1, 1], [], []>, transpose_lhs_hint = false} : vector<1024x32xbf16>, vector<32x512xbf16>, vector<1024x512xf32> -> vector<1024x512xf32>
    %add3A_120 = vector.broadcast %get3A_4 : vector<1024x1xf32> to vector<1024x512xf32>
    %add3A_121 = arith.addf %add3A_120, %dot_general3A_119 : vector<1024x512xf32>
    %get3A_122 = arith.constant 0 : index
    %get3A_123 = arith.constant 3584 : index
    %get3A_124 = vector.load %arg4[%get3A_122, %get3A_123] : memref<1x8192xf32, #tpu.memory_space<vmem>>, vector<1x512xf32>
    %add3A_125 = vector.broadcast %get3A_124 : vector<1x512xf32> to vector<1024x512xf32>
    %add3A_126 = arith.addf %add3A_121, %add3A_125 : vector<1024x512xf32>
    %lt3A_127 = arith.cmpf olt, %add3A_126, %select_n3A_111 : vector<1024x512xf32>
    %select_n3A_128 = arith.select %lt3A_127, %add3A_126, %select_n3A_111 : vector<1024x512xi1>, vector<1024x512xf32>
    %jit3A_129 = arith.constant 7 : i32
    %broadcast_in_dim3A_130 = vector.broadcast %jit3A_129 : i32 to vector<1024x512xi32>
    %select_n3A_131 = arith.select %lt3A_127, %broadcast_in_dim3A_130, %select_n3A_114 : vector<1024x512xi1>, vector<1024x512xi32>
    %get3A_132 = arith.constant 0 : index
    %get3A_133 = arith.constant 4096 : index
    %get3A_134 = vector.load %arg3[%get3A_132, %get3A_133] : memref<32x8192xbf16, #tpu.memory_space<vmem>>, vector<32x512xbf16>
    %dot_general3A_135 = arith.constant dense<0.000000e+00> : vector<1024x512xf32>
    %dot_general3A_136 = tpu.matmul %get3A_1, %get3A_134, %dot_general3A_135 {dimension_numbers = #tpu.dot_dimension_numbers<[1], [0], [0], [1], [0, 0, 1, 1], [], []>, transpose_lhs_hint = false} : vector<1024x32xbf16>, vector<32x512xbf16>, vector<1024x512xf32> -> vector<1024x512xf32>
    %add3A_137 = vector.broadcast %get3A_4 : vector<1024x1xf32> to vector<1024x512xf32>
    %add3A_138 = arith.addf %add3A_137, %dot_general3A_136 : vector<1024x512xf32>
    %get3A_139 = arith.constant 0 : index
    %get3A_140 = arith.constant 4096 : index
    %get3A_141 = vector.load %arg4[%get3A_139, %get3A_140] : memref<1x8192xf32, #tpu.memory_space<vmem>>, vector<1x512xf32>
    %add3A_142 = vector.broadcast %get3A_141 : vector<1x512xf32> to vector<1024x512xf32>
    %add3A_143 = arith.addf %add3A_138, %add3A_142 : vector<1024x512xf32>
    %lt3A_144 = arith.cmpf olt, %add3A_143, %select_n3A_128 : vector<1024x512xf32>
    %select_n3A_145 = arith.select %lt3A_144, %add3A_143, %select_n3A_128 : vector<1024x512xi1>, vector<1024x512xf32>
    %jit3A_146 = arith.constant 8 : i32
    %broadcast_in_dim3A_147 = vector.broadcast %jit3A_146 : i32 to vector<1024x512xi32>
    %select_n3A_148 = arith.select %lt3A_144, %broadcast_in_dim3A_147, %select_n3A_131 : vector<1024x512xi1>, vector<1024x512xi32>
    %get3A_149 = arith.constant 0 : index
    %get3A_150 = arith.constant 4608 : index
    %get3A_151 = vector.load %arg3[%get3A_149, %get3A_150] : memref<32x8192xbf16, #tpu.memory_space<vmem>>, vector<32x512xbf16>
    %dot_general3A_152 = arith.constant dense<0.000000e+00> : vector<1024x512xf32>
    %dot_general3A_153 = tpu.matmul %get3A_1, %get3A_151, %dot_general3A_152 {dimension_numbers = #tpu.dot_dimension_numbers<[1], [0], [0], [1], [0, 0, 1, 1], [], []>, transpose_lhs_hint = false} : vector<1024x32xbf16>, vector<32x512xbf16>, vector<1024x512xf32> -> vector<1024x512xf32>
    %add3A_154 = vector.broadcast %get3A_4 : vector<1024x1xf32> to vector<1024x512xf32>
    %add3A_155 = arith.addf %add3A_154, %dot_general3A_153 : vector<1024x512xf32>
    %get3A_156 = arith.constant 0 : index
    %get3A_157 = arith.constant 4608 : index
    %get3A_158 = vector.load %arg4[%get3A_156, %get3A_157] : memref<1x8192xf32, #tpu.memory_space<vmem>>, vector<1x512xf32>
    %add3A_159 = vector.broadcast %get3A_158 : vector<1x512xf32> to vector<1024x512xf32>
    %add3A_160 = arith.addf %add3A_155, %add3A_159 : vector<1024x512xf32>
    %lt3A_161 = arith.cmpf olt, %add3A_160, %select_n3A_145 : vector<1024x512xf32>
    %select_n3A_162 = arith.select %lt3A_161, %add3A_160, %select_n3A_145 : vector<1024x512xi1>, vector<1024x512xf32>
    %jit3A_163 = arith.constant 9 : i32
    %broadcast_in_dim3A_164 = vector.broadcast %jit3A_163 : i32 to vector<1024x512xi32>
    %select_n3A_165 = arith.select %lt3A_161, %broadcast_in_dim3A_164, %select_n3A_148 : vector<1024x512xi1>, vector<1024x512xi32>
    %get3A_166 = arith.constant 0 : index
    %get3A_167 = arith.constant 5120 : index
    %get3A_168 = vector.load %arg3[%get3A_166, %get3A_167] : memref<32x8192xbf16, #tpu.memory_space<vmem>>, vector<32x512xbf16>
    %dot_general3A_169 = arith.constant dense<0.000000e+00> : vector<1024x512xf32>
    %dot_general3A_170 = tpu.matmul %get3A_1, %get3A_168, %dot_general3A_169 {dimension_numbers = #tpu.dot_dimension_numbers<[1], [0], [0], [1], [0, 0, 1, 1], [], []>, transpose_lhs_hint = false} : vector<1024x32xbf16>, vector<32x512xbf16>, vector<1024x512xf32> -> vector<1024x512xf32>
    %add3A_171 = vector.broadcast %get3A_4 : vector<1024x1xf32> to vector<1024x512xf32>
    %add3A_172 = arith.addf %add3A_171, %dot_general3A_170 : vector<1024x512xf32>
    %get3A_173 = arith.constant 0 : index
    %get3A_174 = arith.constant 5120 : index
    %get3A_175 = vector.load %arg4[%get3A_173, %get3A_174] : memref<1x8192xf32, #tpu.memory_space<vmem>>, vector<1x512xf32>
    %add3A_176 = vector.broadcast %get3A_175 : vector<1x512xf32> to vector<1024x512xf32>
    %add3A_177 = arith.addf %add3A_172, %add3A_176 : vector<1024x512xf32>
    %lt3A_178 = arith.cmpf olt, %add3A_177, %select_n3A_162 : vector<1024x512xf32>
    %select_n3A_179 = arith.select %lt3A_178, %add3A_177, %select_n3A_162 : vector<1024x512xi1>, vector<1024x512xf32>
    %jit3A_180 = arith.constant 10 : i32
    %broadcast_in_dim3A_181 = vector.broadcast %jit3A_180 : i32 to vector<1024x512xi32>
    %select_n3A_182 = arith.select %lt3A_178, %broadcast_in_dim3A_181, %select_n3A_165 : vector<1024x512xi1>, vector<1024x512xi32>
    %get3A_183 = arith.constant 0 : index
    %get3A_184 = arith.constant 5632 : index
    %get3A_185 = vector.load %arg3[%get3A_183, %get3A_184] : memref<32x8192xbf16, #tpu.memory_space<vmem>>, vector<32x512xbf16>
    %dot_general3A_186 = arith.constant dense<0.000000e+00> : vector<1024x512xf32>
    %dot_general3A_187 = tpu.matmul %get3A_1, %get3A_185, %dot_general3A_186 {dimension_numbers = #tpu.dot_dimension_numbers<[1], [0], [0], [1], [0, 0, 1, 1], [], []>, transpose_lhs_hint = false} : vector<1024x32xbf16>, vector<32x512xbf16>, vector<1024x512xf32> -> vector<1024x512xf32>
    %add3A_188 = vector.broadcast %get3A_4 : vector<1024x1xf32> to vector<1024x512xf32>
    %add3A_189 = arith.addf %add3A_188, %dot_general3A_187 : vector<1024x512xf32>
    %get3A_190 = arith.constant 0 : index
    %get3A_191 = arith.constant 5632 : index
    %get3A_192 = vector.load %arg4[%get3A_190, %get3A_191] : memref<1x8192xf32, #tpu.memory_space<vmem>>, vector<1x512xf32>
    %add3A_193 = vector.broadcast %get3A_192 : vector<1x512xf32> to vector<1024x512xf32>
    %add3A_194 = arith.addf %add3A_189, %add3A_193 : vector<1024x512xf32>
    %lt3A_195 = arith.cmpf olt, %add3A_194, %select_n3A_179 : vector<1024x512xf32>
    %select_n3A_196 = arith.select %lt3A_195, %add3A_194, %select_n3A_179 : vector<1024x512xi1>, vector<1024x512xf32>
    %jit3A_197 = arith.constant 11 : i32
    %broadcast_in_dim3A_198 = vector.broadcast %jit3A_197 : i32 to vector<1024x512xi32>
    %select_n3A_199 = arith.select %lt3A_195, %broadcast_in_dim3A_198, %select_n3A_182 : vector<1024x512xi1>, vector<1024x512xi32>
    %get3A_200 = arith.constant 0 : index
    %get3A_201 = arith.constant 6144 : index
    %get3A_202 = vector.load %arg3[%get3A_200, %get3A_201] : memref<32x8192xbf16, #tpu.memory_space<vmem>>, vector<32x512xbf16>
    %dot_general3A_203 = arith.constant dense<0.000000e+00> : vector<1024x512xf32>
    %dot_general3A_204 = tpu.matmul %get3A_1, %get3A_202, %dot_general3A_203 {dimension_numbers = #tpu.dot_dimension_numbers<[1], [0], [0], [1], [0, 0, 1, 1], [], []>, transpose_lhs_hint = false} : vector<1024x32xbf16>, vector<32x512xbf16>, vector<1024x512xf32> -> vector<1024x512xf32>
    %add3A_205 = vector.broadcast %get3A_4 : vector<1024x1xf32> to vector<1024x512xf32>
    %add3A_206 = arith.addf %add3A_205, %dot_general3A_204 : vector<1024x512xf32>
    %get3A_207 = arith.constant 0 : index
    %get3A_208 = arith.constant 6144 : index
    %get3A_209 = vector.load %arg4[%get3A_207, %get3A_208] : memref<1x8192xf32, #tpu.memory_space<vmem>>, vector<1x512xf32>
    %add3A_210 = vector.broadcast %get3A_209 : vector<1x512xf32> to vector<1024x512xf32>
    %add3A_211 = arith.addf %add3A_206, %add3A_210 : vector<1024x512xf32>
    %lt3A_212 = arith.cmpf olt, %add3A_211, %select_n3A_196 : vector<1024x512xf32>
    %select_n3A_213 = arith.select %lt3A_212, %add3A_211, %select_n3A_196 : vector<1024x512xi1>, vector<1024x512xf32>
    %jit3A_214 = arith.constant 12 : i32
    %broadcast_in_dim3A_215 = vector.broadcast %jit3A_214 : i32 to vector<1024x512xi32>
    %select_n3A_216 = arith.select %lt3A_212, %broadcast_in_dim3A_215, %select_n3A_199 : vector<1024x512xi1>, vector<1024x512xi32>
    %get3A_217 = arith.constant 0 : index
    %get3A_218 = arith.constant 6656 : index
    %get3A_219 = vector.load %arg3[%get3A_217, %get3A_218] : memref<32x8192xbf16, #tpu.memory_space<vmem>>, vector<32x512xbf16>
    %dot_general3A_220 = arith.constant dense<0.000000e+00> : vector<1024x512xf32>
    %dot_general3A_221 = tpu.matmul %get3A_1, %get3A_219, %dot_general3A_220 {dimension_numbers = #tpu.dot_dimension_numbers<[1], [0], [0], [1], [0, 0, 1, 1], [], []>, transpose_lhs_hint = false} : vector<1024x32xbf16>, vector<32x512xbf16>, vector<1024x512xf32> -> vector<1024x512xf32>
    %add3A_222 = vector.broadcast %get3A_4 : vector<1024x1xf32> to vector<1024x512xf32>
    %add3A_223 = arith.addf %add3A_222, %dot_general3A_221 : vector<1024x512xf32>
    %get3A_224 = arith.constant 0 : index
    %get3A_225 = arith.constant 6656 : index
    %get3A_226 = vector.load %arg4[%get3A_224, %get3A_225] : memref<1x8192xf32, #tpu.memory_space<vmem>>, vector<1x512xf32>
    %add3A_227 = vector.broadcast %get3A_226 : vector<1x512xf32> to vector<1024x512xf32>
    %add3A_228 = arith.addf %add3A_223, %add3A_227 : vector<1024x512xf32>
    %lt3A_229 = arith.cmpf olt, %add3A_228, %select_n3A_213 : vector<1024x512xf32>
    %select_n3A_230 = arith.select %lt3A_229, %add3A_228, %select_n3A_213 : vector<1024x512xi1>, vector<1024x512xf32>
    %jit3A_231 = arith.constant 13 : i32
    %broadcast_in_dim3A_232 = vector.broadcast %jit3A_231 : i32 to vector<1024x512xi32>
    %select_n3A_233 = arith.select %lt3A_229, %broadcast_in_dim3A_232, %select_n3A_216 : vector<1024x512xi1>, vector<1024x512xi32>
    %get3A_234 = arith.constant 0 : index
    %get3A_235 = arith.constant 7168 : index
    %get3A_236 = vector.load %arg3[%get3A_234, %get3A_235] : memref<32x8192xbf16, #tpu.memory_space<vmem>>, vector<32x512xbf16>
    %dot_general3A_237 = arith.constant dense<0.000000e+00> : vector<1024x512xf32>
    %dot_general3A_238 = tpu.matmul %get3A_1, %get3A_236, %dot_general3A_237 {dimension_numbers = #tpu.dot_dimension_numbers<[1], [0], [0], [1], [0, 0, 1, 1], [], []>, transpose_lhs_hint = false} : vector<1024x32xbf16>, vector<32x512xbf16>, vector<1024x512xf32> -> vector<1024x512xf32>
    %add3A_239 = vector.broadcast %get3A_4 : vector<1024x1xf32> to vector<1024x512xf32>
    %add3A_240 = arith.addf %add3A_239, %dot_general3A_238 : vector<1024x512xf32>
    %get3A_241 = arith.constant 0 : index
    %get3A_242 = arith.constant 7168 : index
    %get3A_243 = vector.load %arg4[%get3A_241, %get3A_242] : memref<1x8192xf32, #tpu.memory_space<vmem>>, vector<1x512xf32>
    %add3A_244 = vector.broadcast %get3A_243 : vector<1x512xf32> to vector<1024x512xf32>
    %add3A_245 = arith.addf %add3A_240, %add3A_244 : vector<1024x512xf32>
    %lt3A_246 = arith.cmpf olt, %add3A_245, %select_n3A_230 : vector<1024x512xf32>
    %select_n3A_247 = arith.select %lt3A_246, %add3A_245, %select_n3A_230 : vector<1024x512xi1>, vector<1024x512xf32>
    %jit3A_248 = arith.constant 14 : i32
    %broadcast_in_dim3A_249 = vector.broadcast %jit3A_248 : i32 to vector<1024x512xi32>
    %select_n3A_250 = arith.select %lt3A_246, %broadcast_in_dim3A_249, %select_n3A_233 : vector<1024x512xi1>, vector<1024x512xi32>
    %get3A_251 = arith.constant 0 : index
    %get3A_252 = arith.constant 7680 : index
    %get3A_253 = vector.load %arg3[%get3A_251, %get3A_252] : memref<32x8192xbf16, #tpu.memory_space<vmem>>, vector<32x512xbf16>
    %dot_general3A_254 = arith.constant dense<0.000000e+00> : vector<1024x512xf32>
    %dot_general3A_255 = tpu.matmul %get3A_1, %get3A_253, %dot_general3A_254 {dimension_numbers = #tpu.dot_dimension_numbers<[1], [0], [0], [1], [0, 0, 1, 1], [], []>, transpose_lhs_hint = false} : vector<1024x32xbf16>, vector<32x512xbf16>, vector<1024x512xf32> -> vector<1024x512xf32>
    %add3A_256 = vector.broadcast %get3A_4 : vector<1024x1xf32> to vector<1024x512xf32>
    %add3A_257 = arith.addf %add3A_256, %dot_general3A_255 : vector<1024x512xf32>
    %get3A_258 = arith.constant 0 : index
    %get3A_259 = arith.constant 7680 : index
    %get3A_260 = vector.load %arg4[%get3A_258, %get3A_259] : memref<1x8192xf32, #tpu.memory_space<vmem>>, vector<1x512xf32>
    %add3A_261 = vector.broadcast %get3A_260 : vector<1x512xf32> to vector<1024x512xf32>
    %add3A_262 = arith.addf %add3A_257, %add3A_261 : vector<1024x512xf32>
    %lt3A_263 = arith.cmpf olt, %add3A_262, %select_n3A_247 : vector<1024x512xf32>
    %select_n3A_264 = arith.select %lt3A_263, %add3A_262, %select_n3A_247 : vector<1024x512xi1>, vector<1024x512xf32>
    %jit3A_265 = arith.constant 15 : i32
    %broadcast_in_dim3A_266 = vector.broadcast %jit3A_265 : i32 to vector<1024x512xi32>
    %select_n3A_267 = arith.select %lt3A_263, %broadcast_in_dim3A_266, %select_n3A_250 : vector<1024x512xi1>, vector<1024x512xi32>
    %reduce_min3A = arith.constant dense<0x7F800000> : vector<1024xf32>
    %reduce_min3A_268 = vector.multi_reduction <minimumf>, %select_n3A_264, %reduce_min3A [1] : vector<1024x512xf32> to vector<1024xf32>
    %broadcast_in_dim3A_269 = vector.shape_cast %reduce_min3A_268 : vector<1024xf32> to vector<1024x1xf32>
    %iota3A = tpu.iota {dimensions = array<i32: 1>} : vector<1024x512xi32>
    %mul3A = arith.constant 16 : i32
    %mul3A_270 = vector.broadcast %mul3A : i32 to vector<1024x512xi32>
    %mul3A_271 = arith.muli %iota3A, %mul3A_270 : vector<1024x512xi32>
    %add3A_272 = arith.addi %mul3A_271, %select_n3A_267 : vector<1024x512xi32>
    %eq3A = vector.broadcast %broadcast_in_dim3A_269 : vector<1024x1xf32> to vector<1024x512xf32>
    %eq3A_273 = arith.cmpf oeq, %select_n3A_264, %eq3A : vector<1024x512xf32>
    %jit3A_274 = arith.constant 1073741824 : i32
    %broadcast_in_dim3A_275 = vector.broadcast %jit3A_274 : i32 to vector<1024x512xi32>
    %select_n3A_276 = arith.select %eq3A_273, %add3A_272, %broadcast_in_dim3A_275 : vector<1024x512xi1>, vector<1024x512xi32>
    %reduce_min3A_277 = arith.constant dense<2147483647> : vector<1024xi32>
    %reduce_min3A_278 = vector.multi_reduction <minsi>, %select_n3A_276, %reduce_min3A_277 [1] : vector<1024x512xi32> to vector<1024xi32>
    %broadcast_in_dim3A_279 = vector.shape_cast %reduce_min3A_278 : vector<1024xi32> to vector<1024x1xi32>
    %swap3A = arith.constant 0 : index
    %swap3A_280 = arith.constant 0 : index
    %swap3A_281 = vector.load %arg5[%swap3A, %swap3A_280] : memref<1024x1xi32, #tpu.memory_space<vmem>>, vector<1024x1xi32>
    tpu.vector_store %arg5[%swap3A, %swap3A_280], %broadcast_in_dim3A_279 {strides = array<i32>} : memref<1024x1xi32, #tpu.memory_space<vmem>>, vector<1024x1xi32>,
    return
  }
  func.func @transform_0(%arg0: i32) -> (i32, i32) {
    %c0_i32 = arith.constant 0 : i32
    %c0_i32_0 = arith.constant 0 : i32
    return %arg0, %c0_i32 : i32, i32
  }
  func.func @transform_1(%arg0: i32) -> (i32, i32) {
    %c0_i32 = arith.constant 0 : i32
    %c0_i32_0 = arith.constant 0 : i32
    return %arg0, %c0_i32 : i32, i32
  }
  func.func @transform_2(%arg0: i32) -> (i32, i32) {
    %c0_i32 = arith.constant 0 : i32
    %c0_i32_0 = arith.constant 0 : i32
    %c0_i32_1 = arith.constant 0 : i32
    return %c0_i32, %c0_i32_0 : i32, i32
  }
  func.func @transform_3(%arg0: i32) -> (i32, i32) {
    %c0_i32 = arith.constant 0 : i32
    %c0_i32_0 = arith.constant 0 : i32
    %c0_i32_1 = arith.constant 0 : i32
    return %c0_i32, %c0_i32_0 : i32, i32
  }
  func.func @transform_4(%arg0: i32) -> (i32, i32) {
    %c0_i32 = arith.constant 0 : i32
    %c0_i32_0 = arith.constant 0 : i32
    return %arg0, %c0_i32 : i32, i32
  }
}

</mosaic_0001>

<sc_bundles>
// kernel: kernel.5.cloned.1.call-start
scs
__scs_entry_jumppad:
0x0: {  	(pc) =	sbr.rel $0x88, $3  }
0x1: {  	(tag) =	ssettag $0x0;
	lr =	simm.s32 $0x1  }
0x2: {  	[smem:$0x3F9D] =	sst lr;
	_ =	strace $0xD0000000  }
0x3: {  	_ = 	snop  }
0x4: {  	_ = 	snop  }
0x5: {  	_ = 	snop  }
0x6: {  	_ = 	snop  }
0x7: {  	_ = 	snop  }
__scs_overlays_trampoline_lowered:
0x8: {  	[smem:$0x3FAC] =	sst s0  }
0x9: {  	[smem:$0x3FAD] =	sst s1  }
0xa: {  	[smem:$0x3FAE] =	sst s2  }
0xb: {  	[smem:$0x3FAF] =	sst s3  }
0xc: {  	[smem:$0x3FB0] =	sst s4  }
0xd: {  	[smem:$0x3FB1] =	sst s5  }
0xe: {  	[smem:$0x3FB2] =	sst s6  }
0xf: {  	[smem:$0x3FB3] =	sst s7  }
0x10: {  	[smem:$0x3FB4] =	sst s8  }
0x11: {  	[smem:$0x3FB5] =	sst s9;
	s0 =	simm.s32 @!p0 $0x0  }
0x12: {  	s1 =	sld [smem:$0x3F9B];
	s0 =	simm.s32 @p0 $0x1  }
0x13: {  	[smem:$0x3FB6] =	sst s0;
	s0 =	simm.s32 @!p1 $0x0  }
0x14: {  	s2 =	sld [smem:$0x3F9A];
	s0 =	simm.s32 @p1 $0x1  }
0x15: {  	[smem:$0x3FB7] =	sst s0;
	s0 =	simm.s32 @!p2 $0x0  }
0x16: {  	s3 =	sld [smem:$0x3FDB];
	s0 =	simm.s32 @p2 $0x1  }
0x17: {  	s4 =	simm.s32 $0x1BF5;
	[smem:$0x3FB9] =	sst s0  }
0x18: {  	s0 =	sld [smem:$0x3F9C];
	_ =	swait.ge [sflag:s4], $0x0  }
0x19: {  	s7 =	sld [smem:$0x3F9D]  }
0x1a: {  	s8 =	sadd.s32 $0xFFFFE003, lr  }
0x1b: {  	s9 =	sadd.s32 $0xFFFFFEF7, lr;
	s5 =	simm.s32 $0xFFFFFFFF;
	p2 =	slt.u32 s8, $0xFFFFF086  }
0x1c: {  	p1 =	slt.u32 s9, $0xF7A;
	s5 =	simm.s32 @!p2 $0x0  }
0x1d: {  	s5 =	simm.s32 @p1 $0x1;
	p0 =	seq.s32 s7, s2  }
0x1e: {  	s7 =	smul.u32 @!p0 $0xF7A, s2;
	p2 =	seq.s32 @!p0 s5, $0x0  }
0x1f: {  	s9 =	smul.u32 $0xF7A, s1;
	s8 =	simm.s32 @!p0 $0x1BF5;
	p2 =	por !p2, p0  }
0x20: {  	[sflag:s8] =	ssyncset.s32 @!p0 $0xFFFFF086;
	s6 =	sadd.s32 @!p0 s3, s7;
	s7 =	simm.s32 @!p0 $0x108  }
0x21: {  	s3 =	sadd.s32 s3, s9;
	s6 =	sadd.s32 @!p0 $0x88, s6;
	s7 =	simm.s32 @p2 $0x1082  }
0x22: {  	[simem:s7], [sflag:s8] =	dma.local @!p0 [hbm:s6], $0xF7A  }
0x23: {  	s9 =	sor.u32 $0xD0000000, s2;
	s6 =	simm.s32 $0x108;
	_ =	swait.ge @!p0 [sflag:s8], $0x0  }
0x24: {  	s3 =	sadd.s32 $0x88, s3;
	s6 =	simm.s32 @!p1 $0x1082;
	[sflag:s4] =	ssyncset.s32 $0xFFFFF086  }
0x25: {  	[simem:s6], [sflag:s4] =	dma.local [hbm:s3], $0xF7A  }
0x26: {  	[smem:$0x3F9D] =	sst s1;
	(tag) =	ssettag s2;
	_ =	strace s9  }
0x27: {  	s1 =	sld [smem:$0x3FAD]  }
0x28: {  	s2 =	sld [smem:$0x3FAE]  }
0x29: {  	s4 =	sld [smem:$0x3FB0]  }
0x2a: {  	p0 =	seq.s32 s5, $0x0;
	s5 =	sld [smem:$0x3FB1]  }
0x2b: {  	s6 =	sld [smem:$0x3FB2]  }
0x2c: {  	s7 =	sld [smem:$0x3FB3]  }
0x2d: {  	s3 =	simm.s32 $0x108;
	s8 =	sld [smem:$0x3FB4]  }
0x2e: {  	s3 =	simm.s32 @!p0 $0x1082;
	s9 =	sld [smem:$0x3FB5]  }
0x2f: {  	lr =	sadd.s32 s0, s3;
	s0 =	sld [smem:$0x3FAC]  }
0x30: {  	s3 =	sld [smem:$0x3FAF]  }
0x31: {  	[smem:$0x3FB8] =	sst s10  }
0x32: {  	s10 =	sld [smem:$0x3FB6];
	_ =	sdelay $0x3  }
0x33: {  	p0 =	seq.s32 s10, $0x1;
	s10 =	sld [smem:$0x3FB8];
	_ =	sdelay $0x3  }
0x34: {  	[smem:$0x3FB8] =	sst s10  }
0x35: {  	s10 =	sld [smem:$0x3FB7];
	_ =	sdelay $0x3  }
0x36: {  	p1 =	seq.s32 s10, $0x1;
	s10 =	sld [smem:$0x3FB8];
	_ =	sdelay $0x3  }
0x37: {  	[smem:$0x3FB8] =	sst s10  }
0x38: {  	s10 =	sld [smem:$0x3FB9]  }
0x39: {  	_ = 	snop;
	(pc) =	sbr.ind lr, $3  }
0x3a: {  	_ = 	snop  }
0x3b: {  	_ = 	snop  }
0x3c: {  	p2 =	seq.s32 s10, $0x1;
	s10 =	sld [smem:$0x3FB8]  }
0x3d: {  	_ =	shalt  }
0x3e: {  	_ =	shalt  }
0x3f: {  	_ =	shalt  }
0x40: {  	_ =	shalt  }
0x41: {  	_ =	shalt  }
0x42: {  	_ =	shalt  }
0x43: {  	_ =	shalt  }
0x44: {  	_ =	shalt  }
0x45: {  	_ =	shalt  }
0x46: {  	_ =	shalt  }
0x47: {  	_ =	shalt  }
0x48: {  	_ =	shalt  }
0x49: {  	_ =	shalt  }
0x4a: {  	_ =	shalt  }
0x4b: {  	_ =	shalt  }
0x4c: {  	_ =	shalt  }
0x4d: {  	_ =	shalt  }
0x4e: {  	_ =	shalt  }
0x4f: {  	_ =	shalt  }
0x50: {  	_ =	shalt  }
0x51: {  	_ =	shalt  }
0x52: {  	_ =	shalt  }
0x53: {  	_ =	shalt  }
0x54: {  	_ =	shalt  }
0x55: {  	_ =	shalt  }
0x56: {  	_ =	shalt  }
0x57: {  	_ =	shalt  }
0x58: {  	_ =	shalt  }
0x59: {  	_ =	shalt  }
0x5a: {  	_ =	shalt  }
0x5b: {  	_ =	shalt  }
0x5c: {  	_ =	shalt  }
0x5d: {  	_ =	shalt  }
0x5e: {  	_ =	shalt  }
0x5f: {  	_ =	shalt  }
0x60: {  	_ =	shalt  }
0x61: {  	_ =	shalt  }
0x62: {  	_ =	shalt  }
0x63: {  	_ =	shalt  }
0x64: {  	_ =	shalt  }
0x65: {  	_ =	shalt  }
0x66: {  	_ =	shalt  }
0x67: {  	_ =	shalt  }
0x68: {  	_ =	shalt  }
0x69: {  	_ =	shalt  }
0x6a: {  	_ =	shalt  }
0x6b: {  	_ =	shalt  }
0x6c: {  	_ =	shalt  }
0x6d: {  	_ =	shalt  }
0x6e: {  	_ =	shalt  }
0x6f: {  	_ =	shalt  }
0x70: {  	_ =	shalt  }
0x71: {  	_ =	shalt  }
0x72: {  	_ =	shalt  }
0x73: {  	_ =	shalt  }
0x74: {  	_ =	shalt  }
0x75: {  	_ =	shalt  }
0x76: {  	_ =	shalt  }
0x77: {  	_ =	shalt  }
0x78: {  	_ =	shalt  }
0x79: {  	_ =	shalt  }
0x7a: {  	_ =	shalt  }
0x7b: {  	_ =	shalt  }
0x7c: {  	_ =	shalt  }
0x7d: {  	_ =	shalt  }
0x7e: {  	_ =	shalt  }
0x7f: {  	_ =	shalt  }
0x80: {  	_ =	shalt  }
0x81: {  	_ =	shalt  }
0x82: {  	_ =	shalt  }
0x83: {  	_ =	shalt  }
0x84: {  	_ =	shalt  }
0x85: {  	_ =	shalt  }
0x86: {  	_ =	shalt  }
0x87: {  	_ =	shalt  }
.Lfunc_end0:
.L_simem_size_0:
called_computation_lowered:
.L_overlay_start_0:
0x88: {  	s2 =	sld [smem:$0x3FD9]  }
0x89: {  	s3 =	sld [smem:$0x3FFE];
	_ =	sdelay $0x1  }
0x8a: {  	s1 =	srdreg.scid  }
0x8b: {  	s0 =	sand.u32 $0x1, s1  }
0x8c: {  	s17 =	sshll.u32 s0, $0xA;
	s2 =	sadd.s32 s3, s2  }
0x8d: {  	s2 =	sadd.s32 s2, s17  }
0x8e: {  	[smem:$0x3FC4] =	sst s2  }
0x8f: {  	_ = 	snop  }
0x90: {  	s2 =	sld [smem:$0x3FD0];
	(tm) =	ssettm $0x1  }
0x91: {  	s18 =	sld [smem:$0x3FFB];
	_ =	sdelay $0x3  }
0x92: {  	_ =	strace s18  }
0x93: {  	s3 =	sld [smem:$0x3FFC];
	_ =	sdelay $0x3  }
0x94: {  	_ =	strace s3  }
0x95: {  	s3 =	sld [smem:$0x3FFD];
	_ =	sdelay $0x3  }
0x96: {  	_ =	strace s3  }
0x97: {  	_ =	strace $0x8FFFFFFF  }
0x98: {  	s19 =	sld [smem:$0x3FDB];
	_ =	sdelay $0x1  }
0x99: {  	s4 =	simm.s32 $_scs_section_size  }
0x9a: {  	s5 =	simm.s32 $_size__tile_overlayer_lowered;
	s6 =	simm.s32 $_tile_overlayer_lowered  }
0x9b: {  	s22 =	simm.s32 $0x1BFF;
	s21 =	sshll.u32 s6, $0x1;
	s3 =	sadd.s32 s4, s19  }
0x9c: {  	s7 =	simm.s32 $0x0;
	s20 =	sshll.u32 s5, $0x1;
	s5 =	sadd.s32 s21, s3  }
0x9d: {  	[timem:s7], [sflag:s22] =	dma.local [hbm:s5], s20  }
0x9e: {  	_ =	swait.ge [sflag:s22], s20  }
0x9f: {  	s4 =	ssub.s32 $0x0, s20;
	[sflag:s22] =	ssyncset.done $0x0  }
0xa0: {  	[sflag:s22] =	ssyncadd.s32 s4;
	_ =	sdelay $0x1  }
0xa1: {  	s23 =	simm.s32 $0x1B8B  }
0xa2: {  	_ =	swait.ge [sflag:s23], $0x1  }
0xa3: {  	[sflag:s23] =	ssyncset.done $0x0  }
0xa4: {  	s25 =	simm.s32 $0x1B8E;
	s24 =	sld [smem:$0x3FFE];
	[sflag:s23] =	ssyncadd.s32 $0xFFFFFFFF  }
0xa5: {  	s26 =	simm.s32 $execute0_lowered;
	[smem:$0x3FD2] =	sst s25  }
0xa6: {  	s5 =	sshll.u32 s26, $0x1;
	_ =	strace $0x80000046;
	[dreg:$0x1] =	wrdreg $0xFFFFFFFF  }
0xa7: {  	s28 =	simm.s32 $_size_execute0_lowered;
	s3 =	sadd.s32 s3, s5;
	[dreg:$0x0] =	wrdreg $0x0  }
0xa8: {  	s5 =	sshll.u32 s28, $0x1;
	[dreg:$0x2] =	wrdreg s3  }
0xa9: {  	[dreg:$0x3] =	wrdreg s5  }
0xaa: {  	[dreg:$0x4] =	wrdreg $0xC0  }
0xab: {  	_ =	task [dreg:s7], $0x5FFFF  }
0xac: {  	[dreg:$0x1] =	wrdreg $0xFFFFFFFF  }
0xad: {  	[dreg:$0x0] =	wrdreg $0x60  }
0xae: {  	[dreg:$0x2] =	wrdreg s24  }
0xaf: {  	[dreg:$0x3] =	wrdreg s2  }
0xb0: {  	[dreg:$0x4] =	wrdreg $0x9  }
0xb1: {  	_ =	task.clear_ibuf [dreg:s7], $0x5FFFF;
	_ =	strace $0x90000046  }
0xb2: {  	s29 =	simm.s32 $0x9;
	_ =	strace $0x80000048  }
0xb3: {  	_ =	swait.ge [sflag:s29], $0x1  }
0xb4: {  	[sflag:s29] =	ssyncadd.s32 $0xFFFFFFFF  }
0xb5: {  	_ =	strace $0x90000048  }
0xb6: {  	_ =	sfence  }
0xb7: {  	s30 =	sld [smem:$0x0];
	_ =	sdelay $0x2  }
0xb8: {  	s31 =	sshll.u32 s1, $0xD;
	s1 =	sshrl.u32 s1, $0x2  }
0xb9: {  	s3 =	sand.u32 $0x4000, s31;
	s1 =	sadd.s32 s1, s30  }
0xba: {  	s0 =	sor.u32 s3, s0;
	s1 =	sshll.u32 s1, $0x11  }
0xbb: {  	s0 =	sor.u32 s1, s0  }
0xbc: {  	s0 =	sadd.s32 $0x8F2B, s0  }
0xbd: {  	[sflag:s0] =	ssyncadd.remote.s32 $0x1  }
0xbe: {  	_ =	sfence.sel $0xFFFF  }
0xbf: {  	[dreg:$0x0] =	wrdreg $0xFFFFFFFF;
	(pc) =	sbr.abs _section_cstart, $3  }
0xc0: {  	[dreg:$0x1] =	wrdreg $0xFFFFFFFF  }
0xc1: {  	_ =	task.clear_ibuf [dreg:s7], $0x2FFFF;
	_ =	strace $0x9FFFFFFF  }
0xc2: {  	(tm) =	ssettm $0x7FFFFFFF  }
0xc3: {  	_ =	shalt  }
tec
execute0_lowered:
.L_overlay_start_1:
0x0: {  	(tag) =	ssettag $0x1  }
0x1: {  	s1 =	srdreg.scid;
	s3 =	rddreg [dreg:$0x0]  }
0x2: {  	s0 =	stileid.u32;
	s6 =	rddreg [dreg:$0x1]  }
0x3: {  	s2 =	simm.s32 $0x0;
	s9 =	simm.s32 $0x1;
	s10 =	simm.s32 $0x0  }
0x4: {  	s5 =	sand.u32 $0x1, s1;
	s4 =	sshll.u32 s0, $0xB;
	s1 =	rddreg [dreg:$0x2]  }
0x5: {  	[smem:$0x7FF] =	sst s2;
	s31 =	sshll.u32 s0, $0xD;
	s7 =	sshll.u32 s5, $0xA  }
0x6: {  	s29 =	ssub.s32 $0x2, s5;
	_ =	strace $0x80000047;
	s6 =	sadd.s32 s31, s6  }
0x7: {  	s5 =	sshll.u32 s5, $0xC;
	s4 =	sor.u32 s7, s4;
	s30 =	sshrl.u32 s29, $0x1  }
0x8: {  	s5 =	sadd.s32 s5, s6;
	s7 =	simm.s32 $0x2;
	s4 =	sshrl.u32 s4, $0x3  }
0x9: {  	s8 =	sadd.s32 s4, s3;
	s3 =	sadd.s32 $0x1600, s3;
	s4 =	ssub.s32 s29, s30  }
0xa: {  	s4 =	smax.u32 s4, $0x1;
	s6 =	sadd.s32 $0x600, s8;
	s8 =	simm.s32 $0x80  }
.LBB2_1:
0xb: {  	s11 =	sadd.s32 $0x0, s6  }
0xc: {  	[tilespmem:s2], [sflag:$0x2] =	stream.linear.gather [hbm4b:s11+s2], $0x80, $0x38;
	[tilespmem:$0x1080] =	vst v63  }
0xd: {  	_ =	swait.ge [sflag:s7], $0x80  }
0xe: {  	[sflag:s7] =	ssyncset.done $0x0  }
0xf: {  	[sflag:s7] =	ssyncadd.s32 $0xFFFFFF80  }
0x10: {  	[tilespmem:s8], [sflag:$0x1] =	stream.indirect.gather [hbm4b:s3+s8], $0x20, s2, s8, $0xb8;
	[tilespmem:$0x1080] =	vst v63  }
0x11: {  	_ =	swait.ge [sflag:s9], $0x1000  }
0x12: {  	[sflag:s9] =	ssyncset.done $0x0  }
0x13: {  	[sflag:s9] =	ssyncadd.s32 $0xFFFFF000  }
0x14: {  	[hbm4b:s5+s2] =	stream.linear.scatter [tilespmem:s8], [sflag:$0x2], $0x1000, $0x38;
	[tilespmem:$0x1080] =	vst v63  }
0x15: {  	s12 =	simm.s32 $0x10;
	_ =	swait.ge [sflag:s7], $0x1000  }
0x16: {  	s13 =	simm.s32 $0x20;
	s11 =	sadd.s32 $0x200, s5;
	[sflag:s7] =	ssyncset.done $0x0  }
.LBB2_2:
0x17: {  	s14 =	sadd.s32 s12, s6  }
0x18: {  	[sflag:s7] =	ssyncadd.s32 $0xFFFFF000;
	s12 =	smov.u32 s13;
	s15 =	sadd.s32 $0x10, s13  }
0x19: {  	[tilespmem:s2], [sflag:$0x2] =	stream.linear.gather [hbm4b:s14+s2], $0x80, $0x38;
	[tilespmem:$0x1080] =	vst v63  }
0x1a: {  	p0 =	sne.s32 s13, $0x70;
	_ =	swait.ge [sflag:s7], $0x80  }
0x1b: {  	[sflag:s7] =	ssyncset.done $0x0  }
0x1c: {  	[sflag:s7] =	ssyncadd.s32 $0xFFFFFF80  }
0x1d: {  	[tilespmem:s8], [sflag:$0x1] =	stream.indirect.gather [hbm4b:s3+s8], $0x20, s2, s8, $0xb8;
	[tilespmem:$0x1080] =	vst v63  }
0x1e: {  	_ =	swait.ge [sflag:s9], $0x1000  }
.Ltmp0:
0x1f: {  	[sflag:s9] =	ssyncset.done $0x0;
	(pc) =	sbr.rel @p0 .LBB2_2-.Ltmp0, $4  }
0x20: {  	[sflag:s9] =	ssyncadd.s32 $0xFFFFF000  }
0x21: {  	[hbm4b:s11+s2] =	stream.linear.scatter [tilespmem:s8], [sflag:$0x2], $0x1000, $0x38;
	[tilespmem:$0x1080] =	vst v63  }
0x22: {  	_ =	swait.ge [sflag:s7], $0x1000  }
0x23: {  	s13 =	smov.u32 s15;
	s11 =	sadd.s32 $0x200, s11;
	[sflag:s7] =	ssyncset.done $0x0  }
0x24: {  	s12 =	sadd.s32 s12, s6;
	[sflag:s7] =	ssyncadd.s32 $0xFFFFF000  }
0x25: {  	[tilespmem:s2], [sflag:$0x2] =	stream.linear.gather [hbm4b:s12+s2], $0x80, $0x38;
	[tilespmem:$0x1080] =	vst v63  }
0x26: {  	_ =	swait.ge [sflag:s7], $0x80  }
0x27: {  	[sflag:s7] =	ssyncset.done $0x0  }
0x28: {  	[sflag:s7] =	ssyncadd.s32 $0xFFFFFF80  }
0x29: {  	[tilespmem:s8], [sflag:$0x1] =	stream.indirect.gather [hbm4b:s3+s8], $0x20, s2, s8, $0xb8;
	[tilespmem:$0x1080] =	vst v63  }
0x2a: {  	s10 =	sadd.s32 $0x1, s10;
	_ =	swait.ge [sflag:s9], $0x1000  }
0x2b: {  	p0 =	sne.s32 s10, s4;
	[sflag:s9] =	ssyncset.done $0x0  }
.Ltmp1:
0x2c: {  	[sflag:s9] =	ssyncadd.s32 $0xFFFFF000;
	(pc) =	sbr.rel @p0 .LBB2_1-.Ltmp1, $4  }
0x2d: {  	[hbm4b:s11+s2] =	stream.linear.scatter [tilespmem:s8], [sflag:$0x2], $0x1000, $0x38;
	[tilespmem:$0x1080] =	vst v63  }
0x2e: {  	_ =	swait.ge [sflag:s7], $0x1000  }
0x2f: {  	[sflag:s7] =	ssyncset.done $0x0  }
0x30: {  	[sflag:s7] =	ssyncadd.s32 $0xFFFFF000  }
0x31: {  	_ =	sfence.sel $0x180000  }
0x32: {  	[bflag:$0x0] =	sbarrier.arrive $0xFFFF  }
0x33: {  	p0 =	sne.s32 s0, $0x0;
	_ =	strace $0x90000047  }
0x34: {  	s0 =	sadd.s32 @!p0 $0x100000, s1;
	[bflag:$0x2] =	sbarrier.arrive $0xFFFF  }
0x35: {  	[sflag:s0] =	ssyncadd.tile.s32 @!p0 $0x1;
	_ =	shalt  }
.Lfunc_end2:
_tile_overlayer_lowered:
.L_overlay_start_2:
0x36: {  	(tag) =	ssettag $0x2  }
0x37: {  	s0 =	rddreg [dreg:$0x0];
	s2 =	stileid.u32  }
0x38: {  	s1 =	rddreg [dreg:$0x1];
	p0 =	sne.s32 s2, $0x0  }
0x39: {  	s3 =	rddreg [dreg:$0x2];
	[bflag:$0x3] =	sbarrier.arrive $0xFFFF;
	s2 =	simm.s32 @!p0 $0x1C02  }
0x3a: {  	[timem:s3], [sflag:s2] =	dma.local @!p0 [hbm:s0], s1  }
0x3b: {  	s0 =	simm.s32 @!p0 $0x2  }
0x3c: {  	_ =	swait.ge @!p0 [sflag:s0], s1  }
0x3d: {  	s1 =	ssub.s32 @!p0 $0x0, s1;
	[sflag:s0] =	ssyncset.done @!p0 $0x0  }
0x3e: {  	[sflag:s0] =	ssyncadd.s32 @!p0 s1  }
0x3f: {  	[bflag:$0x3] =	sbarrier.arrive $0xFFFF  }
0x40: {  	_ =	shalt  }

// kernel: kernel.8.cloned.1.call-start
scs
__scs_entry_jumppad:
0x0: {  	(pc) =	sbr.rel $0x88, $3  }
0x1: {  	(tag) =	ssettag $0x0;
	lr =	simm.s32 $0x1  }
0x2: {  	[smem:$0x3F9D] =	sst lr;
	_ =	strace $0xD0000000  }
0x3: {  	_ = 	snop  }
0x4: {  	_ = 	snop  }
0x5: {  	_ = 	snop  }
0x6: {  	_ = 	snop  }
0x7: {  	_ = 	snop  }
__scs_overlays_trampoline_lowered:
0x8: {  	[smem:$0x3FAC] =	sst s0  }
0x9: {  	[smem:$0x3FAD] =	sst s1  }
0xa: {  	[smem:$0x3FAE] =	sst s2  }
0xb: {  	[smem:$0x3FAF] =	sst s3  }
0xc: {  	[smem:$0x3FB0] =	sst s4  }
0xd: {  	[smem:$0x3FB1] =	sst s5  }
0xe: {  	[smem:$0x3FB2] =	sst s6  }
0xf: {  	[smem:$0x3FB3] =	sst s7  }
0x10: {  	[smem:$0x3FB4] =	sst s8  }
0x11: {  	[smem:$0x3FB5] =	sst s9;
	s0 =	simm.s32 @!p0 $0x0  }
0x12: {  	s1 =	sld [smem:$0x3F9B];
	s0 =	simm.s32 @p0 $0x1  }
0x13: {  	[smem:$0x3FB6] =	sst s0;
	s0 =	simm.s32 @!p1 $0x0  }
0x14: {  	s2 =	sld [smem:$0x3F9A];
	s0 =	simm.s32 @p1 $0x1  }
0x15: {  	[smem:$0x3FB7] =	sst s0;
	s0 =	simm.s32 @!p2 $0x0  }
0x16: {  	s3 =	sld [smem:$0x3FDB];
	s0 =	simm.s32 @p2 $0x1  }
0x17: {  	s4 =	simm.s32 $0x1BF5;
	[smem:$0x3FB9] =	sst s0  }
0x18: {  	s0 =	sld [smem:$0x3F9C];
	_ =	swait.ge [sflag:s4], $0x0  }
0x19: {  	s7 =	sld [smem:$0x3F9D]  }
0x1a: {  	s8 =	sadd.s32 $0xFFFFE003, lr  }
0x1b: {  	s9 =	sadd.s32 $0xFFFFFEF7, lr;
	s5 =	simm.s32 $0xFFFFFFFF;
	p2 =	slt.u32 s8, $0xFFFFF086  }
0x1c: {  	p1 =	slt.u32 s9, $0xF7A;
	s5 =	simm.s32 @!p2 $0x0  }
0x1d: {  	s5 =	simm.s32 @p1 $0x1;
	p0 =	seq.s32 s7, s2  }
0x1e: {  	s7 =	smul.u32 @!p0 $0xF7A, s2;
	p2 =	seq.s32 @!p0 s5, $0x0  }
0x1f: {  	s9 =	smul.u32 $0xF7A, s1;
	s8 =	simm.s32 @!p0 $0x1BF5;
	p2 =	por !p2, p0  }
0x20: {  	[sflag:s8] =	ssyncset.s32 @!p0 $0xFFFFF086;
	s6 =	sadd.s32 @!p0 s3, s7;
	s7 =	simm.s32 @!p0 $0x108  }
0x21: {  	s3 =	sadd.s32 s3, s9;
	s6 =	sadd.s32 @!p0 $0x88, s6;
	s7 =	simm.s32 @p2 $0x1082  }
0x22: {  	[simem:s7], [sflag:s8] =	dma.local @!p0 [hbm:s6], $0xF7A  }
0x23: {  	s9 =	sor.u32 $0xD0000000, s2;
	s6 =	simm.s32 $0x108;
	_ =	swait.ge @!p0 [sflag:s8], $0x0  }
0x24: {  	s3 =	sadd.s32 $0x88, s3;
	s6 =	simm.s32 @!p1 $0x1082;
	[sflag:s4] =	ssyncset.s32 $0xFFFFF086  }
0x25: {  	[simem:s6], [sflag:s4] =	dma.local [hbm:s3], $0xF7A  }
0x26: {  	[smem:$0x3F9D] =	sst s1;
	(tag) =	ssettag s2;
	_ =	strace s9  }
0x27: {  	s1 =	sld [smem:$0x3FAD]  }
0x28: {  	s2 =	sld [smem:$0x3FAE]  }
0x29: {  	s4 =	sld [smem:$0x3FB0]  }
0x2a: {  	p0 =	seq.s32 s5, $0x0;
	s5 =	sld [smem:$0x3FB1]  }
0x2b: {  	s6 =	sld [smem:$0x3FB2]  }
0x2c: {  	s7 =	sld [smem:$0x3FB3]  }
0x2d: {  	s3 =	simm.s32 $0x108;
	s8 =	sld [smem:$0x3FB4]  }
0x2e: {  	s3 =	simm.s32 @!p0 $0x1082;
	s9 =	sld [smem:$0x3FB5]  }
0x2f: {  	lr =	sadd.s32 s0, s3;
	s0 =	sld [smem:$0x3FAC]  }
0x30: {  	s3 =	sld [smem:$0x3FAF]  }
0x31: {  	[smem:$0x3FB8] =	sst s10  }
0x32: {  	s10 =	sld [smem:$0x3FB6];
	_ =	sdelay $0x3  }
0x33: {  	p0 =	seq.s32 s10, $0x1;
	s10 =	sld [smem:$0x3FB8];
	_ =	sdelay $0x3  }
0x34: {  	[smem:$0x3FB8] =	sst s10  }
0x35: {  	s10 =	sld [smem:$0x3FB7];
	_ =	sdelay $0x3  }
0x36: {  	p1 =	seq.s32 s10, $0x1;
	s10 =	sld [smem:$0x3FB8];
	_ =	sdelay $0x3  }
0x37: {  	[smem:$0x3FB8] =	sst s10  }
0x38: {  	s10 =	sld [smem:$0x3FB9]  }
0x39: {  	_ = 	snop;
	(pc) =	sbr.ind lr, $3  }
0x3a: {  	_ = 	snop  }
0x3b: {  	_ = 	snop  }
0x3c: {  	p2 =	seq.s32 s10, $0x1;
	s10 =	sld [smem:$0x3FB8]  }
0x3d: {  	_ =	shalt  }
0x3e: {  	_ =	shalt  }
0x3f: {  	_ =	shalt  }
0x40: {  	_ =	shalt  }
0x41: {  	_ =	shalt  }
0x42: {  	_ =	shalt  }
0x43: {  	_ =	shalt  }
0x44: {  	_ =	shalt  }
0x45: {  	_ =	shalt  }
0x46: {  	_ =	shalt  }
0x47: {  	_ =	shalt  }
0x48: {  	_ =	shalt  }
0x49: {  	_ =	shalt  }
0x4a: {  	_ =	shalt  }
0x4b: {  	_ =	shalt  }
0x4c: {  	_ =	shalt  }
0x4d: {  	_ =	shalt  }
0x4e: {  	_ =	shalt  }
0x4f: {  	_ =	shalt  }
0x50: {  	_ =	shalt  }
0x51: {  	_ =	shalt  }
0x52: {  	_ =	shalt  }
0x53: {  	_ =	shalt  }
0x54: {  	_ =	shalt  }
0x55: {  	_ =	shalt  }
0x56: {  	_ =	shalt  }
0x57: {  	_ =	shalt  }
0x58: {  	_ =	shalt  }
0x59: {  	_ =	shalt  }
0x5a: {  	_ =	shalt  }
0x5b: {  	_ =	shalt  }
0x5c: {  	_ =	shalt  }
0x5d: {  	_ =	shalt  }
0x5e: {  	_ =	shalt  }
0x5f: {  	_ =	shalt  }
0x60: {  	_ =	shalt  }
0x61: {  	_ =	shalt  }
0x62: {  	_ =	shalt  }
0x63: {  	_ =	shalt  }
0x64: {  	_ =	shalt  }
0x65: {  	_ =	shalt  }
0x66: {  	_ =	shalt  }
0x67: {  	_ =	shalt  }
0x68: {  	_ =	shalt  }
0x69: {  	_ =	shalt  }
0x6a: {  	_ =	shalt  }
0x6b: {  	_ =	shalt  }
0x6c: {  	_ =	shalt  }
0x6d: {  	_ =	shalt  }
0x6e: {  	_ =	shalt  }
0x6f: {  	_ =	shalt  }
0x70: {  	_ =	shalt  }
0x71: {  	_ =	shalt  }
0x72: {  	_ =	shalt  }
0x73: {  	_ =	shalt  }
0x74: {  	_ =	shalt  }
0x75: {  	_ =	shalt  }
0x76: {  	_ =	shalt  }
0x77: {  	_ =	shalt  }
0x78: {  	_ =	shalt  }
0x79: {  	_ =	shalt  }
0x7a: {  	_ =	shalt  }
0x7b: {  	_ =	shalt  }
0x7c: {  	_ =	shalt  }
0x7d: {  	_ =	shalt  }
0x7e: {  	_ =	shalt  }
0x7f: {  	_ =	shalt  }
0x80: {  	_ =	shalt  }
0x81: {  	_ =	shalt  }
0x82: {  	_ =	shalt  }
0x83: {  	_ =	shalt  }
0x84: {  	_ =	shalt  }
0x85: {  	_ =	shalt  }
0x86: {  	_ =	shalt  }
0x87: {  	_ =	shalt  }
.Lfunc_end0:
.L_simem_size_0:
called_computation.1_lowered:
.L_overlay_start_0:
0x88: {  	s2 =	sld [smem:$0x3FD9]  }
0x89: {  	s3 =	sld [smem:$0x3FFE];
	_ =	sdelay $0x1  }
0x8a: {  	s1 =	srdreg.scid  }
0x8b: {  	s0 =	sand.u32 $0x1, s1  }
0x8c: {  	s17 =	sshll.u32 s0, $0xA;
	s2 =	sadd.s32 s3, s2  }
0x8d: {  	s2 =	sadd.s32 s2, s17  }
0x8e: {  	[smem:$0x3FC4] =	sst s2  }
0x8f: {  	_ = 	snop  }
0x90: {  	s2 =	sld [smem:$0x3FD0];
	(tm) =	ssettm $0x1  }
0x91: {  	s18 =	sld [smem:$0x3FFB];
	_ =	sdelay $0x3  }
0x92: {  	_ =	strace s18  }
0x93: {  	s3 =	sld [smem:$0x3FFC];
	_ =	sdelay $0x3  }
0x94: {  	_ =	strace s3  }
0x95: {  	s3 =	sld [smem:$0x3FFD];
	_ =	sdelay $0x3  }
0x96: {  	_ =	strace s3  }
0x97: {  	_ =	strace $0x8FFFFFFF  }
0x98: {  	s19 =	sld [smem:$0x3FDB];
	_ =	sdelay $0x1  }
0x99: {  	s4 =	simm.s32 $_scs_section_size  }
0x9a: {  	s5 =	simm.s32 $_size__tile_overlayer_lowered;
	s6 =	simm.s32 $_tile_overlayer_lowered  }
0x9b: {  	s22 =	simm.s32 $0x1BFF;
	s21 =	sshll.u32 s6, $0x1;
	s3 =	sadd.s32 s4, s19  }
0x9c: {  	s7 =	simm.s32 $0x0;
	s20 =	sshll.u32 s5, $0x1;
	s5 =	sadd.s32 s21, s3  }
0x9d: {  	[timem:s7], [sflag:s22] =	dma.local [hbm:s5], s20  }
0x9e: {  	_ =	swait.ge [sflag:s22], s20  }
0x9f: {  	s4 =	ssub.s32 $0x0, s20;
	[sflag:s22] =	ssyncset.done $0x0  }
0xa0: {  	[sflag:s22] =	ssyncadd.s32 s4;
	_ =	sdelay $0x1  }
0xa1: {  	s23 =	simm.s32 $0x1B8B  }
0xa2: {  	_ =	swait.ge [sflag:s23], $0x1  }
0xa3: {  	[sflag:s23] =	ssyncset.done $0x0  }
0xa4: {  	s25 =	simm.s32 $0x1B8E;
	s24 =	sld [smem:$0x3FFE];
	[sflag:s23] =	ssyncadd.s32 $0xFFFFFFFF  }
0xa5: {  	s26 =	simm.s32 $execute0_lowered;
	[smem:$0x3FD2] =	sst s25  }
0xa6: {  	s5 =	sshll.u32 s26, $0x1;
	_ =	strace $0x80000049;
	[dreg:$0x1] =	wrdreg $0xFFFFFFFF  }
0xa7: {  	s28 =	simm.s32 $_size_execute0_lowered;
	s3 =	sadd.s32 s3, s5;
	[dreg:$0x0] =	wrdreg $0x0  }
0xa8: {  	s5 =	sshll.u32 s28, $0x1;
	[dreg:$0x2] =	wrdreg s3  }
0xa9: {  	[dreg:$0x3] =	wrdreg s5  }
0xaa: {  	[dreg:$0x4] =	wrdreg $0xC0  }
0xab: {  	_ =	task [dreg:s7], $0x5FFFF  }
0xac: {  	[dreg:$0x1] =	wrdreg $0xFFFFFFFF  }
0xad: {  	[dreg:$0x0] =	wrdreg $0x60  }
0xae: {  	[dreg:$0x2] =	wrdreg s24  }
0xaf: {  	[dreg:$0x3] =	wrdreg s2  }
0xb0: {  	[dreg:$0x4] =	wrdreg $0x9  }
0xb1: {  	_ =	task.clear_ibuf [dreg:s7], $0x5FFFF;
	_ =	strace $0x90000049  }
0xb2: {  	s29 =	simm.s32 $0x9;
	_ =	strace $0x8000004B  }
0xb3: {  	_ =	swait.ge [sflag:s29], $0x1  }
0xb4: {  	[sflag:s29] =	ssyncadd.s32 $0xFFFFFFFF  }
0xb5: {  	_ =	strace $0x9000004B  }
0xb6: {  	_ =	sfence  }
0xb7: {  	s30 =	sld [smem:$0x0];
	_ =	sdelay $0x2  }
0xb8: {  	s31 =	sshll.u32 s1, $0xD;
	s1 =	sshrl.u32 s1, $0x2  }
0xb9: {  	s3 =	sand.u32 $0x4000, s31;
	s1 =	sadd.s32 s1, s30  }
0xba: {  	s0 =	sor.u32 s3, s0;
	s1 =	sshll.u32 s1, $0x11  }
0xbb: {  	s0 =	sor.u32 s1, s0  }
0xbc: {  	s0 =	sadd.s32 $0x8F2B, s0  }
0xbd: {  	[sflag:s0] =	ssyncadd.remote.s32 $0x1  }
0xbe: {  	_ =	sfence.sel $0xFFFF  }
0xbf: {  	[dreg:$0x0] =	wrdreg $0xFFFFFFFF;
	(pc) =	sbr.abs _section_cstart, $3  }
0xc0: {  	[dreg:$0x1] =	wrdreg $0xFFFFFFFF  }
0xc1: {  	_ =	task.clear_ibuf [dreg:s7], $0x2FFFF;
	_ =	strace $0x9FFFFFFF  }
0xc2: {  	(tm) =	ssettm $0x7FFFFFFF  }
0xc3: {  	_ =	shalt  }
tec
execute0_lowered:
.L_overlay_start_1:
0x0: {  	(tag) =	ssettag $0x1  }
0x1: {  	s4 =	rddreg [dreg:$0x0]  }
0x2: {  	s6 =	rddreg [dreg:$0x1]  }
0x3: {  	s0 =	rddreg [dreg:$0x2]  }
0x4: {  	s3 =	srdreg.scid;
	s1 =	stileid.u32;
	s2 =	simm.s32 $0x0  }
0x5: {  	s10 =	simm.s32 $0x80;
	s11 =	simm.s32 $0xA000;
	s12 =	simm.s32 $0xA080  }
0x6: {  	s13 =	simm.s32 $0x1;
	s14 =	simm.s32 $0xB080;
	s15 =	simm.s32 $0x0  }
0x7: {  	s5 =	sand.u32 $0x1, s3;
	s31 =	sshll.u32 s1, $0x1;
	[smem:$0x7FF] =	sst s2  }
0x8: {  	s3 =	sadd.s32 $0x600, s4;
	s7 =	sor.u32 s5, s31;
	s5 =	ssub.s32 $0x2, s5  }
0x9: {  	_ =	strace $0x8000004A;
	s8 =	sshll.u32 s7, $0xA;
	s9 =	sshrl.u32 s5, $0x1  }
0xa: {  	s7 =	sshll.u32 s7, $0xC;
	s8 =	sadd.s32 s8, s4;
	s4 =	sadd.s32 $0x28A00, s4  }
0xb: {  	s9 =	ssub.s32 s5, s9;
	s6 =	sadd.s32 s6, s7;
	s5 =	sadd.s32 $0x20A00, s8  }
0xc: {  	s7 =	smax.u32 s9, $0x1;
	s8 =	simm.s32 $0x2;
	s9 =	simm.s32 $0x8000  }
.LBB2_1:
0xd: {  	[tilespmem:s2], [sflag:$0x2] =	stream.linear.gather [hbm4b:s3+s2], $0x8000, $0x38;
	[tilespmem:$0x13080] =	vst v63  }
0xe: {  	_ =	swait.ge [sflag:s8], $0x8000  }
0xf: {  	[sflag:s8] =	ssyncset.done $0x0  }
0x10: {  	[sflag:s8] =	ssyncadd.s32 $0xFFFF8000  }
0x11: {  	[tilespmem:s9], [sflag:$0x2] =	stream.linear.gather [hbm4b:s5+s2], $0x2000, $0x38;
	[tilespmem:$0x13080] =	vst v63  }
0x12: {  	_ =	swait.ge [sflag:s8], $0x2000  }
0x13: {  	[sflag:s8] =	ssyncset.done $0x0  }
0x14: {  	s16 =	simm.s32 $0xB180;
	s17 =	simm.s32 $0x0;
	[sflag:s8] =	ssyncadd.s32 $0xFFFFE000  }
.LBB2_2:
0x15: {  	s18 =	sshra.s32 s17, $0x2  }
0x16: {  	v0 =	vld [tilespmem:s18+$0x8000];
	_ =	sdelay $0x7  }
0x17: {  	v0 =	vld.idx.msk [tilespmem:v0+s2+$0x0], $0xffff;
	_ =	sdelay $0x4  }
0x18: {  	[tilespmem:$0xA000] =	vst v0  }
0x19: {  	v0 =	vld [tilespmem:s18+$0x8010];
	_ =	sdelay $0x7  }
0x1a: {  	v0 =	vld.idx.msk [tilespmem:v0+s2+$0x0], $0xffff;
	_ =	sdelay $0x4  }
0x1b: {  	[tilespmem:$0xA010] =	vst v0  }
0x1c: {  	v0 =	vld [tilespmem:s18+$0x8020];
	_ =	sdelay $0x7  }
0x1d: {  	v0 =	vld.idx.msk [tilespmem:v0+s2+$0x0], $0xffff;
	_ =	sdelay $0x4  }
0x1e: {  	[tilespmem:$0xA020] =	vst v0  }
0x1f: {  	v0 =	vld [tilespmem:s18+$0x8030];
	_ =	sdelay $0x7  }
0x20: {  	v0 =	vld.idx.msk [tilespmem:v0+s2+$0x0], $0xffff;
	_ =	sdelay $0x4  }
0x21: {  	[tilespmem:$0xA030] =	vst v0  }
0x22: {  	v0 =	vld [tilespmem:s18+$0x8040];
	_ =	sdelay $0x7  }
0x23: {  	v0 =	vld.idx.msk [tilespmem:v0+s2+$0x0], $0xffff;
	_ =	sdelay $0x4  }
0x24: {  	[tilespmem:$0xA040] =	vst v0  }
0x25: {  	v0 =	vld [tilespmem:s18+$0x8050];
	_ =	sdelay $0x7  }
0x26: {  	v0 =	vld.idx.msk [tilespmem:v0+s2+$0x0], $0xffff;
	_ =	sdelay $0x4  }
0x27: {  	[tilespmem:$0xA050] =	vst v0  }
0x28: {  	v0 =	vld [tilespmem:s18+$0x8060];
	_ =	sdelay $0x7  }
0x29: {  	v0 =	vld.idx.msk [tilespmem:v0+s2+$0x0], $0xffff;
	_ =	sdelay $0x4  }
0x2a: {  	[tilespmem:$0xA060] =	vst v0  }
0x2b: {  	v0 =	vld [tilespmem:s18+$0x8070];
	_ =	sdelay $0x7  }
0x2c: {  	v0 =	vld.idx.msk [tilespmem:v0+s2+$0x0], $0xffff;
	_ =	sdelay $0x4  }
0x2d: {  	[tilespmem:$0xA070] =	vst v0  }
0x2e: {  	[tilespmem:s12], [sflag:$0x1] =	stream.indirect.gather [hbm4b:s4+s10], $0x20, s11, s10, $0xb8;
	[tilespmem:$0x13080] =	vst v63  }
0x2f: {  	_ =	swait.ge [sflag:s13], $0x1000  }
0x30: {  	[sflag:s13] =	ssyncset.done $0x0  }
0x31: {  	[sflag:s13] =	ssyncadd.s32 $0xFFFFF000  }
0x32: {  	v16 =	vld [tilespmem:$0xA080]  }
0x33: {  	v1 =	vld [tilespmem:$0xA0A0];
	_ =	sdelay $0x1  }
0x34: {  	v2 =	vld [tilespmem:$0xA0C0];
	_ =	sdelay $0x1  }
0x35: {  	v3 =	vld [tilespmem:$0xA0E0]  }
0x36: {  	v0 =	vadd.f32 v1, v16  }
0x37: {  	v17 =	vld [tilespmem:$0xA100]  }
0x38: {  	v0 =	vadd.f32 v2, v0  }
0x39: {  	v18 =	vld [tilespmem:$0xA120]  }
0x3a: {  	v0 =	vadd.f32 v3, v0  }
0x3b: {  	v19 =	vld [tilespmem:$0xA140]  }
0x3c: {  	v0 =	vadd.f32 v17, v0  }
0x3d: {  	v20 =	vld [tilespmem:$0xA160]  }
0x3e: {  	v0 =	vadd.f32 v18, v0;
	_ =	sdelay $0x1  }
0x3f: {  	v0 =	vadd.f32 v19, v0;
	_ =	sdelay $0x1  }
0x40: {  	v0 =	vadd.f32 v20, v0;
	_ =	sdelay $0x1  }
0x41: {  	v0 =	vmul.f32 $1.250000000e-01, v0;
	_ =	sdelay $0x1  }
0x42: {  	[tilespmem:s16+$0xFFFFFF00] =	vst v0  }
0x43: {  	v0 =	vld [tilespmem:$0xA090]  }
0x44: {  	v21 =	vld [tilespmem:$0xA0B0];
	_ =	sdelay $0x1  }
0x45: {  	v22 =	vld [tilespmem:$0xA0D0];
	_ =	sdelay $0x1  }
0x46: {  	v23 =	vld [tilespmem:$0xA0F0]  }
0x47: {  	v0 =	vadd.f32 v21, v0  }
0x48: {  	v24 =	vld [tilespmem:$0xA110]  }
0x49: {  	v0 =	vadd.f32 v22, v0  }
0x4a: {  	v25 =	vld [tilespmem:$0xA130]  }
0x4b: {  	v0 =	vadd.f32 v23, v0  }
0x4c: {  	v26 =	vld [tilespmem:$0xA150]  }
0x4d: {  	v0 =	vadd.f32 v24, v0  }
0x4e: {  	v27 =	vld [tilespmem:$0xA170]  }
0x4f: {  	v0 =	vadd.f32 v25, v0;
	_ =	sdelay $0x1  }
0x50: {  	v0 =	vadd.f32 v26, v0;
	_ =	sdelay $0x1  }
0x51: {  	v0 =	vadd.f32 v27, v0;
	_ =	sdelay $0x1  }
0x52: {  	v0 =	vmul.f32 $1.250000000e-01, v0;
	_ =	sdelay $0x1  }
0x53: {  	[tilespmem:s16+$0xFFFFFF10] =	vst v0  }
0x54: {  	v0 =	vld [tilespmem:$0xA180]  }
0x55: {  	v28 =	vld [tilespmem:$0xA1A0];
	_ =	sdelay $0x1  }
0x56: {  	v29 =	vld [tilespmem:$0xA1C0];
	_ =	sdelay $0x1  }
0x57: {  	v30 =	vld [tilespmem:$0xA1E0]  }
0x58: {  	v0 =	vadd.f32 v28, v0  }
0x59: {  	v31 =	vld [tilespmem:$0xA200]  }
0x5a: {  	v0 =	vadd.f32 v29, v0  }
0x5b: {  	v32 =	vld [tilespmem:$0xA220]  }
0x5c: {  	v0 =	vadd.f32 v30, v0  }
0x5d: {  	v33 =	vld [tilespmem:$0xA240]  }
0x5e: {  	v0 =	vadd.f32 v31, v0  }
0x5f: {  	v34 =	vld [tilespmem:$0xA260]  }
0x60: {  	v0 =	vadd.f32 v32, v0;
	_ =	sdelay $0x1  }
0x61: {  	v0 =	vadd.f32 v33, v0;
	_ =	sdelay $0x1  }
0x62: {  	v0 =	vadd.f32 v34, v0;
	_ =	sdelay $0x1  }
0x63: {  	v0 =	vmul.f32 $1.250000000e-01, v0;
	_ =	sdelay $0x1  }
0x64: {  	[tilespmem:s16+$0xFFFFFF20] =	vst v0  }
0x65: {  	v0 =	vld [tilespmem:$0xA190]  }
0x66: {  	v35 =	vld [tilespmem:$0xA1B0];
	_ =	sdelay $0x1  }
0x67: {  	v36 =	vld [tilespmem:$0xA1D0];
	_ =	sdelay $0x1  }
0x68: {  	v37 =	vld [tilespmem:$0xA1F0]  }
0x69: {  	v0 =	vadd.f32 v35, v0  }
0x6a: {  	v38 =	vld [tilespmem:$0xA210]  }
0x6b: {  	v0 =	vadd.f32 v36, v0  }
0x6c: {  	v39 =	vld [tilespmem:$0xA230]  }
0x6d: {  	v0 =	vadd.f32 v37, v0  }
0x6e: {  	v40 =	vld [tilespmem:$0xA250]  }
0x6f: {  	v0 =	vadd.f32 v38, v0  }
0x70: {  	v41 =	vld [tilespmem:$0xA270]  }
0x71: {  	v0 =	vadd.f32 v39, v0;
	_ =	sdelay $0x1  }
0x72: {  	v0 =	vadd.f32 v40, v0;
	_ =	sdelay $0x1  }
0x73: {  	v0 =	vadd.f32 v41, v0;
	_ =	sdelay $0x1  }
0x74: {  	v0 =	vmul.f32 $1.250000000e-01, v0;
	_ =	sdelay $0x1  }
0x75: {  	[tilespmem:s16+$0xFFFFFF30] =	vst v0  }
0x76: {  	v0 =	vld [tilespmem:$0xA280]  }
0x77: {  	v42 =	vld [tilespmem:$0xA2A0];
	_ =	sdelay $0x1  }
0x78: {  	v43 =	vld [tilespmem:$0xA2C0];
	_ =	sdelay $0x1  }
0x79: {  	v44 =	vld [tilespmem:$0xA2E0]  }
0x7a: {  	v0 =	vadd.f32 v42, v0  }
0x7b: {  	v45 =	vld [tilespmem:$0xA300]  }
0x7c: {  	v0 =	vadd.f32 v43, v0  }
0x7d: {  	v46 =	vld [tilespmem:$0xA320]  }
0x7e: {  	v0 =	vadd.f32 v44, v0  }
0x7f: {  	v47 =	vld [tilespmem:$0xA340]  }
0x80: {  	v0 =	vadd.f32 v45, v0  }
0x81: {  	v48 =	vld [tilespmem:$0xA360]  }
0x82: {  	v0 =	vadd.f32 v46, v0;
	_ =	sdelay $0x1  }
0x83: {  	v0 =	vadd.f32 v47, v0;
	_ =	sdelay $0x1  }
0x84: {  	v0 =	vadd.f32 v48, v0;
	_ =	sdelay $0x1  }
0x85: {  	v0 =	vmul.f32 $1.250000000e-01, v0;
	_ =	sdelay $0x1  }
0x86: {  	[tilespmem:s16+$0xFFFFFF40] =	vst v0  }
0x87: {  	v0 =	vld [tilespmem:$0xA290]  }
0x88: {  	v49 =	vld [tilespmem:$0xA2B0];
	_ =	sdelay $0x1  }
0x89: {  	v50 =	vld [tilespmem:$0xA2D0];
	_ =	sdelay $0x1  }
0x8a: {  	v51 =	vld [tilespmem:$0xA2F0]  }
0x8b: {  	v0 =	vadd.f32 v49, v0  }
0x8c: {  	v52 =	vld [tilespmem:$0xA310]  }
0x8d: {  	v0 =	vadd.f32 v50, v0  }
0x8e: {  	v53 =	vld [tilespmem:$0xA330]  }
0x8f: {  	v0 =	vadd.f32 v51, v0  }
0x90: {  	v54 =	vld [tilespmem:$0xA350]  }
0x91: {  	v0 =	vadd.f32 v52, v0  }
0x92: {  	v55 =	vld [tilespmem:$0xA370]  }
0x93: {  	v0 =	vadd.f32 v53, v0;
	_ =	sdelay $0x1  }
0x94: {  	v0 =	vadd.f32 v54, v0;
	_ =	sdelay $0x1  }
0x95: {  	v0 =	vadd.f32 v55, v0;
	_ =	sdelay $0x1  }
0x96: {  	v0 =	vmul.f32 $1.250000000e-01, v0;
	_ =	sdelay $0x1  }
0x97: {  	[tilespmem:s16+$0xFFFFFF50] =	vst v0  }
0x98: {  	v0 =	vld [tilespmem:$0xA380]  }
0x99: {  	v56 =	vld [tilespmem:$0xA3A0];
	_ =	sdelay $0x1  }
0x9a: {  	v57 =	vld [tilespmem:$0xA3C0];
	_ =	sdelay $0x1  }
0x9b: {  	v58 =	vld [tilespmem:$0xA3E0]  }
0x9c: {  	v0 =	vadd.f32 v56, v0  }
0x9d: {  	v59 =	vld [tilespmem:$0xA400]  }
0x9e: {  	v0 =	vadd.f32 v57, v0  }
0x9f: {  	v60 =	vld [tilespmem:$0xA420]  }
0xa0: {  	v0 =	vadd.f32 v58, v0  }
0xa1: {  	v61 =	vld [tilespmem:$0xA440]  }
0xa2: {  	v0 =	vadd.f32 v59, v0  }
0xa3: {  	v62 =	vld [tilespmem:$0xA460]  }
0xa4: {  	v0 =	vadd.f32 v60, v0;
	_ =	sdelay $0x1  }
0xa5: {  	v0 =	vadd.f32 v61, v0;
	_ =	sdelay $0x1  }
0xa6: {  	v0 =	vadd.f32 v62, v0;
	_ =	sdelay $0x1  }
0xa7: {  	v0 =	vmul.f32 $1.250000000e-01, v0;
	_ =	sdelay $0x1  }
0xa8: {  	[tilespmem:s16+$0xFFFFFF60] =	vst v0  }
0xa9: {  	v0 =	vld [tilespmem:$0xA390]  }
0xaa: {  	v63 =	vld [tilespmem:$0xA3B0];
	_ =	sdelay $0x1  }
0xab: {  	v6 =	vld [tilespmem:$0xA3D0];
	_ =	sdelay $0x1  }
0xac: {  	v7 =	vld [tilespmem:$0xA3F0]  }
0xad: {  	v0 =	vadd.f32 v63, v0  }
0xae: {  	v8 =	vld [tilespmem:$0xA410]  }
0xaf: {  	v0 =	vadd.f32 v6, v0  }
0xb0: {  	v9 =	vld [tilespmem:$0xA430]  }
0xb1: {  	v0 =	vadd.f32 v7, v0  }
0xb2: {  	v10 =	vld [tilespmem:$0xA450]  }
0xb3: {  	v0 =	vadd.f32 v8, v0  }
0xb4: {  	v11 =	vld [tilespmem:$0xA470]  }
0xb5: {  	v0 =	vadd.f32 v9, v0;
	_ =	sdelay $0x1  }
0xb6: {  	v0 =	vadd.f32 v10, v0;
	_ =	sdelay $0x1  }
0xb7: {  	v0 =	vadd.f32 v11, v0;
	_ =	sdelay $0x1  }
0xb8: {  	v0 =	vmul.f32 $1.250000000e-01, v0;
	_ =	sdelay $0x1  }
0xb9: {  	[tilespmem:s16+$0xFFFFFF70] =	vst v0  }
0xba: {  	v0 =	vld [tilespmem:$0xA480]  }
0xbb: {  	v12 =	vld [tilespmem:$0xA4A0];
	_ =	sdelay $0x1  }
0xbc: {  	v13 =	vld [tilespmem:$0xA4C0];
	_ =	sdelay $0x1  }
0xbd: {  	v14 =	vld [tilespmem:$0xA4E0]  }
0xbe: {  	v0 =	vadd.f32 v12, v0  }
0xbf: {  	v15 =	vld [tilespmem:$0xA500]  }
0xc0: {  	v0 =	vadd.f32 v13, v0  }
0xc1: {  	v16 =	vld [tilespmem:$0xA520]  }
0xc2: {  	v0 =	vadd.f32 v14, v0  }
0xc3: {  	v17 =	vld [tilespmem:$0xA540]  }
0xc4: {  	v0 =	vadd.f32 v15, v0  }
0xc5: {  	v18 =	vld [tilespmem:$0xA560]  }
0xc6: {  	v0 =	vadd.f32 v16, v0;
	_ =	sdelay $0x1  }
0xc7: {  	v0 =	vadd.f32 v17, v0;
	_ =	sdelay $0x1  }
0xc8: {  	v0 =	vadd.f32 v18, v0;
	_ =	sdelay $0x1  }
0xc9: {  	v0 =	vmul.f32 $1.250000000e-01, v0;
	_ =	sdelay $0x1  }
0xca: {  	[tilespmem:s16+$0xFFFFFF80] =	vst v0  }
0xcb: {  	v0 =	vld [tilespmem:$0xA490]  }
0xcc: {  	v19 =	vld [tilespmem:$0xA4B0];
	_ =	sdelay $0x1  }
0xcd: {  	v20 =	vld [tilespmem:$0xA4D0];
	_ =	sdelay $0x1  }
0xce: {  	v21 =	vld [tilespmem:$0xA4F0]  }
0xcf: {  	v0 =	vadd.f32 v19, v0  }
0xd0: {  	v22 =	vld [tilespmem:$0xA510]  }
0xd1: {  	v0 =	vadd.f32 v20, v0  }
0xd2: {  	v23 =	vld [tilespmem:$0xA530]  }
0xd3: {  	v0 =	vadd.f32 v21, v0  }
0xd4: {  	v24 =	vld [tilespmem:$0xA550]  }
0xd5: {  	v0 =	vadd.f32 v22, v0  }
0xd6: {  	v25 =	vld [tilespmem:$0xA570]  }
0xd7: {  	v0 =	vadd.f32 v23, v0;
	_ =	sdelay $0x1  }
0xd8: {  	v0 =	vadd.f32 v24, v0;
	_ =	sdelay $0x1  }
0xd9: {  	v0 =	vadd.f32 v25, v0;
	_ =	sdelay $0x1  }
0xda: {  	v0 =	vmul.f32 $1.250000000e-01, v0;
	_ =	sdelay $0x1  }
0xdb: {  	[tilespmem:s16+$0xFFFFFF90] =	vst v0  }
0xdc: {  	v0 =	vld [tilespmem:$0xA580]  }
0xdd: {  	v26 =	vld [tilespmem:$0xA5A0];
	_ =	sdelay $0x1  }
0xde: {  	v27 =	vld [tilespmem:$0xA5C0];
	_ =	sdelay $0x1  }
0xdf: {  	v28 =	vld [tilespmem:$0xA5E0]  }
0xe0: {  	v0 =	vadd.f32 v26, v0  }
0xe1: {  	v29 =	vld [tilespmem:$0xA600]  }
0xe2: {  	v0 =	vadd.f32 v27, v0  }
0xe3: {  	v30 =	vld [tilespmem:$0xA620]  }
0xe4: {  	v0 =	vadd.f32 v28, v0  }
0xe5: {  	v31 =	vld [tilespmem:$0xA640]  }
0xe6: {  	v0 =	vadd.f32 v29, v0  }
0xe7: {  	v32 =	vld [tilespmem:$0xA660]  }
0xe8: {  	v0 =	vadd.f32 v30, v0;
	_ =	sdelay $0x1  }
0xe9: {  	v0 =	vadd.f32 v31, v0;
	_ =	sdelay $0x1  }
0xea: {  	v0 =	vadd.f32 v32, v0;
	_ =	sdelay $0x1  }
0xeb: {  	v0 =	vmul.f32 $1.250000000e-01, v0;
	_ =	sdelay $0x1  }
0xec: {  	[tilespmem:s16+$0xFFFFFFA0] =	vst v0  }
0xed: {  	v0 =	vld [tilespmem:$0xA590]  }
0xee: {  	v33 =	vld [tilespmem:$0xA5B0];
	_ =	sdelay $0x1  }
0xef: {  	v34 =	vld [tilespmem:$0xA5D0];
	_ =	sdelay $0x1  }
0xf0: {  	v35 =	vld [tilespmem:$0xA5F0]  }
0xf1: {  	v0 =	vadd.f32 v33, v0  }
0xf2: {  	v36 =	vld [tilespmem:$0xA610]  }
0xf3: {  	v0 =	vadd.f32 v34, v0  }
0xf4: {  	v37 =	vld [tilespmem:$0xA630]  }
0xf5: {  	v0 =	vadd.f32 v35, v0  }
0xf6: {  	v38 =	vld [tilespmem:$0xA650]  }
0xf7: {  	v0 =	vadd.f32 v36, v0  }
0xf8: {  	v39 =	vld [tilespmem:$0xA670]  }
0xf9: {  	v0 =	vadd.f32 v37, v0;
	_ =	sdelay $0x1  }
0xfa: {  	v0 =	vadd.f32 v38, v0;
	_ =	sdelay $0x1  }
0xfb: {  	v0 =	vadd.f32 v39, v0;
	_ =	sdelay $0x1  }
0xfc: {  	v0 =	vmul.f32 $1.250000000e-01, v0;
	_ =	sdelay $0x1  }
0xfd: {  	[tilespmem:s16+$0xFFFFFFB0] =	vst v0  }
0xfe: {  	v0 =	vld [tilespmem:$0xA680]  }
0xff: {  	v40 =	vld [tilespmem:$0xA6A0];
	_ =	sdelay $0x1  }
0x100: {  	v41 =	vld [tilespmem:$0xA6C0];
	_ =	sdelay $0x1  }
0x101: {  	v42 =	vld [tilespmem:$0xA6E0]  }
0x102: {  	v0 =	vadd.f32 v40, v0  }
0x103: {  	v43 =	vld [tilespmem:$0xA700]  }
0x104: {  	v0 =	vadd.f32 v41, v0  }
0x105: {  	v44 =	vld [tilespmem:$0xA720]  }
0x106: {  	v0 =	vadd.f32 v42, v0  }
0x107: {  	v45 =	vld [tilespmem:$0xA740]  }
0x108: {  	v0 =	vadd.f32 v43, v0  }
0x109: {  	v46 =	vld [tilespmem:$0xA760]  }
0x10a: {  	v0 =	vadd.f32 v44, v0;
	_ =	sdelay $0x1  }
0x10b: {  	v0 =	vadd.f32 v45, v0;
	_ =	sdelay $0x1  }
0x10c: {  	v0 =	vadd.f32 v46, v0;
	_ =	sdelay $0x1  }
0x10d: {  	v0 =	vmul.f32 $1.250000000e-01, v0;
	_ =	sdelay $0x1  }
0x10e: {  	[tilespmem:s16+$0xFFFFFFC0] =	vst v0  }
0x10f: {  	v0 =	vld [tilespmem:$0xA690]  }
0x110: {  	v47 =	vld [tilespmem:$0xA6B0];
	_ =	sdelay $0x1  }
0x111: {  	v48 =	vld [tilespmem:$0xA6D0];
	_ =	sdelay $0x1  }
0x112: {  	v49 =	vld [tilespmem:$0xA6F0]  }
0x113: {  	v0 =	vadd.f32 v47, v0  }
0x114: {  	v50 =	vld [tilespmem:$0xA710]  }
0x115: {  	v0 =	vadd.f32 v48, v0  }
0x116: {  	v51 =	vld [tilespmem:$0xA730]  }
0x117: {  	v0 =	vadd.f32 v49, v0  }
0x118: {  	v52 =	vld [tilespmem:$0xA750]  }
0x119: {  	v0 =	vadd.f32 v50, v0  }
0x11a: {  	v53 =	vld [tilespmem:$0xA770]  }
0x11b: {  	v0 =	vadd.f32 v51, v0;
	_ =	sdelay $0x1  }
0x11c: {  	v0 =	vadd.f32 v52, v0;
	_ =	sdelay $0x1  }
0x11d: {  	v0 =	vadd.f32 v53, v0;
	_ =	sdelay $0x1  }
0x11e: {  	v0 =	vmul.f32 $1.250000000e-01, v0;
	_ =	sdelay $0x1  }
0x11f: {  	[tilespmem:s16+$0xFFFFFFD0] =	vst v0  }
0x120: {  	v0 =	vld [tilespmem:$0xA780]  }
0x121: {  	v54 =	vld [tilespmem:$0xA7A0];
	_ =	sdelay $0x1  }
0x122: {  	v55 =	vld [tilespmem:$0xA7C0];
	_ =	sdelay $0x1  }
0x123: {  	v56 =	vld [tilespmem:$0xA7E0]  }
0x124: {  	v0 =	vadd.f32 v54, v0  }
0x125: {  	v57 =	vld [tilespmem:$0xA800]  }
0x126: {  	v0 =	vadd.f32 v55, v0  }
0x127: {  	v58 =	vld [tilespmem:$0xA820]  }
0x128: {  	v0 =	vadd.f32 v56, v0  }
0x129: {  	v59 =	vld [tilespmem:$0xA840]  }
0x12a: {  	v0 =	vadd.f32 v57, v0  }
0x12b: {  	v60 =	vld [tilespmem:$0xA860]  }
0x12c: {  	v0 =	vadd.f32 v58, v0;
	_ =	sdelay $0x1  }
0x12d: {  	v0 =	vadd.f32 v59, v0;
	_ =	sdelay $0x1  }
0x12e: {  	v0 =	vadd.f32 v60, v0;
	_ =	sdelay $0x1  }
0x12f: {  	v0 =	vmul.f32 $1.250000000e-01, v0;
	_ =	sdelay $0x1  }
0x130: {  	[tilespmem:s16+$0xFFFFFFE0] =	vst v0  }
0x131: {  	v0 =	vld [tilespmem:$0xA790]  }
0x132: {  	v61 =	vld [tilespmem:$0xA7B0];
	_ =	sdelay $0x1  }
0x133: {  	v62 =	vld [tilespmem:$0xA7D0];
	_ =	sdelay $0x1  }
0x134: {  	v63 =	vld [tilespmem:$0xA7F0]  }
0x135: {  	v0 =	vadd.f32 v61, v0  }
0x136: {  	v6 =	vld [tilespmem:$0xA810]  }
0x137: {  	v0 =	vadd.f32 v62, v0  }
0x138: {  	v7 =	vld [tilespmem:$0xA830]  }
0x139: {  	v0 =	vadd.f32 v63, v0  }
0x13a: {  	v8 =	vld [tilespmem:$0xA850]  }
0x13b: {  	v0 =	vadd.f32 v6, v0  }
0x13c: {  	v9 =	vld [tilespmem:$0xA870]  }
0x13d: {  	v0 =	vadd.f32 v7, v0;
	_ =	sdelay $0x1  }
0x13e: {  	v0 =	vadd.f32 v8, v0;
	_ =	sdelay $0x1  }
0x13f: {  	v0 =	vadd.f32 v9, v0;
	_ =	sdelay $0x1  }
0x140: {  	v0 =	vmul.f32 $1.250000000e-01, v0;
	_ =	sdelay $0x1  }
0x141: {  	[tilespmem:s16+$0xFFFFFFF0] =	vst v0  }
0x142: {  	v0 =	vld [tilespmem:$0xA880]  }
0x143: {  	v10 =	vld [tilespmem:$0xA8A0];
	_ =	sdelay $0x1  }
0x144: {  	v11 =	vld [tilespmem:$0xA8C0];
	_ =	sdelay $0x1  }
0x145: {  	v12 =	vld [tilespmem:$0xA8E0]  }
0x146: {  	v0 =	vadd.f32 v10, v0  }
0x147: {  	v13 =	vld [tilespmem:$0xA900]  }
0x148: {  	v0 =	vadd.f32 v11, v0  }
0x149: {  	v14 =	vld [tilespmem:$0xA920]  }
0x14a: {  	v0 =	vadd.f32 v12, v0  }
0x14b: {  	v15 =	vld [tilespmem:$0xA940]  }
0x14c: {  	v0 =	vadd.f32 v13, v0  }
0x14d: {  	v16 =	vld [tilespmem:$0xA960]  }
0x14e: {  	v0 =	vadd.f32 v14, v0;
	_ =	sdelay $0x1  }
0x14f: {  	v0 =	vadd.f32 v15, v0;
	_ =	sdelay $0x1  }
0x150: {  	v0 =	vadd.f32 v16, v0;
	_ =	sdelay $0x1  }
0x151: {  	v0 =	vmul.f32 $1.250000000e-01, v0;
	_ =	sdelay $0x1  }
0x152: {  	[tilespmem:s16+$0x0] =	vst v0  }
0x153: {  	v0 =	vld [tilespmem:$0xA890]  }
0x154: {  	v17 =	vld [tilespmem:$0xA8B0];
	_ =	sdelay $0x1  }
0x155: {  	v18 =	vld [tilespmem:$0xA8D0];
	_ =	sdelay $0x1  }
0x156: {  	v19 =	vld [tilespmem:$0xA8F0]  }
0x157: {  	v0 =	vadd.f32 v17, v0  }
0x158: {  	v20 =	vld [tilespmem:$0xA910]  }
0x159: {  	v0 =	vadd.f32 v18, v0  }
0x15a: {  	v21 =	vld [tilespmem:$0xA930]  }
0x15b: {  	v0 =	vadd.f32 v19, v0  }
0x15c: {  	v22 =	vld [tilespmem:$0xA950]  }
0x15d: {  	v0 =	vadd.f32 v20, v0  }
0x15e: {  	v23 =	vld [tilespmem:$0xA970]  }
0x15f: {  	v0 =	vadd.f32 v21, v0;
	_ =	sdelay $0x1  }
0x160: {  	v0 =	vadd.f32 v22, v0;
	_ =	sdelay $0x1  }
0x161: {  	v0 =	vadd.f32 v23, v0;
	_ =	sdelay $0x1  }
0x162: {  	v0 =	vmul.f32 $1.250000000e-01, v0;
	_ =	sdelay $0x1  }
0x163: {  	[tilespmem:s16+$0x10] =	vst v0  }
0x164: {  	v0 =	vld [tilespmem:$0xA980]  }
0x165: {  	v24 =	vld [tilespmem:$0xA9A0];
	_ =	sdelay $0x1  }
0x166: {  	v25 =	vld [tilespmem:$0xA9C0];
	_ =	sdelay $0x1  }
0x167: {  	v26 =	vld [tilespmem:$0xA9E0]  }
0x168: {  	v0 =	vadd.f32 v24, v0  }
0x169: {  	v27 =	vld [tilespmem:$0xAA00]  }
0x16a: {  	v0 =	vadd.f32 v25, v0  }
0x16b: {  	v28 =	vld [tilespmem:$0xAA20]  }
0x16c: {  	v0 =	vadd.f32 v26, v0  }
0x16d: {  	v29 =	vld [tilespmem:$0xAA40]  }
0x16e: {  	v0 =	vadd.f32 v27, v0  }
0x16f: {  	v30 =	vld [tilespmem:$0xAA60]  }
0x170: {  	v0 =	vadd.f32 v28, v0;
	_ =	sdelay $0x1  }
0x171: {  	v0 =	vadd.f32 v29, v0;
	_ =	sdelay $0x1  }
0x172: {  	v0 =	vadd.f32 v30, v0;
	_ =	sdelay $0x1  }
0x173: {  	v0 =	vmul.f32 $1.250000000e-01, v0;
	_ =	sdelay $0x1  }
0x174: {  	[tilespmem:s16+$0x20] =	vst v0  }
0x175: {  	v0 =	vld [tilespmem:$0xA990]  }
0x176: {  	v31 =	vld [tilespmem:$0xA9B0];
	_ =	sdelay $0x1  }
0x177: {  	v32 =	vld [tilespmem:$0xA9D0];
	_ =	sdelay $0x1  }
0x178: {  	v33 =	vld [tilespmem:$0xA9F0]  }
0x179: {  	v0 =	vadd.f32 v31, v0  }
0x17a: {  	v34 =	vld [tilespmem:$0xAA10]  }
0x17b: {  	v0 =	vadd.f32 v32, v0  }
0x17c: {  	v35 =	vld [tilespmem:$0xAA30]  }
0x17d: {  	v0 =	vadd.f32 v33, v0  }
0x17e: {  	v36 =	vld [tilespmem:$0xAA50]  }
0x17f: {  	v0 =	vadd.f32 v34, v0  }
0x180: {  	v37 =	vld [tilespmem:$0xAA70]  }
0x181: {  	v0 =	vadd.f32 v35, v0;
	_ =	sdelay $0x1  }
0x182: {  	v0 =	vadd.f32 v36, v0;
	_ =	sdelay $0x1  }
0x183: {  	v0 =	vadd.f32 v37, v0;
	_ =	sdelay $0x1  }
0x184: {  	v0 =	vmul.f32 $1.250000000e-01, v0;
	_ =	sdelay $0x1  }
0x185: {  	[tilespmem:s16+$0x30] =	vst v0  }
0x186: {  	v0 =	vld [tilespmem:$0xAA80]  }
0x187: {  	v38 =	vld [tilespmem:$0xAAA0];
	_ =	sdelay $0x1  }
0x188: {  	v39 =	vld [tilespmem:$0xAAC0];
	_ =	sdelay $0x1  }
0x189: {  	v40 =	vld [tilespmem:$0xAAE0]  }
0x18a: {  	v0 =	vadd.f32 v38, v0  }
0x18b: {  	v41 =	vld [tilespmem:$0xAB00]  }
0x18c: {  	v0 =	vadd.f32 v39, v0  }
0x18d: {  	v42 =	vld [tilespmem:$0xAB20]  }
0x18e: {  	v0 =	vadd.f32 v40, v0  }
0x18f: {  	v43 =	vld [tilespmem:$0xAB40]  }
0x190: {  	v0 =	vadd.f32 v41, v0  }
0x191: {  	v44 =	vld [tilespmem:$0xAB60]  }
0x192: {  	v0 =	vadd.f32 v42, v0;
	_ =	sdelay $0x1  }
0x193: {  	v0 =	vadd.f32 v43, v0;
	_ =	sdelay $0x1  }
0x194: {  	v0 =	vadd.f32 v44, v0;
	_ =	sdelay $0x1  }
0x195: {  	v0 =	vmul.f32 $1.250000000e-01, v0;
	_ =	sdelay $0x1  }
0x196: {  	[tilespmem:s16+$0x40] =	vst v0  }
0x197: {  	v0 =	vld [tilespmem:$0xAA90]  }
0x198: {  	v45 =	vld [tilespmem:$0xAAB0];
	_ =	sdelay $0x1  }
0x199: {  	v46 =	vld [tilespmem:$0xAAD0];
	_ =	sdelay $0x1  }
0x19a: {  	v47 =	vld [tilespmem:$0xAAF0]  }
0x19b: {  	v0 =	vadd.f32 v45, v0  }
0x19c: {  	v48 =	vld [tilespmem:$0xAB10]  }
0x19d: {  	v0 =	vadd.f32 v46, v0  }
0x19e: {  	v49 =	vld [tilespmem:$0xAB30]  }
0x19f: {  	v0 =	vadd.f32 v47, v0  }
0x1a0: {  	v50 =	vld [tilespmem:$0xAB50]  }
0x1a1: {  	v0 =	vadd.f32 v48, v0  }
0x1a2: {  	v51 =	vld [tilespmem:$0xAB70]  }
0x1a3: {  	v0 =	vadd.f32 v49, v0;
	_ =	sdelay $0x1  }
0x1a4: {  	v0 =	vadd.f32 v50, v0;
	_ =	sdelay $0x1  }
0x1a5: {  	v0 =	vadd.f32 v51, v0;
	_ =	sdelay $0x1  }
0x1a6: {  	v0 =	vmul.f32 $1.250000000e-01, v0;
	_ =	sdelay $0x1  }
0x1a7: {  	[tilespmem:s16+$0x50] =	vst v0  }
0x1a8: {  	v0 =	vld [tilespmem:$0xAB80]  }
0x1a9: {  	v52 =	vld [tilespmem:$0xABA0];
	_ =	sdelay $0x1  }
0x1aa: {  	v53 =	vld [tilespmem:$0xABC0];
	_ =	sdelay $0x1  }
0x1ab: {  	v54 =	vld [tilespmem:$0xABE0]  }
0x1ac: {  	v0 =	vadd.f32 v52, v0  }
0x1ad: {  	v55 =	vld [tilespmem:$0xAC00]  }
0x1ae: {  	v0 =	vadd.f32 v53, v0  }
0x1af: {  	v56 =	vld [tilespmem:$0xAC20]  }
0x1b0: {  	v0 =	vadd.f32 v54, v0  }
0x1b1: {  	v57 =	vld [tilespmem:$0xAC40]  }
0x1b2: {  	v0 =	vadd.f32 v55, v0  }
0x1b3: {  	v58 =	vld [tilespmem:$0xAC60]  }
0x1b4: {  	v0 =	vadd.f32 v56, v0;
	_ =	sdelay $0x1  }
0x1b5: {  	v0 =	vadd.f32 v57, v0;
	_ =	sdelay $0x1  }
0x1b6: {  	v0 =	vadd.f32 v58, v0;
	_ =	sdelay $0x1  }
0x1b7: {  	v0 =	vmul.f32 $1.250000000e-01, v0;
	_ =	sdelay $0x1  }
0x1b8: {  	[tilespmem:s16+$0x60] =	vst v0  }
0x1b9: {  	v0 =	vld [tilespmem:$0xAB90]  }
0x1ba: {  	v59 =	vld [tilespmem:$0xABB0];
	_ =	sdelay $0x1  }
0x1bb: {  	v60 =	vld [tilespmem:$0xABD0];
	_ =	sdelay $0x1  }
0x1bc: {  	v61 =	vld [tilespmem:$0xABF0]  }
0x1bd: {  	v0 =	vadd.f32 v59, v0  }
0x1be: {  	v62 =	vld [tilespmem:$0xAC10]  }
0x1bf: {  	v0 =	vadd.f32 v60, v0  }
0x1c0: {  	v63 =	vld [tilespmem:$0xAC30]  }
0x1c1: {  	v0 =	vadd.f32 v61, v0  }
0x1c2: {  	v6 =	vld [tilespmem:$0xAC50]  }
0x1c3: {  	v0 =	vadd.f32 v62, v0  }
0x1c4: {  	v7 =	vld [tilespmem:$0xAC70]  }
0x1c5: {  	v0 =	vadd.f32 v63, v0;
	_ =	sdelay $0x1  }
0x1c6: {  	v0 =	vadd.f32 v6, v0;
	_ =	sdelay $0x1  }
0x1c7: {  	v0 =	vadd.f32 v7, v0;
	_ =	sdelay $0x1  }
0x1c8: {  	v0 =	vmul.f32 $1.250000000e-01, v0;
	_ =	sdelay $0x1  }
0x1c9: {  	[tilespmem:s16+$0x70] =	vst v0  }
0x1ca: {  	v0 =	vld [tilespmem:$0xAC80]  }
0x1cb: {  	v8 =	vld [tilespmem:$0xACA0];
	_ =	sdelay $0x1  }
0x1cc: {  	v9 =	vld [tilespmem:$0xACC0];
	_ =	sdelay $0x1  }
0x1cd: {  	v10 =	vld [tilespmem:$0xACE0]  }
0x1ce: {  	v0 =	vadd.f32 v8, v0  }
0x1cf: {  	v11 =	vld [tilespmem:$0xAD00]  }
0x1d0: {  	v0 =	vadd.f32 v9, v0  }
0x1d1: {  	v12 =	vld [tilespmem:$0xAD20]  }
0x1d2: {  	v0 =	vadd.f32 v10, v0  }
0x1d3: {  	v13 =	vld [tilespmem:$0xAD40]  }
0x1d4: {  	v0 =	vadd.f32 v11, v0  }
0x1d5: {  	v14 =	vld [tilespmem:$0xAD60]  }
0x1d6: {  	v0 =	vadd.f32 v12, v0;
	_ =	sdelay $0x1  }
0x1d7: {  	v0 =	vadd.f32 v13, v0;
	_ =	sdelay $0x1  }
0x1d8: {  	v0 =	vadd.f32 v14, v0;
	_ =	sdelay $0x1  }
0x1d9: {  	v0 =	vmul.f32 $1.250000000e-01, v0;
	_ =	sdelay $0x1  }
0x1da: {  	[tilespmem:s16+$0x80] =	vst v0  }
0x1db: {  	v0 =	vld [tilespmem:$0xAC90]  }
0x1dc: {  	v15 =	vld [tilespmem:$0xACB0];
	_ =	sdelay $0x1  }
0x1dd: {  	v16 =	vld [tilespmem:$0xACD0];
	_ =	sdelay $0x1  }
0x1de: {  	v17 =	vld [tilespmem:$0xACF0]  }
0x1df: {  	v0 =	vadd.f32 v15, v0  }
0x1e0: {  	v18 =	vld [tilespmem:$0xAD10]  }
0x1e1: {  	v0 =	vadd.f32 v16, v0  }
0x1e2: {  	v19 =	vld [tilespmem:$0xAD30]  }
0x1e3: {  	v0 =	vadd.f32 v17, v0  }
0x1e4: {  	v20 =	vld [tilespmem:$0xAD50]  }
0x1e5: {  	v0 =	vadd.f32 v18, v0  }
0x1e6: {  	v21 =	vld [tilespmem:$0xAD70]  }
0x1e7: {  	v0 =	vadd.f32 v19, v0;
	_ =	sdelay $0x1  }
0x1e8: {  	v0 =	vadd.f32 v20, v0;
	_ =	sdelay $0x1  }
0x1e9: {  	v0 =	vadd.f32 v21, v0;
	_ =	sdelay $0x1  }
0x1ea: {  	v0 =	vmul.f32 $1.250000000e-01, v0;
	_ =	sdelay $0x1  }
0x1eb: {  	[tilespmem:s16+$0x90] =	vst v0  }
0x1ec: {  	v0 =	vld [tilespmem:$0xAD80]  }
0x1ed: {  	v22 =	vld [tilespmem:$0xADA0];
	_ =	sdelay $0x1  }
0x1ee: {  	v23 =	vld [tilespmem:$0xADC0];
	_ =	sdelay $0x1  }
0x1ef: {  	v24 =	vld [tilespmem:$0xADE0]  }
0x1f0: {  	v0 =	vadd.f32 v22, v0  }
0x1f1: {  	v25 =	vld [tilespmem:$0xAE00]  }
0x1f2: {  	v0 =	vadd.f32 v23, v0  }
0x1f3: {  	v26 =	vld [tilespmem:$0xAE20]  }
0x1f4: {  	v0 =	vadd.f32 v24, v0  }
0x1f5: {  	v27 =	vld [tilespmem:$0xAE40]  }
0x1f6: {  	v0 =	vadd.f32 v25, v0  }
0x1f7: {  	v28 =	vld [tilespmem:$0xAE60]  }
0x1f8: {  	v0 =	vadd.f32 v26, v0;
	_ =	sdelay $0x1  }
0x1f9: {  	v0 =	vadd.f32 v27, v0;
	_ =	sdelay $0x1  }
0x1fa: {  	v0 =	vadd.f32 v28, v0;
	_ =	sdelay $0x1  }
0x1fb: {  	v0 =	vmul.f32 $1.250000000e-01, v0;
	_ =	sdelay $0x1  }
0x1fc: {  	[tilespmem:s16+$0xA0] =	vst v0  }
0x1fd: {  	v0 =	vld [tilespmem:$0xAD90]  }
0x1fe: {  	v29 =	vld [tilespmem:$0xADB0];
	_ =	sdelay $0x1  }
0x1ff: {  	v30 =	vld [tilespmem:$0xADD0];
	_ =	sdelay $0x1  }
0x200: {  	v31 =	vld [tilespmem:$0xADF0]  }
0x201: {  	v0 =	vadd.f32 v29, v0  }
0x202: {  	v32 =	vld [tilespmem:$0xAE10]  }
0x203: {  	v0 =	vadd.f32 v30, v0  }
0x204: {  	v33 =	vld [tilespmem:$0xAE30]  }
0x205: {  	v0 =	vadd.f32 v31, v0  }
0x206: {  	v34 =	vld [tilespmem:$0xAE50]  }
0x207: {  	v0 =	vadd.f32 v32, v0  }
0x208: {  	v35 =	vld [tilespmem:$0xAE70]  }
0x209: {  	v0 =	vadd.f32 v33, v0;
	_ =	sdelay $0x1  }
0x20a: {  	v0 =	vadd.f32 v34, v0;
	_ =	sdelay $0x1  }
0x20b: {  	v0 =	vadd.f32 v35, v0;
	_ =	sdelay $0x1  }
0x20c: {  	v0 =	vmul.f32 $1.250000000e-01, v0;
	_ =	sdelay $0x1  }
0x20d: {  	[tilespmem:s16+$0xB0] =	vst v0  }
0x20e: {  	v0 =	vld [tilespmem:$0xAE80]  }
0x20f: {  	v36 =	vld [tilespmem:$0xAEA0];
	_ =	sdelay $0x1  }
0x210: {  	v37 =	vld [tilespmem:$0xAEC0];
	_ =	sdelay $0x1  }
0x211: {  	v38 =	vld [tilespmem:$0xAEE0]  }
0x212: {  	v0 =	vadd.f32 v36, v0  }
0x213: {  	v39 =	vld [tilespmem:$0xAF00]  }
0x214: {  	v0 =	vadd.f32 v37, v0  }
0x215: {  	v40 =	vld [tilespmem:$0xAF20]  }
0x216: {  	v0 =	vadd.f32 v38, v0  }
0x217: {  	v41 =	vld [tilespmem:$0xAF40]  }
0x218: {  	v0 =	vadd.f32 v39, v0  }
0x219: {  	v42 =	vld [tilespmem:$0xAF60]  }
0x21a: {  	v0 =	vadd.f32 v40, v0;
	_ =	sdelay $0x1  }
0x21b: {  	v0 =	vadd.f32 v41, v0;
	_ =	sdelay $0x1  }
0x21c: {  	v0 =	vadd.f32 v42, v0;
	_ =	sdelay $0x1  }
0x21d: {  	v0 =	vmul.f32 $1.250000000e-01, v0;
	_ =	sdelay $0x1  }
0x21e: {  	[tilespmem:s16+$0xC0] =	vst v0  }
0x21f: {  	v0 =	vld [tilespmem:$0xAE90]  }
0x220: {  	v43 =	vld [tilespmem:$0xAEB0];
	_ =	sdelay $0x1  }
0x221: {  	v44 =	vld [tilespmem:$0xAED0];
	_ =	sdelay $0x1  }
0x222: {  	v45 =	vld [tilespmem:$0xAEF0]  }
0x223: {  	v0 =	vadd.f32 v43, v0  }
0x224: {  	v46 =	vld [tilespmem:$0xAF10]  }
0x225: {  	v0 =	vadd.f32 v44, v0  }
0x226: {  	v47 =	vld [tilespmem:$0xAF30]  }
0x227: {  	v0 =	vadd.f32 v45, v0  }
0x228: {  	v48 =	vld [tilespmem:$0xAF50]  }
0x229: {  	v0 =	vadd.f32 v46, v0  }
0x22a: {  	v49 =	vld [tilespmem:$0xAF70]  }
0x22b: {  	v0 =	vadd.f32 v47, v0;
	_ =	sdelay $0x1  }
0x22c: {  	v0 =	vadd.f32 v48, v0;
	_ =	sdelay $0x1  }
0x22d: {  	v0 =	vadd.f32 v49, v0;
	_ =	sdelay $0x1  }
0x22e: {  	v0 =	vmul.f32 $1.250000000e-01, v0;
	_ =	sdelay $0x1  }
0x22f: {  	[tilespmem:s16+$0xD0] =	vst v0  }
0x230: {  	v0 =	vld [tilespmem:$0xAF80]  }
0x231: {  	v50 =	vld [tilespmem:$0xAFA0];
	_ =	sdelay $0x1  }
0x232: {  	v51 =	vld [tilespmem:$0xAFC0];
	_ =	sdelay $0x1  }
0x233: {  	v52 =	vld [tilespmem:$0xAFE0]  }
0x234: {  	v0 =	vadd.f32 v50, v0  }
0x235: {  	v53 =	vld [tilespmem:$0xB000]  }
0x236: {  	v0 =	vadd.f32 v51, v0  }
0x237: {  	v54 =	vld [tilespmem:$0xB020]  }
0x238: {  	v0 =	vadd.f32 v52, v0  }
0x239: {  	v55 =	vld [tilespmem:$0xB040]  }
0x23a: {  	v0 =	vadd.f32 v53, v0  }
0x23b: {  	v56 =	vld [tilespmem:$0xB060]  }
0x23c: {  	v0 =	vadd.f32 v54, v0;
	_ =	sdelay $0x1  }
0x23d: {  	v0 =	vadd.f32 v55, v0;
	_ =	sdelay $0x1  }
0x23e: {  	v0 =	vadd.f32 v56, v0;
	_ =	sdelay $0x1  }
0x23f: {  	v0 =	vmul.f32 $1.250000000e-01, v0;
	_ =	sdelay $0x1  }
0x240: {  	[tilespmem:s16+$0xE0] =	vst v0  }
0x241: {  	v0 =	vld [tilespmem:$0xAF90]  }
0x242: {  	v57 =	vld [tilespmem:$0xAFB0];
	_ =	sdelay $0x1  }
0x243: {  	v58 =	vld [tilespmem:$0xAFD0];
	_ =	sdelay $0x1  }
0x244: {  	v59 =	vld [tilespmem:$0xAFF0]  }
0x245: {  	v0 =	vadd.f32 v57, v0  }
0x246: {  	v60 =	vld [tilespmem:$0xB010]  }
0x247: {  	v0 =	vadd.f32 v58, v0  }
0x248: {  	v61 =	vld [tilespmem:$0xB030]  }
0x249: {  	v0 =	vadd.f32 v59, v0  }
0x24a: {  	v62 =	vld [tilespmem:$0xB050]  }
0x24b: {  	v0 =	vadd.f32 v60, v0  }
0x24c: {  	v63 =	vld [tilespmem:$0xB070]  }
0x24d: {  	v0 =	vadd.f32 v61, v0;
	_ =	sdelay $0x1  }
0x24e: {  	v0 =	vadd.f32 v62, v0  }
0x24f: {  	p0 =	sne.s32 s17, $0x7E00  }
.Ltmp0:
0x250: {  	v0 =	vadd.f32 v63, v0;
	(pc) =	sbr.rel @p0 .LBB2_2-.Ltmp0, $3  }
0x251: {  	_ = 	snop  }
0x252: {  	v0 =	vmul.f32 $1.250000000e-01, v0;
	_ =	sdelay $0x1  }
0x253: {  	s17 =	sadd.s32 $0x200, s17;
	[tilespmem:s16+$0xF0] =	vst v0;
	s16 =	sadd.s32 $0x200, s16  }
0x254: {  	s15 =	sadd.s32 $0x1, s15  }
0x255: {  	p0 =	sne.s32 s15, s7  }
.Ltmp1:
0x256: {  	_ = 	snop;
	(pc) =	sbr.rel @p0 .LBB2_1-.Ltmp1, $4  }
0x257: {  	[hbm4b:s6+s2] =	stream.linear.scatter [tilespmem:s14], [sflag:$0x2], $0x8000, $0x38;
	[tilespmem:$0x13080] =	vst v63  }
0x258: {  	_ =	swait.ge [sflag:s8], $0x8000  }
0x259: {  	[sflag:s8] =	ssyncset.done $0x0  }
0x25a: {  	[sflag:s8] =	ssyncadd.s32 $0xFFFF8000  }
0x25b: {  	_ =	sfence.sel $0x180000  }
0x25c: {  	[bflag:$0x0] =	sbarrier.arrive $0xFFFF  }
0x25d: {  	p0 =	sne.s32 s1, $0x0;
	_ =	strace $0x9000004A  }
0x25e: {  	s0 =	sadd.s32 @!p0 $0x100000, s0;
	[bflag:$0x2] =	sbarrier.arrive $0xFFFF  }
0x25f: {  	[sflag:s0] =	ssyncadd.tile.s32 @!p0 $0x1;
	_ =	shalt  }
.Lfunc_end2:
_tile_overlayer_lowered:
.L_overlay_start_2:
0x260: {  	(tag) =	ssettag $0x2  }
0x261: {  	s0 =	rddreg [dreg:$0x0];
	s2 =	stileid.u32  }
0x262: {  	s1 =	rddreg [dreg:$0x1];
	p0 =	sne.s32 s2, $0x0  }
0x263: {  	s3 =	rddreg [dreg:$0x2];
	[bflag:$0x3] =	sbarrier.arrive $0xFFFF;
	s2 =	simm.s32 @!p0 $0x1C02  }
0x264: {  	[timem:s3], [sflag:s2] =	dma.local @!p0 [hbm:s0], s1  }
0x265: {  	s0 =	simm.s32 @!p0 $0x2  }
0x266: {  	_ =	swait.ge @!p0 [sflag:s0], s1  }
0x267: {  	s1 =	ssub.s32 @!p0 $0x0, s1;
	[sflag:s0] =	ssyncset.done @!p0 $0x0  }
0x268: {  	[sflag:s0] =	ssyncadd.s32 @!p0 s1  }
0x269: {  	[bflag:$0x3] =	sbarrier.arrive $0xFFFF  }
0x26a: {  	_ =	shalt  }

</sc_bundles>
